<compile_context>
chip_gen: v7x
topology: tpu7x:2x2x1
jax: 0.10.2.dev20260603
libtpu: 0.0.44.dev20260713+nightly
codegen_flags: <defaults>
</compile_context>

<pallas_src>
import functools

import jax
import jax.numpy as jnp
from jax import lax
from jax.experimental import pallas as pl
from jax.experimental.pallas import tpu as pltpu
from jax.experimental.pallas import tpu_sc as plsc

N_NODES = 10000
N_HEDGES = 5000
NNZ = 320000
D = 128

NC = 2
NS = 16
NW = NC * NS
P = NNZ // NW
C = 80
NCH = P // C

DE_PAD = 5120


@functools.cache
def _mesh():
    return plsc.VectorSubcoreMesh(core_axis_name="c", subcore_axis_name="s",
                                  num_cores=NC, num_subcores=NS)


def _hist_body(ni_hbm, hi_hbm, zeros_hbm, ones_hbm, dv_out, de_out,
               dv_sh, de_sh, idx_v, ones_v):
    c = lax.axis_index("c")
    s = lax.axis_index("s")
    wid = c * NS + s

    @pl.when(s == 0)
    def _():
        pltpu.sync_copy(zeros_hbm, dv_sh)

    @pl.when(s == 1)
    def _():
        pltpu.sync_copy(zeros_hbm.at[pl.ds(0, DE_PAD)], de_sh)

    pltpu.sync_copy(ones_hbm, ones_v)
    pltpu.sync_copy(ni_hbm.at[wid], idx_v)
    plsc.subcore_barrier()

    def nbody(j, carry):
        pltpu.sync_copy(ones_v, dv_sh.at[idx_v.at[j]], add=True)
        return carry

    lax.fori_loop(0, NCH, nbody, 0)

    pltpu.sync_copy(hi_hbm.at[wid], idx_v)

    def hbody(j, carry):
        pltpu.sync_copy(ones_v, de_sh.at[idx_v.at[j]], add=True)
        return carry

    lax.fori_loop(0, NCH, hbody, 0)
    plsc.subcore_barrier()

    @pl.when(s == 0)
    def _():
        pltpu.sync_copy(dv_sh, dv_out.at[c])

    @pl.when(s == 1)
    def _():
        pltpu.sync_copy(de_sh, de_out.at[c])


@functools.cache
def _hist():
    return pl.kernel(
        _hist_body,
        out_type=(jax.ShapeDtypeStruct((NC, N_NODES), jnp.float32),
                  jax.ShapeDtypeStruct((NC, DE_PAD), jnp.float32)),
        mesh=_mesh(),
        scratch_types=[
            pltpu.VMEM_SHARED((N_NODES,), jnp.float32),
            pltpu.VMEM_SHARED((DE_PAD,), jnp.float32),
            pltpu.VMEM((NCH, C), jnp.int32),
            pltpu.VMEM((C,), jnp.float32),
        ],
    )


def _matmul_body(x_ref, w_ref, b_ref, xt_ref):
    xt_ref[...] = jnp.dot(x_ref[...], w_ref[...],
                          preferred_element_type=jnp.float32) + b_ref[...]


def _matmul(X, W, b):
    return pl.pallas_call(
        _matmul_body,
        out_shape=jax.ShapeDtypeStruct((N_NODES, D), jnp.float32),
    )(X, W, b)


def _scale_body(xt_ref, dvp_ref, xs_ref, dvis_ref):
    dvp = dvp_ref[...]
    dv = dvp[0] + dvp[1]
    dvis = jnp.where(dv > 0, lax.rsqrt(jnp.maximum(dv, 1e-12)), 0.0)
    xs_ref[...] = xt_ref[...] * dvis[:, None]
    dvis_ref[...] = dvis[None, :]


def _scale(xt, dvp):
    return pl.pallas_call(
        _scale_body,
        out_shape=[
            jax.ShapeDtypeStruct((N_NODES, D), jnp.float32),
            jax.ShapeDtypeStruct((1, N_NODES), jnp.float32),
        ],
    )(xt, dvp)


def _gather_scatter_loop(tab_hbm, acc_sh, gi, si, rows0, rows1, sem0, sem1):
    pltpu.async_copy(tab_hbm.at[gi.at[0]], rows0, sem0)

    def body(i, carry):
        j = 2 * i
        pltpu.async_copy(tab_hbm.at[gi.at[j + 1]], rows1, sem1)
        pltpu.make_async_copy(tab_hbm.at[gi.at[j]], rows0, sem0).wait()
        pltpu.sync_copy(rows0, acc_sh.at[si.at[j]], add=True)
        pltpu.async_copy(tab_hbm.at[gi.at[j + 2]], rows0, sem0)
        pltpu.make_async_copy(tab_hbm.at[gi.at[j + 1]], rows1, sem1).wait()
        pltpu.sync_copy(rows1, acc_sh.at[si.at[j + 1]], add=True)
        return carry

    lax.fori_loop(0, (NCH - 1) // 2, body, 0)
    pltpu.make_async_copy(tab_hbm.at[gi.at[NCH - 1]], rows0, sem0).wait()
    pltpu.sync_copy(rows0, acc_sh.at[si.at[NCH - 1]], add=True)


def _zero_vmem_rows(buf, nrows):
    z = jnp.zeros((16,), jnp.float32)

    def body(r, carry):
        for col in range(D // 16):
            buf[r, pl.ds(col * 16, 16)] = z
        return carry

    lax.fori_loop(0, nrows, body, 0)


def _ranged_copy(mk_src, mk_dst, s, per, total):
    rest = total - (NS - 1) * per

    def chunks(base, n):
        off = 0
        while off < n:
            sz = min(80, n - off)
            pltpu.sync_copy(mk_src(base + off, sz), mk_dst(base + off, sz))
            off += sz

    @pl.when(s < NS - 1)
    def _():
        chunks(s * per, per)

    @pl.when(s == NS - 1)
    def _():
        chunks((NS - 1) * per, rest)


def _edge_body(xs_hbm, ni_hbm, hi_hbm, ef_out,
               ef_sh, idxn, idxh, rows0, rows1, sem0, sem1):
    c = lax.axis_index("c")
    s = lax.axis_index("s")
    wid = c * NS + s

    _zero_vmem_rows(rows0, C)
    _ranged_copy(lambda off, sz: rows0.at[pl.ds(0, sz)],
                 lambda off, sz: ef_sh.at[pl.ds(off, sz)],
                 s, 312, N_HEDGES)
    pltpu.sync_copy(ni_hbm.at[wid], idxn)
    pltpu.sync_copy(hi_hbm.at[wid], idxh)
    plsc.subcore_barrier()
    _gather_scatter_loop(xs_hbm, ef_sh, idxn, idxh, rows0, rows1, sem0, sem1)
    plsc.subcore_barrier()
    _ranged_copy(lambda off, sz: ef_sh.at[pl.ds(off, sz)],
                 lambda off, sz: ef_out.at[c, pl.ds(off, sz)],
                 s, 312, N_HEDGES)


@functools.cache
def _edge_agg():
    return pl.kernel(
        _edge_body,
        out_type=jax.ShapeDtypeStruct((NC, N_HEDGES, D), jnp.float32),
        mesh=_mesh(),
        scratch_types=[
            pltpu.VMEM_SHARED((N_HEDGES, D), jnp.float32),
            pltpu.VMEM((NCH, C), jnp.int32),
            pltpu.VMEM((NCH, C), jnp.int32),
            pltpu.VMEM((C, D), jnp.float32),
            pltpu.VMEM((C, D), jnp.float32),
            pltpu.SemaphoreType.DMA,
            pltpu.SemaphoreType.DMA,
        ],
    )


def _escale_body(efp_ref, dep_ref, ef_ref):
    efp = efp_ref[...]
    dep = dep_ref[...]
    de = (dep[0] + dep[1])[:N_HEDGES]
    dei = jnp.where(de > 0, 1.0 / jnp.maximum(de, 1e-12), 0.0)
    ef_ref[...] = (efp[0] + efp[1]) * dei[:, None]


def _edge_scale(efp, dep):
    return pl.pallas_call(
        _escale_body,
        out_shape=jax.ShapeDtypeStruct((N_HEDGES, D), jnp.float32),
    )(efp, dep)


def _node_body(ef_hbm, ni_hbm, hi_hbm, out_hbm,
               out_sh, idxn, idxh, rows0, rows1, sem0, sem1):
    c = lax.axis_index("c")
    s = lax.axis_index("s")
    wid = c * NS + s

    _zero_vmem_rows(rows0, C)
    _ranged_copy(lambda off, sz: rows0.at[pl.ds(0, sz)],
                 lambda off, sz: out_sh.at[pl.ds(off, sz)],
                 s, 624, N_NODES)
    pltpu.sync_copy(ni_hbm.at[wid], idxn)
    pltpu.sync_copy(hi_hbm.at[wid], idxh)
    plsc.subcore_barrier()

    def body(j, carry):
        pltpu.async_copy(ef_hbm.at[idxh.at[j]], rows0, sem0).wait()
        pltpu.sync_copy(rows0, out_sh.at[idxn.at[j]], add=True)
        return carry

    lax.fori_loop(0, NCH, body, 0)
    plsc.subcore_barrier()
    _ranged_copy(lambda off, sz: out_sh.at[pl.ds(off, sz)],
                 lambda off, sz: out_hbm.at[c, pl.ds(off, sz)],
                 s, 624, N_NODES)


@functools.cache
def _node_agg():
    return pl.kernel(
        _node_body,
        out_type=jax.ShapeDtypeStruct((NC, N_NODES, D), jnp.float32),
        mesh=_mesh(),
        scratch_types=[
            pltpu.VMEM_SHARED((N_NODES, D), jnp.float32),
            pltpu.VMEM((NCH, C), jnp.int32),
            pltpu.VMEM((NCH, C), jnp.int32),
            pltpu.VMEM((C, D), jnp.float32),
            pltpu.VMEM((C, D), jnp.float32),
            pltpu.SemaphoreType.DMA,
            pltpu.SemaphoreType.DMA,
        ],
    )


def _final_body(op_ref, dvis_ref, o_ref):
    op = op_ref[...]
    dvis = dvis_ref[...]
    o_ref[...] = jnp.maximum((op[0] + op[1]) * dvis[0][:, None], 0.0)


def _finalize(outp, dvis):
    return pl.pallas_call(
        _final_body,
        out_shape=jax.ShapeDtypeStruct((N_NODES, D), jnp.float32),
    )(outp, dvis)


def kernel(X, node_idx, hedge_idx, W, b):
    ni3 = node_idx.reshape(NW, NCH, C)
    hi3 = hedge_idx.reshape(NW, NCH, C)

    zeros1d = jnp.zeros((N_NODES,), jnp.float32)
    ones1d = jnp.ones((C,), jnp.float32)
    xt = _matmul(X, W, b.reshape(1, D))
    dvp, dep = _hist()(ni3, hi3, zeros1d, ones1d)
    xs, dvis = _scale(xt, dvp)
    efp = _edge_agg()(xs, ni3, hi3)
    ef = _edge_scale(efp, dep)
    outp = _node_agg()(ef, ni3, hi3)
    return _finalize(outp, dvis)

# --- scband reference (transcript-rebuilt; emitter-appended) ---
"""Pipeline reference for scband-hgnnconv-30760555774072 (READ-ONLY COPY).

The authoritative reference and input builder live on the scoring server;
editing this copy changes nothing except your own understanding.
"""

import jax, jax.numpy as jnp
import numpy as np

N_NODES = 10000
N_HEDGES = 5000
NNZ = 320000
D_IN = 128
D_OUT = 128


def setup_inputs(seed: int = 0) -> dict:
    key = jax.random.key(seed)
    k1, k2, k3, k4, k5 = jax.random.split(key, 5)
    X = jax.random.normal(k1, (N_NODES, D_IN), dtype=jnp.float32)
    node_idx = jax.random.randint(k2, (NNZ,), 0, N_NODES, dtype=jnp.int32)
    hedge_idx = jax.random.randint(k3, (NNZ,), 0, N_HEDGES, dtype=jnp.int32)
    # theta = nn.Linear(in_channels, out_channels, bias=True)
    W = jax.random.normal(k4, (D_IN, D_OUT), dtype=jnp.float32) * 0.05
    b = jax.random.normal(k5, (D_OUT,), dtype=jnp.float32) * 0.01
    return {"X": X, "node_idx": node_idx, "hedge_idx": hedge_idx, "W": W, "b": b}


def reference(X, node_idx, hedge_idx, W, b):
    # theta: linear projection
    Xt = X @ W + b
    # hg.smoothing_with_HGNN: X' = Dv^{-1/2} H De^{-1} H^T Dv^{-1/2} X  (unit hyperedge weights)
    ones = jnp.ones((node_idx.shape[0],), dtype=jnp.float32)
    Dv = jax.ops.segment_sum(ones, node_idx, num_segments=N_NODES)
    De = jax.ops.segment_sum(ones, hedge_idx, num_segments=N_HEDGES)
    dv_inv_sqrt = jnp.where(Dv > 0, jax.lax.rsqrt(jnp.maximum(Dv, 1e-12)), 0.0)
    de_inv = jnp.where(De > 0, 1.0 / jnp.maximum(De, 1e-12), 0.0)
    Xs = Xt * dv_inv_sqrt[:, None]
    # node -> hyperedge aggregation (H^T Dv^{-1/2} X), then De^{-1}
    gathered = Xs[node_idx]
    edge_feat = jax.ops.segment_sum(gathered, hedge_idx, num_segments=N_HEDGES)
    edge_feat = edge_feat * de_inv[:, None]
    # hyperedge -> node aggregation (H ...), then Dv^{-1/2}
    back = edge_feat[hedge_idx]
    out = jax.ops.segment_sum(back, node_idx, num_segments=N_NODES)
    out = out * dv_inv_sqrt[:, None]
    # is_last=False: ReLU (no BN since use_bn=False; dropout is identity in eval)
    return jax.nn.relu(out)

if __name__ == "__main__":
    import jax
    _d = setup_inputs()
    print(jax.jit(kernel)(*tuple(_d.values())))

</pallas_src>

<mosaic_0001>
#map = affine_map<(d0, d1) -> (0, 0, 0)>
#map1 = affine_map<(d0, d1) -> (0)>
#map2 = affine_map<(d0, d1) -> (0, 0)>
module attributes {stable_mosaic.version = 14 : i64} {
  func.func @_hist_body(%arg0: i32, %arg1: i32, %arg2: memref<32x125x80xi32, #tpu.memory_space<hbm>>, %arg3: memref<32x125x80xi32, #tpu.memory_space<hbm>>, %arg4: memref<10000xf32, #tpu.memory_space<hbm>>, %arg5: memref<80xf32, #tpu.memory_space<hbm>>, %arg6: memref<2x10000xf32, #tpu.memory_space<hbm>>, %arg7: memref<2x5120xf32, #tpu.memory_space<hbm>>, %arg8: memref<10000xf32, #tpu.memory_space<vmem_shared>>, %arg9: memref<5120xf32, #tpu.memory_space<vmem_shared>>, %arg10: memref<125x80xi32, #tpu.memory_space<vmem>>, %arg11: memref<80xf32, #tpu.memory_space<vmem>>) attributes {dimension_semantics = [#tpu.dimension_semantics<core_parallel>, #tpu.dimension_semantics<subcore_parallel>], iteration_bounds = array<i64: 2, 16>, scalar_prefetch = 0 : i64, scratch_operands = 4 : i64, tpu.core_type = #tpu.core_type<sc_vector_subcore>, window_params = [{transform_indices = #map}, {transform_indices = #map}, {transform_indices = #map1}, {transform_indices = #map1}, {transform_indices = #map2}, {transform_indices = #map2}]} {
    %mul3A = arith.constant 16 : i32
    %mul3A_0 = arith.muli %arg0, %mul3A : i32
    %add3A = arith.addi %mul3A_0, %arg1 : i32
    %eq3A = arith.constant 0 : i32
    %eq3A_1 = arith.cmpi eq, %arg1, %eq3A : i32
    %convert_element_type3A = arith.extui %eq3A_1 : i1 to i32
    %cond3A = arith.constant 0 : i32
    %cond3A_2 = arith.cmpi ne, %convert_element_type3A, %cond3A : i32
    scf.if %cond3A_2 {
      "tpu.region"() ({
        %run_scoped3A = tpu.sem_alloc : memref<!tpu.dma_semaphore, #tpu.memory_space<semaphore_mem>>
        tpu.enqueue_dma source(%arg4 : memref<10000xf32, #tpu.memory_space<hbm>>) target(%arg8 : memref<10000xf32, #tpu.memory_space<vmem_shared>>) target_semaphore(%run_scoped3A : memref<!tpu.dma_semaphore, #tpu.memory_space<semaphore_mem>>)
        tpu.wait_dma2 semaphore(%run_scoped3A : memref<!tpu.dma_semaphore, #tpu.memory_space<semaphore_mem>>) src(%arg4 : memref<10000xf32, #tpu.memory_space<hbm>>) dst(%arg8 : memref<10000xf32, #tpu.memory_space<vmem_shared>>)
        tpu.yield
      }) : () -> ()
    } else {
    }
    %eq3A_3 = arith.constant 1 : i32
    %eq3A_4 = arith.cmpi eq, %arg1, %eq3A_3 : i32
    %convert_element_type3A_5 = arith.extui %eq3A_4 : i1 to i32
    %cond3A_6 = arith.constant 0 : i32
    %cond3A_7 = arith.cmpi ne, %convert_element_type3A_5, %cond3A_6 : i32
    scf.if %cond3A_7 {
      "tpu.region"() ({
        %run_scoped3A = tpu.sem_alloc : memref<!tpu.dma_semaphore, #tpu.memory_space<semaphore_mem>>
        %dma_start3A = arith.constant 0 : i32
        %dma_start3A_30 = tpu.memref_slice %arg4[%dma_start3A] : memref<10000xf32, #tpu.memory_space<hbm>> -> memref<5120xf32, #tpu.memory_space<hbm>>
        tpu.enqueue_dma source(%dma_start3A_30 : memref<5120xf32, #tpu.memory_space<hbm>>) target(%arg9 : memref<5120xf32, #tpu.memory_space<vmem_shared>>) target_semaphore(%run_scoped3A : memref<!tpu.dma_semaphore, #tpu.memory_space<semaphore_mem>>)
        %dma_wait3A = arith.constant 0 : i32
        %dma_wait3A_31 = tpu.memref_slice %arg4[%dma_wait3A] : memref<10000xf32, #tpu.memory_space<hbm>> -> memref<5120xf32, #tpu.memory_space<hbm>>
        tpu.wait_dma2 semaphore(%run_scoped3A : memref<!tpu.dma_semaphore, #tpu.memory_space<semaphore_mem>>) src(%dma_wait3A_31 : memref<5120xf32, #tpu.memory_space<hbm>>) dst(%arg9 : memref<5120xf32, #tpu.memory_space<vmem_shared>>)
        tpu.yield
      }) : () -> ()
    } else {
    }
    "tpu.region"() ({
      %run_scoped3A = tpu.sem_alloc : memref<!tpu.dma_semaphore, #tpu.memory_space<semaphore_mem>>
      tpu.enqueue_dma source(%arg5 : memref<80xf32, #tpu.memory_space<hbm>>) target(%arg11 : memref<80xf32, #tpu.memory_space<vmem>>) target_semaphore(%run_scoped3A : memref<!tpu.dma_semaphore, #tpu.memory_space<semaphore_mem>>)
      tpu.wait_dma2 semaphore(%run_scoped3A : memref<!tpu.dma_semaphore, #tpu.memory_space<semaphore_mem>>) src(%arg5 : memref<80xf32, #tpu.memory_space<hbm>>) dst(%arg11 : memref<80xf32, #tpu.memory_space<vmem>>)
      tpu.yield
    }) : () -> ()
    "tpu.region"() ({
      %run_scoped3A = tpu.sem_alloc : memref<!tpu.dma_semaphore, #tpu.memory_space<semaphore_mem>>
      %dma_start3A = arith.constant 0 : i32
      %dma_start3A_30 = arith.constant 0 : i32
      %dma_start3A_31 = tpu.memref_slice %arg2[%add3A, %dma_start3A, %dma_start3A_30] : memref<32x125x80xi32, #tpu.memory_space<hbm>> -> memref<1x125x80xi32, #tpu.memory_space<hbm>>
      %dma_start3A_32 = tpu.memref_squeeze %dma_start3A_31 : memref<1x125x80xi32, #tpu.memory_space<hbm>> -> memref<125x80xi32, #tpu.memory_space<hbm>>
      %dma_start3A_33 = arith.constant 0 : i32
      %dma_start3A_34 = arith.constant 0 : i32
      %dma_start3A_35 = tpu.memref_slice %arg2[%add3A, %dma_start3A_33, %dma_start3A_34] : memref<32x125x80xi32, #tpu.memory_space<hbm>> -> memref<1x125x80xi32, #tpu.memory_space<hbm>>
      %dma_start3A_36 = tpu.memref_squeeze %dma_start3A_35 : memref<1x125x80xi32, #tpu.memory_space<hbm>> -> memref<125x80xi32, #tpu.memory_space<hbm>>
      tpu.enqueue_dma source(%dma_start3A_36 : memref<125x80xi32, #tpu.memory_space<hbm>>) target(%arg10 : memref<125x80xi32, #tpu.memory_space<vmem>>) target_semaphore(%run_scoped3A : memref<!tpu.dma_semaphore, #tpu.memory_space<semaphore_mem>>)
      %dma_wait3A = arith.constant 0 : i32
      %dma_wait3A_37 = arith.constant 0 : i32
      %dma_wait3A_38 = tpu.memref_slice %arg2[%add3A, %dma_wait3A, %dma_wait3A_37] : memref<32x125x80xi32, #tpu.memory_space<hbm>> -> memref<1x125x80xi32, #tpu.memory_space<hbm>>
      %dma_wait3A_39 = tpu.memref_squeeze %dma_wait3A_38 : memref<1x125x80xi32, #tpu.memory_space<hbm>> -> memref<125x80xi32, #tpu.memory_space<hbm>>
      %dma_wait3A_40 = arith.constant 0 : i32
      %dma_wait3A_41 = arith.constant 0 : i32
      %dma_wait3A_42 = tpu.memref_slice %arg2[%add3A, %dma_wait3A_40, %dma_wait3A_41] : memref<32x125x80xi32, #tpu.memory_space<hbm>> -> memref<1x125x80xi32, #tpu.memory_space<hbm>>
      %dma_wait3A_43 = tpu.memref_squeeze %dma_wait3A_42 : memref<1x125x80xi32, #tpu.memory_space<hbm>> -> memref<125x80xi32, #tpu.memory_space<hbm>>
      tpu.wait_dma2 semaphore(%run_scoped3A : memref<!tpu.dma_semaphore, #tpu.memory_space<semaphore_mem>>) src(%dma_wait3A_43 : memref<125x80xi32, #tpu.memory_space<hbm>>) dst(%arg10 : memref<125x80xi32, #tpu.memory_space<vmem>>)
      tpu.yield
    }) : () -> ()
    %barrier3A = arith.constant 0 : index
    tpu.barrier barrier_id(%barrier3A)
    %scan3A = arith.constant 0 : i32
    %scan3A_8 = arith.constant 0 : i32
    %scan3A_9 = arith.constant 125 : i32
    %scan3A_10 = arith.addi %scan3A_8, %scan3A_9 : i32
    %scan3A_11 = arith.constant 1 : i32
    scf.for %scan3A_30 = %scan3A_8 to %scan3A_10 step %scan3A_11  : i32 {
      "tpu.region"() ({
        %run_scoped3A = tpu.sem_alloc : memref<!tpu.dma_semaphore, #tpu.memory_space<semaphore_mem>>
        %dma_start3A = arith.constant 0 : i32
        %dma_start3A_31 = tpu.memref_slice %arg10[%scan3A_30, %dma_start3A] : memref<125x80xi32, #tpu.memory_space<vmem>> -> memref<1x80xi32, #tpu.memory_space<vmem>>
        %dma_start3A_32 = tpu.memref_squeeze %dma_start3A_31 : memref<1x80xi32, #tpu.memory_space<vmem>> -> memref<80xi32, #tpu.memory_space<vmem>>
        %dma_start3A_33 = arith.constant 0 : i32
        %dma_start3A_34 = tpu.memref_slice %arg8[%dma_start3A_33] : memref<10000xf32, #tpu.memory_space<vmem_shared>> -> memref<10000xf32, #tpu.memory_space<vmem_shared>>
        tpu.enqueue_indirect_dma source(%arg11 : memref<80xf32, #tpu.memory_space<vmem>>) target(%dma_start3A_34 : memref<10000xf32, #tpu.memory_space<vmem_shared>>) offsets(%dma_start3A_32 : memref<80xi32, #tpu.memory_space<vmem>>) semaphore(%run_scoped3A : memref<!tpu.dma_semaphore, #tpu.memory_space<semaphore_mem>>) {add = true}
        %dma_wait3A = arith.constant 0 : i32
        %dma_wait3A_35 = tpu.memref_slice %arg10[%scan3A_30, %dma_wait3A] : memref<125x80xi32, #tpu.memory_space<vmem>> -> memref<1x80xi32, #tpu.memory_space<vmem>>
        %dma_wait3A_36 = tpu.memref_squeeze %dma_wait3A_35 : memref<1x80xi32, #tpu.memory_space<vmem>> -> memref<80xi32, #tpu.memory_space<vmem>>
        %dma_wait3A_37 = arith.constant 0 : i32
        %dma_wait3A_38 = tpu.memref_slice %arg8[%dma_wait3A_37] : memref<10000xf32, #tpu.memory_space<vmem_shared>> -> memref<10000xf32, #tpu.memory_space<vmem_shared>>
        tpu.wait_indirect_dma semaphore(%run_scoped3A : memref<!tpu.dma_semaphore, #tpu.memory_space<semaphore_mem>>) src(%arg11 : memref<80xf32, #tpu.memory_space<vmem>>) dst(%dma_wait3A_38 : memref<10000xf32, #tpu.memory_space<vmem_shared>>)
        tpu.yield
      }) : () -> ()
    }
    %scan3A_12 = arith.constant 125 : i32
    "tpu.region"() ({
      %run_scoped3A = tpu.sem_alloc : memref<!tpu.dma_semaphore, #tpu.memory_space<semaphore_mem>>
      %dma_start3A = arith.constant 0 : i32
      %dma_start3A_30 = arith.constant 0 : i32
      %dma_start3A_31 = tpu.memref_slice %arg3[%add3A, %dma_start3A, %dma_start3A_30] : memref<32x125x80xi32, #tpu.memory_space<hbm>> -> memref<1x125x80xi32, #tpu.memory_space<hbm>>
      %dma_start3A_32 = tpu.memref_squeeze %dma_start3A_31 : memref<1x125x80xi32, #tpu.memory_space<hbm>> -> memref<125x80xi32, #tpu.memory_space<hbm>>
      %dma_start3A_33 = arith.constant 0 : i32
      %dma_start3A_34 = arith.constant 0 : i32
      %dma_start3A_35 = tpu.memref_slice %arg3[%add3A, %dma_start3A_33, %dma_start3A_34] : memref<32x125x80xi32, #tpu.memory_space<hbm>> -> memref<1x125x80xi32, #tpu.memory_space<hbm>>
      %dma_start3A_36 = tpu.memref_squeeze %dma_start3A_35 : memref<1x125x80xi32, #tpu.memory_space<hbm>> -> memref<125x80xi32, #tpu.memory_space<hbm>>
      tpu.enqueue_dma source(%dma_start3A_36 : memref<125x80xi32, #tpu.memory_space<hbm>>) target(%arg10 : memref<125x80xi32, #tpu.memory_space<vmem>>) target_semaphore(%run_scoped3A : memref<!tpu.dma_semaphore, #tpu.memory_space<semaphore_mem>>)
      %dma_wait3A = arith.constant 0 : i32
      %dma_wait3A_37 = arith.constant 0 : i32
      %dma_wait3A_38 = tpu.memref_slice %arg3[%add3A, %dma_wait3A, %dma_wait3A_37] : memref<32x125x80xi32, #tpu.memory_space<hbm>> -> memref<1x125x80xi32, #tpu.memory_space<hbm>>
      %dma_wait3A_39 = tpu.memref_squeeze %dma_wait3A_38 : memref<1x125x80xi32, #tpu.memory_space<hbm>> -> memref<125x80xi32, #tpu.memory_space<hbm>>
      %dma_wait3A_40 = arith.constant 0 : i32
      %dma_wait3A_41 = arith.constant 0 : i32
      %dma_wait3A_42 = tpu.memref_slice %arg3[%add3A, %dma_wait3A_40, %dma_wait3A_41] : memref<32x125x80xi32, #tpu.memory_space<hbm>> -> memref<1x125x80xi32, #tpu.memory_space<hbm>>
      %dma_wait3A_43 = tpu.memref_squeeze %dma_wait3A_42 : memref<1x125x80xi32, #tpu.memory_space<hbm>> -> memref<125x80xi32, #tpu.memory_space<hbm>>
      tpu.wait_dma2 semaphore(%run_scoped3A : memref<!tpu.dma_semaphore, #tpu.memory_space<semaphore_mem>>) src(%dma_wait3A_43 : memref<125x80xi32, #tpu.memory_space<hbm>>) dst(%arg10 : memref<125x80xi32, #tpu.memory_space<vmem>>)
      tpu.yield
    }) : () -> ()
    %scan3A_13 = arith.constant 0 : i32
    %scan3A_14 = arith.constant 0 : i32
    %scan3A_15 = arith.constant 125 : i32
    %scan3A_16 = arith.addi %scan3A_14, %scan3A_15 : i32
    %scan3A_17 = arith.constant 1 : i32
    scf.for %scan3A_30 = %scan3A_14 to %scan3A_16 step %scan3A_17  : i32 {
      "tpu.region"() ({
        %run_scoped3A = tpu.sem_alloc : memref<!tpu.dma_semaphore, #tpu.memory_space<semaphore_mem>>
        %dma_start3A = arith.constant 0 : i32
        %dma_start3A_31 = tpu.memref_slice %arg10[%scan3A_30, %dma_start3A] : memref<125x80xi32, #tpu.memory_space<vmem>> -> memref<1x80xi32, #tpu.memory_space<vmem>>
        %dma_start3A_32 = tpu.memref_squeeze %dma_start3A_31 : memref<1x80xi32, #tpu.memory_space<vmem>> -> memref<80xi32, #tpu.memory_space<vmem>>
        %dma_start3A_33 = arith.constant 0 : i32
        %dma_start3A_34 = tpu.memref_slice %arg9[%dma_start3A_33] : memref<5120xf32, #tpu.memory_space<vmem_shared>> -> memref<5120xf32, #tpu.memory_space<vmem_shared>>
        tpu.enqueue_indirect_dma source(%arg11 : memref<80xf32, #tpu.memory_space<vmem>>) target(%dma_start3A_34 : memref<5120xf32, #tpu.memory_space<vmem_shared>>) offsets(%dma_start3A_32 : memref<80xi32, #tpu.memory_space<vmem>>) semaphore(%run_scoped3A : memref<!tpu.dma_semaphore, #tpu.memory_space<semaphore_mem>>) {add = true}
        %dma_wait3A = arith.constant 0 : i32
        %dma_wait3A_35 = tpu.memref_slice %arg10[%scan3A_30, %dma_wait3A] : memref<125x80xi32, #tpu.memory_space<vmem>> -> memref<1x80xi32, #tpu.memory_space<vmem>>
        %dma_wait3A_36 = tpu.memref_squeeze %dma_wait3A_35 : memref<1x80xi32, #tpu.memory_space<vmem>> -> memref<80xi32, #tpu.memory_space<vmem>>
        %dma_wait3A_37 = arith.constant 0 : i32
        %dma_wait3A_38 = tpu.memref_slice %arg9[%dma_wait3A_37] : memref<5120xf32, #tpu.memory_space<vmem_shared>> -> memref<5120xf32, #tpu.memory_space<vmem_shared>>
        tpu.wait_indirect_dma semaphore(%run_scoped3A : memref<!tpu.dma_semaphore, #tpu.memory_space<semaphore_mem>>) src(%arg11 : memref<80xf32, #tpu.memory_space<vmem>>) dst(%dma_wait3A_38 : memref<5120xf32, #tpu.memory_space<vmem_shared>>)
        tpu.yield
      }) : () -> ()
    }
    %scan3A_18 = arith.constant 125 : i32
    %barrier3A_19 = arith.constant 0 : index
    tpu.barrier barrier_id(%barrier3A_19)
    %eq3A_20 = arith.constant 0 : i32
    %eq3A_21 = arith.cmpi eq, %arg1, %eq3A_20 : i32
    %convert_element_type3A_22 = arith.extui %eq3A_21 : i1 to i32
    %cond3A_23 = arith.constant 0 : i32
    %cond3A_24 = arith.cmpi ne, %convert_element_type3A_22, %cond3A_23 : i32
    scf.if %cond3A_24 {
      "tpu.region"() ({
        %run_scoped3A = tpu.sem_alloc : memref<!tpu.dma_semaphore, #tpu.memory_space<semaphore_mem>>
        %dma_start3A = arith.constant 0 : i32
        %dma_start3A_30 = tpu.memref_slice %arg6[%arg0, %dma_start3A] : memref<2x10000xf32, #tpu.memory_space<hbm>> -> memref<1x10000xf32, #tpu.memory_space<hbm>>
        %dma_start3A_31 = tpu.memref_squeeze %dma_start3A_30 : memref<1x10000xf32, #tpu.memory_space<hbm>> -> memref<10000xf32, #tpu.memory_space<hbm>>
        tpu.enqueue_dma source(%arg8 : memref<10000xf32, #tpu.memory_space<vmem_shared>>) target(%dma_start3A_31 : memref<10000xf32, #tpu.memory_space<hbm>>) target_semaphore(%run_scoped3A : memref<!tpu.dma_semaphore, #tpu.memory_space<semaphore_mem>>)
        %dma_wait3A = arith.constant 0 : i32
        %dma_wait3A_32 = tpu.memref_slice %arg6[%arg0, %dma_wait3A] : memref<2x10000xf32, #tpu.memory_space<hbm>> -> memref<1x10000xf32, #tpu.memory_space<hbm>>
        %dma_wait3A_33 = tpu.memref_squeeze %dma_wait3A_32 : memref<1x10000xf32, #tpu.memory_space<hbm>> -> memref<10000xf32, #tpu.memory_space<hbm>>
        tpu.wait_dma2 semaphore(%run_scoped3A : memref<!tpu.dma_semaphore, #tpu.memory_space<semaphore_mem>>) src(%arg8 : memref<10000xf32, #tpu.memory_space<vmem_shared>>) dst(%dma_wait3A_33 : memref<10000xf32, #tpu.memory_space<hbm>>)
        tpu.yield
      }) : () -> ()
    } else {
    }
    %eq3A_25 = arith.constant 1 : i32
    %eq3A_26 = arith.cmpi eq, %arg1, %eq3A_25 : i32
    %convert_element_type3A_27 = arith.extui %eq3A_26 : i1 to i32
    %cond3A_28 = arith.constant 0 : i32
    %cond3A_29 = arith.cmpi ne, %convert_element_type3A_27, %cond3A_28 : i32
    scf.if %cond3A_29 {
      "tpu.region"() ({
        %run_scoped3A = tpu.sem_alloc : memref<!tpu.dma_semaphore, #tpu.memory_space<semaphore_mem>>
        %dma_start3A = arith.constant 0 : i32
        %dma_start3A_30 = tpu.memref_slice %arg7[%arg0, %dma_start3A] : memref<2x5120xf32, #tpu.memory_space<hbm>> -> memref<1x5120xf32, #tpu.memory_space<hbm>>
        %dma_start3A_31 = tpu.memref_squeeze %dma_start3A_30 : memref<1x5120xf32, #tpu.memory_space<hbm>> -> memref<5120xf32, #tpu.memory_space<hbm>>
        tpu.enqueue_dma source(%arg9 : memref<5120xf32, #tpu.memory_space<vmem_shared>>) target(%dma_start3A_31 : memref<5120xf32, #tpu.memory_space<hbm>>) target_semaphore(%run_scoped3A : memref<!tpu.dma_semaphore, #tpu.memory_space<semaphore_mem>>)
        %dma_wait3A = arith.constant 0 : i32
        %dma_wait3A_32 = tpu.memref_slice %arg7[%arg0, %dma_wait3A] : memref<2x5120xf32, #tpu.memory_space<hbm>> -> memref<1x5120xf32, #tpu.memory_space<hbm>>
        %dma_wait3A_33 = tpu.memref_squeeze %dma_wait3A_32 : memref<1x5120xf32, #tpu.memory_space<hbm>> -> memref<5120xf32, #tpu.memory_space<hbm>>
        tpu.wait_dma2 semaphore(%run_scoped3A : memref<!tpu.dma_semaphore, #tpu.memory_space<semaphore_mem>>) src(%arg9 : memref<5120xf32, #tpu.memory_space<vmem_shared>>) dst(%dma_wait3A_33 : memref<5120xf32, #tpu.memory_space<hbm>>)
        tpu.yield
      }) : () -> ()
    } else {
    }
    return
  }
}

#map = affine_map<(d0, d1) -> (0, 0)>
#map1 = affine_map<(d0, d1) -> (0, 0, 0)>
module attributes {stable_mosaic.version = 14 : i64} {
  func.func @_node_body(%arg0: i32, %arg1: i32, %arg2: memref<5000x128xf32, #tpu.memory_space<hbm>>, %arg3: memref<32x125x80xi32, #tpu.memory_space<hbm>>, %arg4: memref<32x125x80xi32, #tpu.memory_space<hbm>>, %arg5: memref<2x10000x128xf32, #tpu.memory_space<hbm>>, %arg6: memref<10000x128xf32, #tpu.memory_space<vmem_shared>>, %arg7: memref<125x80xi32, #tpu.memory_space<vmem>>, %arg8: memref<125x80xi32, #tpu.memory_space<vmem>>, %arg9: memref<80x128xf32, #tpu.memory_space<vmem>>, %arg10: memref<80x128xf32, #tpu.memory_space<vmem>>, %arg11: memref<!tpu.dma_semaphore, #tpu.memory_space<semaphore_mem>>, %arg12: memref<!tpu.dma_semaphore, #tpu.memory_space<semaphore_mem>>) attributes {dimension_semantics = [#tpu.dimension_semantics<core_parallel>, #tpu.dimension_semantics<subcore_parallel>], iteration_bounds = array<i64: 2, 16>, scalar_prefetch = 0 : i64, scratch_operands = 7 : i64, tpu.core_type = #tpu.core_type<sc_vector_subcore>, window_params = [{transform_indices = #map}, {transform_indices = #map1}, {transform_indices = #map1}, {transform_indices = #map1}]} {
    %mul3A = arith.constant 16 : i32
    %mul3A_0 = arith.muli %arg0, %mul3A : i32
    %add3A = arith.addi %mul3A_0, %arg1 : i32
    %broadcast_in_dim3A = arith.constant 0.000000e+00 : f32
    %broadcast_in_dim3A_1 = vector.broadcast %broadcast_in_dim3A : f32 to vector<16xf32>
    %scan3A = arith.constant 0 : i32
    %scan3A_2 = arith.constant 0 : i32
    %scan3A_3 = arith.constant 80 : i32
    %scan3A_4 = arith.addi %scan3A_2, %scan3A_3 : i32
    %scan3A_5 = arith.constant 1 : i32
    scf.for %scan3A_30 = %scan3A_2 to %scan3A_4 step %scan3A_5  : i32 {
      %swap3A = arith.index_cast %scan3A_30 : i32 to index
      %swap3A_31 = arith.constant 0 : index
      %swap3A_32 = tpu.vector_load %arg9[%swap3A, %swap3A_31] {strides = array<i32>} : memref<80x128xf32, #tpu.memory_space<vmem>>, vector<1x16xf32>,
      %swap3A_33 = vector.shape_cast %swap3A_32 : vector<1x16xf32> to vector<16xf32>
      %swap3A_34 = vector.shape_cast %broadcast_in_dim3A_1 : vector<16xf32> to vector<1x16xf32>
      tpu.vector_store %arg9[%swap3A, %swap3A_31], %swap3A_34 {strides = array<i32>} : memref<80x128xf32, #tpu.memory_space<vmem>>, vector<1x16xf32>,
      %swap3A_35 = arith.index_cast %scan3A_30 : i32 to index
      %swap3A_36 = arith.constant 16 : index
      %swap3A_37 = tpu.vector_load %arg9[%swap3A_35, %swap3A_36] {strides = array<i32>} : memref<80x128xf32, #tpu.memory_space<vmem>>, vector<1x16xf32>,
      %swap3A_38 = vector.shape_cast %swap3A_37 : vector<1x16xf32> to vector<16xf32>
      %swap3A_39 = vector.shape_cast %broadcast_in_dim3A_1 : vector<16xf32> to vector<1x16xf32>
      tpu.vector_store %arg9[%swap3A_35, %swap3A_36], %swap3A_39 {strides = array<i32>} : memref<80x128xf32, #tpu.memory_space<vmem>>, vector<1x16xf32>,
      %swap3A_40 = arith.index_cast %scan3A_30 : i32 to index
      %swap3A_41 = arith.constant 32 : index
      %swap3A_42 = tpu.vector_load %arg9[%swap3A_40, %swap3A_41] {strides = array<i32>} : memref<80x128xf32, #tpu.memory_space<vmem>>, vector<1x16xf32>,
      %swap3A_43 = vector.shape_cast %swap3A_42 : vector<1x16xf32> to vector<16xf32>
      %swap3A_44 = vector.shape_cast %broadcast_in_dim3A_1 : vector<16xf32> to vector<1x16xf32>
      tpu.vector_store %arg9[%swap3A_40, %swap3A_41], %swap3A_44 {strides = array<i32>} : memref<80x128xf32, #tpu.memory_space<vmem>>, vector<1x16xf32>,
      %swap3A_45 = arith.index_cast %scan3A_30 : i32 to index
      %swap3A_46 = arith.constant 48 : index
      %swap3A_47 = tpu.vector_load %arg9[%swap3A_45, %swap3A_46] {strides = array<i32>} : memref<80x128xf32, #tpu.memory_space<vmem>>, vector<1x16xf32>,
      %swap3A_48 = vector.shape_cast %swap3A_47 : vector<1x16xf32> to vector<16xf32>
      %swap3A_49 = vector.shape_cast %broadcast_in_dim3A_1 : vector<16xf32> to vector<1x16xf32>
      tpu.vector_store %arg9[%swap3A_45, %swap3A_46], %swap3A_49 {strides = array<i32>} : memref<80x128xf32, #tpu.memory_space<vmem>>, vector<1x16xf32>,
      %swap3A_50 = arith.index_cast %scan3A_30 : i32 to index
      %swap3A_51 = arith.constant 64 : index
      %swap3A_52 = tpu.vector_load %arg9[%swap3A_50, %swap3A_51] {strides = array<i32>} : memref<80x128xf32, #tpu.memory_space<vmem>>, vector<1x16xf32>,
      %swap3A_53 = vector.shape_cast %swap3A_52 : vector<1x16xf32> to vector<16xf32>
      %swap3A_54 = vector.shape_cast %broadcast_in_dim3A_1 : vector<16xf32> to vector<1x16xf32>
      tpu.vector_store %arg9[%swap3A_50, %swap3A_51], %swap3A_54 {strides = array<i32>} : memref<80x128xf32, #tpu.memory_space<vmem>>, vector<1x16xf32>,
      %swap3A_55 = arith.index_cast %scan3A_30 : i32 to index
      %swap3A_56 = arith.constant 80 : index
      %swap3A_57 = tpu.vector_load %arg9[%swap3A_55, %swap3A_56] {strides = array<i32>} : memref<80x128xf32, #tpu.memory_space<vmem>>, vector<1x16xf32>,
      %swap3A_58 = vector.shape_cast %swap3A_57 : vector<1x16xf32> to vector<16xf32>
      %swap3A_59 = vector.shape_cast %broadcast_in_dim3A_1 : vector<16xf32> to vector<1x16xf32>
      tpu.vector_store %arg9[%swap3A_55, %swap3A_56], %swap3A_59 {strides = array<i32>} : memref<80x128xf32, #tpu.memory_space<vmem>>, vector<1x16xf32>,
      %swap3A_60 = arith.index_cast %scan3A_30 : i32 to index
      %swap3A_61 = arith.constant 96 : index
      %swap3A_62 = tpu.vector_load %arg9[%swap3A_60, %swap3A_61] {strides = array<i32>} : memref<80x128xf32, #tpu.memory_space<vmem>>, vector<1x16xf32>,
      %swap3A_63 = vector.shape_cast %swap3A_62 : vector<1x16xf32> to vector<16xf32>
      %swap3A_64 = vector.shape_cast %broadcast_in_dim3A_1 : vector<16xf32> to vector<1x16xf32>
      tpu.vector_store %arg9[%swap3A_60, %swap3A_61], %swap3A_64 {strides = array<i32>} : memref<80x128xf32, #tpu.memory_space<vmem>>, vector<1x16xf32>,
      %swap3A_65 = arith.index_cast %scan3A_30 : i32 to index
      %swap3A_66 = arith.constant 112 : index
      %swap3A_67 = tpu.vector_load %arg9[%swap3A_65, %swap3A_66] {strides = array<i32>} : memref<80x128xf32, #tpu.memory_space<vmem>>, vector<1x16xf32>,
      %swap3A_68 = vector.shape_cast %swap3A_67 : vector<1x16xf32> to vector<16xf32>
      %swap3A_69 = vector.shape_cast %broadcast_in_dim3A_1 : vector<16xf32> to vector<1x16xf32>
      tpu.vector_store %arg9[%swap3A_65, %swap3A_66], %swap3A_69 {strides = array<i32>} : memref<80x128xf32, #tpu.memory_space<vmem>>, vector<1x16xf32>,
    }
    %scan3A_6 = arith.constant 80 : i32
    %lt3A = arith.constant 15 : i32
    %lt3A_7 = arith.cmpi slt, %arg1, %lt3A : i32
    %convert_element_type3A = arith.extui %lt3A_7 : i1 to i32
    %cond3A = arith.constant 0 : i32
    %cond3A_8 = arith.cmpi ne, %convert_element_type3A, %cond3A : i32
    scf.if %cond3A_8 {
      %mul3A_30 = arith.constant 624 : i32
      %mul3A_31 = arith.muli %arg1, %mul3A_30 : i32
      %add3A_32 = arith.constant 0 : i32
      %add3A_33 = arith.addi %mul3A_31, %add3A_32 : i32
      %add3A_34 = arith.constant 0 : i32
      %add3A_35 = arith.addi %mul3A_31, %add3A_34 : i32
      "tpu.region"() ({
        %run_scoped3A = tpu.sem_alloc : memref<!tpu.dma_semaphore, #tpu.memory_space<semaphore_mem>>
        %dma_start3A = arith.constant 0 : i32
        %dma_start3A_64 = arith.constant 0 : i32
        %dma_start3A_65 = tpu.memref_slice %arg9[%dma_start3A, %dma_start3A_64] : memref<80x128xf32, #tpu.memory_space<vmem>> -> memref<80x128xf32, #tpu.memory_space<vmem>>
        %dma_start3A_66 = arith.constant 0 : i32
        %dma_start3A_67 = tpu.memref_slice %arg6[%add3A_35, %dma_start3A_66] : memref<10000x128xf32, #tpu.memory_space<vmem_shared>> -> memref<80x128xf32, #tpu.memory_space<vmem_shared>>
        %dma_start3A_68 = arith.constant 0 : i32
        %dma_start3A_69 = tpu.memref_slice %arg6[%add3A_35, %dma_start3A_68] : memref<10000x128xf32, #tpu.memory_space<vmem_shared>> -> memref<80x128xf32, #tpu.memory_space<vmem_shared>>
        %dma_start3A_70 = arith.constant 0 : i32
        %dma_start3A_71 = arith.constant 0 : i32
        %dma_start3A_72 = tpu.memref_slice %arg9[%dma_start3A_70, %dma_start3A_71] : memref<80x128xf32, #tpu.memory_space<vmem>> -> memref<80x128xf32, #tpu.memory_space<vmem>>
        tpu.enqueue_dma source(%dma_start3A_72 : memref<80x128xf32, #tpu.memory_space<vmem>>) target(%dma_start3A_69 : memref<80x128xf32, #tpu.memory_space<vmem_shared>>) target_semaphore(%run_scoped3A : memref<!tpu.dma_semaphore, #tpu.memory_space<semaphore_mem>>)
        %dma_wait3A = arith.constant 0 : i32
        %dma_wait3A_73 = arith.constant 0 : i32
        %dma_wait3A_74 = tpu.memref_slice %arg9[%dma_wait3A, %dma_wait3A_73] : memref<80x128xf32, #tpu.memory_space<vmem>> -> memref<80x128xf32, #tpu.memory_space<vmem>>
        %dma_wait3A_75 = arith.constant 0 : i32
        %dma_wait3A_76 = tpu.memref_slice %arg6[%add3A_35, %dma_wait3A_75] : memref<10000x128xf32, #tpu.memory_space<vmem_shared>> -> memref<80x128xf32, #tpu.memory_space<vmem_shared>>
        %dma_wait3A_77 = arith.constant 0 : i32
        %dma_wait3A_78 = tpu.memref_slice %arg6[%add3A_35, %dma_wait3A_77] : memref<10000x128xf32, #tpu.memory_space<vmem_shared>> -> memref<80x128xf32, #tpu.memory_space<vmem_shared>>
        %dma_wait3A_79 = arith.constant 0 : i32
        %dma_wait3A_80 = arith.constant 0 : i32
        %dma_wait3A_81 = tpu.memref_slice %arg9[%dma_wait3A_79, %dma_wait3A_80] : memref<80x128xf32, #tpu.memory_space<vmem>> -> memref<80x128xf32, #tpu.memory_space<vmem>>
        tpu.wait_dma2 semaphore(%run_scoped3A : memref<!tpu.dma_semaphore, #tpu.memory_space<semaphore_mem>>) src(%dma_wait3A_81 : memref<80x128xf32, #tpu.memory_space<vmem>>) dst(%dma_wait3A_78 : memref<80x128xf32, #tpu.memory_space<vmem_shared>>)
        tpu.yield
      }) : () -> ()
      %add3A_36 = arith.constant 80 : i32
      %add3A_37 = arith.addi %mul3A_31, %add3A_36 : i32
      %add3A_38 = arith.constant 80 : i32
      %add3A_39 = arith.addi %mul3A_31, %add3A_38 : i32
      "tpu.region"() ({
        %run_scoped3A = tpu.sem_alloc : memref<!tpu.dma_semaphore, #tpu.memory_space<semaphore_mem>>
        %dma_start3A = arith.constant 0 : i32
        %dma_start3A_64 = arith.constant 0 : i32
        %dma_start3A_65 = tpu.memref_slice %arg9[%dma_start3A, %dma_start3A_64] : memref<80x128xf32, #tpu.memory_space<vmem>> -> memref<80x128xf32, #tpu.memory_space<vmem>>
        %dma_start3A_66 = arith.constant 0 : i32
        %dma_start3A_67 = tpu.memref_slice %arg6[%add3A_39, %dma_start3A_66] : memref<10000x128xf32, #tpu.memory_space<vmem_shared>> -> memref<80x128xf32, #tpu.memory_space<vmem_shared>>
        %dma_start3A_68 = arith.constant 0 : i32
        %dma_start3A_69 = tpu.memref_slice %arg6[%add3A_39, %dma_start3A_68] : memref<10000x128xf32, #tpu.memory_space<vmem_shared>> -> memref<80x128xf32, #tpu.memory_space<vmem_shared>>
        %dma_start3A_70 = arith.constant 0 : i32
        %dma_start3A_71 = arith.constant 0 : i32
        %dma_start3A_72 = tpu.memref_slice %arg9[%dma_start3A_70, %dma_start3A_71] : memref<80x128xf32, #tpu.memory_space<vmem>> -> memref<80x128xf32, #tpu.memory_space<vmem>>
        tpu.enqueue_dma source(%dma_start3A_72 : memref<80x128xf32, #tpu.memory_space<vmem>>) target(%dma_start3A_69 : memref<80x128xf32, #tpu.memory_space<vmem_shared>>) target_semaphore(%run_scoped3A : memref<!tpu.dma_semaphore, #tpu.memory_space<semaphore_mem>>)
        %dma_wait3A = arith.constant 0 : i32
        %dma_wait3A_73 = arith.constant 0 : i32
        %dma_wait3A_74 = tpu.memref_slice %arg9[%dma_wait3A, %dma_wait3A_73] : memref<80x128xf32, #tpu.memory_space<vmem>> -> memref<80x128xf32, #tpu.memory_space<vmem>>
        %dma_wait3A_75 = arith.constant 0 : i32
        %dma_wait3A_76 = tpu.memref_slice %arg6[%add3A_39, %dma_wait3A_75] : memref<10000x128xf32, #tpu.memory_space<vmem_shared>> -> memref<80x128xf32, #tpu.memory_space<vmem_shared>>
        %dma_wait3A_77 = arith.constant 0 : i32
        %dma_wait3A_78 = tpu.memref_slice %arg6[%add3A_39, %dma_wait3A_77] : memref<10000x128xf32, #tpu.memory_space<vmem_shared>> -> memref<80x128xf32, #tpu.memory_space<vmem_shared>>
        %dma_wait3A_79 = arith.constant 0 : i32
        %dma_wait3A_80 = arith.constant 0 : i32
        %dma_wait3A_81 = tpu.memref_slice %arg9[%dma_wait3A_79, %dma_wait3A_80] : memref<80x128xf32, #tpu.memory_space<vmem>> -> memref<80x128xf32, #tpu.memory_space<vmem>>
        tpu.wait_dma2 semaphore(%run_scoped3A : memref<!tpu.dma_semaphore, #tpu.memory_space<semaphore_mem>>) src(%dma_wait3A_81 : memref<80x128xf32, #tpu.memory_space<vmem>>) dst(%dma_wait3A_78 : memref<80x128xf32, #tpu.memory_space<vmem_shared>>)
        tpu.yield
      }) : () -> ()
      %add3A_40 = arith.constant 160 : i32
      %add3A_41 = arith.addi %mul3A_31, %add3A_40 : i32
      %add3A_42 = arith.constant 160 : i32
      %add3A_43 = arith.addi %mul3A_31, %add3A_42 : i32
      "tpu.region"() ({
        %run_scoped3A = tpu.sem_alloc : memref<!tpu.dma_semaphore, #tpu.memory_space<semaphore_mem>>
        %dma_start3A = arith.constant 0 : i32
        %dma_start3A_64 = arith.constant 0 : i32
        %dma_start3A_65 = tpu.memref_slice %arg9[%dma_start3A, %dma_start3A_64] : memref<80x128xf32, #tpu.memory_space<vmem>> -> memref<80x128xf32, #tpu.memory_space<vmem>>
        %dma_start3A_66 = arith.constant 0 : i32
        %dma_start3A_67 = tpu.memref_slice %arg6[%add3A_43, %dma_start3A_66] : memref<10000x128xf32, #tpu.memory_space<vmem_shared>> -> memref<80x128xf32, #tpu.memory_space<vmem_shared>>
        %dma_start3A_68 = arith.constant 0 : i32
        %dma_start3A_69 = tpu.memref_slice %arg6[%add3A_43, %dma_start3A_68] : memref<10000x128xf32, #tpu.memory_space<vmem_shared>> -> memref<80x128xf32, #tpu.memory_space<vmem_shared>>
        %dma_start3A_70 = arith.constant 0 : i32
        %dma_start3A_71 = arith.constant 0 : i32
        %dma_start3A_72 = tpu.memref_slice %arg9[%dma_start3A_70, %dma_start3A_71] : memref<80x128xf32, #tpu.memory_space<vmem>> -> memref<80x128xf32, #tpu.memory_space<vmem>>
        tpu.enqueue_dma source(%dma_start3A_72 : memref<80x128xf32, #tpu.memory_space<vmem>>) target(%dma_start3A_69 : memref<80x128xf32, #tpu.memory_space<vmem_shared>>) target_semaphore(%run_scoped3A : memref<!tpu.dma_semaphore, #tpu.memory_space<semaphore_mem>>)
        %dma_wait3A = arith.constant 0 : i32
        %dma_wait3A_73 = arith.constant 0 : i32
        %dma_wait3A_74 = tpu.memref_slice %arg9[%dma_wait3A, %dma_wait3A_73] : memref<80x128xf32, #tpu.memory_space<vmem>> -> memref<80x128xf32, #tpu.memory_space<vmem>>
        %dma_wait3A_75 = arith.constant 0 : i32
        %dma_wait3A_76 = tpu.memref_slice %arg6[%add3A_43, %dma_wait3A_75] : memref<10000x128xf32, #tpu.memory_space<vmem_shared>> -> memref<80x128xf32, #tpu.memory_space<vmem_shared>>
        %dma_wait3A_77 = arith.constant 0 : i32
        %dma_wait3A_78 = tpu.memref_slice %arg6[%add3A_43, %dma_wait3A_77] : memref<10000x128xf32, #tpu.memory_space<vmem_shared>> -> memref<80x128xf32, #tpu.memory_space<vmem_shared>>
        %dma_wait3A_79 = arith.constant 0 : i32
        %dma_wait3A_80 = arith.constant 0 : i32
        %dma_wait3A_81 = tpu.memref_slice %arg9[%dma_wait3A_79, %dma_wait3A_80] : memref<80x128xf32, #tpu.memory_space<vmem>> -> memref<80x128xf32, #tpu.memory_space<vmem>>
        tpu.wait_dma2 semaphore(%run_scoped3A : memref<!tpu.dma_semaphore, #tpu.memory_space<semaphore_mem>>) src(%dma_wait3A_81 : memref<80x128xf32, #tpu.memory_space<vmem>>) dst(%dma_wait3A_78 : memref<80x128xf32, #tpu.memory_space<vmem_shared>>)
        tpu.yield
      }) : () -> ()
      %add3A_44 = arith.constant 240 : i32
      %add3A_45 = arith.addi %mul3A_31, %add3A_44 : i32
      %add3A_46 = arith.constant 240 : i32
      %add3A_47 = arith.addi %mul3A_31, %add3A_46 : i32
      "tpu.region"() ({
        %run_scoped3A = tpu.sem_alloc : memref<!tpu.dma_semaphore, #tpu.memory_space<semaphore_mem>>
        %dma_start3A = arith.constant 0 : i32
        %dma_start3A_64 = arith.constant 0 : i32
        %dma_start3A_65 = tpu.memref_slice %arg9[%dma_start3A, %dma_start3A_64] : memref<80x128xf32, #tpu.memory_space<vmem>> -> memref<80x128xf32, #tpu.memory_space<vmem>>
        %dma_start3A_66 = arith.constant 0 : i32
        %dma_start3A_67 = tpu.memref_slice %arg6[%add3A_47, %dma_start3A_66] : memref<10000x128xf32, #tpu.memory_space<vmem_shared>> -> memref<80x128xf32, #tpu.memory_space<vmem_shared>>
        %dma_start3A_68 = arith.constant 0 : i32
        %dma_start3A_69 = tpu.memref_slice %arg6[%add3A_47, %dma_start3A_68] : memref<10000x128xf32, #tpu.memory_space<vmem_shared>> -> memref<80x128xf32, #tpu.memory_space<vmem_shared>>
        %dma_start3A_70 = arith.constant 0 : i32
        %dma_start3A_71 = arith.constant 0 : i32
        %dma_start3A_72 = tpu.memref_slice %arg9[%dma_start3A_70, %dma_start3A_71] : memref<80x128xf32, #tpu.memory_space<vmem>> -> memref<80x128xf32, #tpu.memory_space<vmem>>
        tpu.enqueue_dma source(%dma_start3A_72 : memref<80x128xf32, #tpu.memory_space<vmem>>) target(%dma_start3A_69 : memref<80x128xf32, #tpu.memory_space<vmem_shared>>) target_semaphore(%run_scoped3A : memref<!tpu.dma_semaphore, #tpu.memory_space<semaphore_mem>>)
        %dma_wait3A = arith.constant 0 : i32
        %dma_wait3A_73 = arith.constant 0 : i32
        %dma_wait3A_74 = tpu.memref_slice %arg9[%dma_wait3A, %dma_wait3A_73] : memref<80x128xf32, #tpu.memory_space<vmem>> -> memref<80x128xf32, #tpu.memory_space<vmem>>
        %dma_wait3A_75 = arith.constant 0 : i32
        %dma_wait3A_76 = tpu.memref_slice %arg6[%add3A_47, %dma_wait3A_75] : memref<10000x128xf32, #tpu.memory_space<vmem_shared>> -> memref<80x128xf32, #tpu.memory_space<vmem_shared>>
        %dma_wait3A_77 = arith.constant 0 : i32
        %dma_wait3A_78 = tpu.memref_slice %arg6[%add3A_47, %dma_wait3A_77] : memref<10000x128xf32, #tpu.memory_space<vmem_shared>> -> memref<80x128xf32, #tpu.memory_space<vmem_shared>>
        %dma_wait3A_79 = arith.constant 0 : i32
        %dma_wait3A_80 = arith.constant 0 : i32
        %dma_wait3A_81 = tpu.memref_slice %arg9[%dma_wait3A_79, %dma_wait3A_80] : memref<80x128xf32, #tpu.memory_space<vmem>> -> memref<80x128xf32, #tpu.memory_space<vmem>>
        tpu.wait_dma2 semaphore(%run_scoped3A : memref<!tpu.dma_semaphore, #tpu.memory_space<semaphore_mem>>) src(%dma_wait3A_81 : memref<80x128xf32, #tpu.memory_space<vmem>>) dst(%dma_wait3A_78 : memref<80x128xf32, #tpu.memory_space<vmem_shared>>)
        tpu.yield
      }) : () -> ()
      %add3A_48 = arith.constant 320 : i32
      %add3A_49 = arith.addi %mul3A_31, %add3A_48 : i32
      %add3A_50 = arith.constant 320 : i32
      %add3A_51 = arith.addi %mul3A_31, %add3A_50 : i32
      "tpu.region"() ({
        %run_scoped3A = tpu.sem_alloc : memref<!tpu.dma_semaphore, #tpu.memory_space<semaphore_mem>>
        %dma_start3A = arith.constant 0 : i32
        %dma_start3A_64 = arith.constant 0 : i32
        %dma_start3A_65 = tpu.memref_slice %arg9[%dma_start3A, %dma_start3A_64] : memref<80x128xf32, #tpu.memory_space<vmem>> -> memref<80x128xf32, #tpu.memory_space<vmem>>
        %dma_start3A_66 = arith.constant 0 : i32
        %dma_start3A_67 = tpu.memref_slice %arg6[%add3A_51, %dma_start3A_66] : memref<10000x128xf32, #tpu.memory_space<vmem_shared>> -> memref<80x128xf32, #tpu.memory_space<vmem_shared>>
        %dma_start3A_68 = arith.constant 0 : i32
        %dma_start3A_69 = tpu.memref_slice %arg6[%add3A_51, %dma_start3A_68] : memref<10000x128xf32, #tpu.memory_space<vmem_shared>> -> memref<80x128xf32, #tpu.memory_space<vmem_shared>>
        %dma_start3A_70 = arith.constant 0 : i32
        %dma_start3A_71 = arith.constant 0 : i32
        %dma_start3A_72 = tpu.memref_slice %arg9[%dma_start3A_70, %dma_start3A_71] : memref<80x128xf32, #tpu.memory_space<vmem>> -> memref<80x128xf32, #tpu.memory_space<vmem>>
        tpu.enqueue_dma source(%dma_start3A_72 : memref<80x128xf32, #tpu.memory_space<vmem>>) target(%dma_start3A_69 : memref<80x128xf32, #tpu.memory_space<vmem_shared>>) target_semaphore(%run_scoped3A : memref<!tpu.dma_semaphore, #tpu.memory_space<semaphore_mem>>)
        %dma_wait3A = arith.constant 0 : i32
        %dma_wait3A_73 = arith.constant 0 : i32
        %dma_wait3A_74 = tpu.memref_slice %arg9[%dma_wait3A, %dma_wait3A_73] : memref<80x128xf32, #tpu.memory_space<vmem>> -> memref<80x128xf32, #tpu.memory_space<vmem>>
        %dma_wait3A_75 = arith.constant 0 : i32
        %dma_wait3A_76 = tpu.memref_slice %arg6[%add3A_51, %dma_wait3A_75] : memref<10000x128xf32, #tpu.memory_space<vmem_shared>> -> memref<80x128xf32, #tpu.memory_space<vmem_shared>>
        %dma_wait3A_77 = arith.constant 0 : i32
        %dma_wait3A_78 = tpu.memref_slice %arg6[%add3A_51, %dma_wait3A_77] : memref<10000x128xf32, #tpu.memory_space<vmem_shared>> -> memref<80x128xf32, #tpu.memory_space<vmem_shared>>
        %dma_wait3A_79 = arith.constant 0 : i32
        %dma_wait3A_80 = arith.constant 0 : i32
        %dma_wait3A_81 = tpu.memref_slice %arg9[%dma_wait3A_79, %dma_wait3A_80] : memref<80x128xf32, #tpu.memory_space<vmem>> -> memref<80x128xf32, #tpu.memory_space<vmem>>
        tpu.wait_dma2 semaphore(%run_scoped3A : memref<!tpu.dma_semaphore, #tpu.memory_space<semaphore_mem>>) src(%dma_wait3A_81 : memref<80x128xf32, #tpu.memory_space<vmem>>) dst(%dma_wait3A_78 : memref<80x128xf32, #tpu.memory_space<vmem_shared>>)
        tpu.yield
      }) : () -> ()
      %add3A_52 = arith.constant 400 : i32
      %add3A_53 = arith.addi %mul3A_31, %add3A_52 : i32
      %add3A_54 = arith.constant 400 : i32
      %add3A_55 = arith.addi %mul3A_31, %add3A_54 : i32
      "tpu.region"() ({
        %run_scoped3A = tpu.sem_alloc : memref<!tpu.dma_semaphore, #tpu.memory_space<semaphore_mem>>
        %dma_start3A = arith.constant 0 : i32
        %dma_start3A_64 = arith.constant 0 : i32
        %dma_start3A_65 = tpu.memref_slice %arg9[%dma_start3A, %dma_start3A_64] : memref<80x128xf32, #tpu.memory_space<vmem>> -> memref<80x128xf32, #tpu.memory_space<vmem>>
        %dma_start3A_66 = arith.constant 0 : i32
        %dma_start3A_67 = tpu.memref_slice %arg6[%add3A_55, %dma_start3A_66] : memref<10000x128xf32, #tpu.memory_space<vmem_shared>> -> memref<80x128xf32, #tpu.memory_space<vmem_shared>>
        %dma_start3A_68 = arith.constant 0 : i32
        %dma_start3A_69 = tpu.memref_slice %arg6[%add3A_55, %dma_start3A_68] : memref<10000x128xf32, #tpu.memory_space<vmem_shared>> -> memref<80x128xf32, #tpu.memory_space<vmem_shared>>
        %dma_start3A_70 = arith.constant 0 : i32
        %dma_start3A_71 = arith.constant 0 : i32
        %dma_start3A_72 = tpu.memref_slice %arg9[%dma_start3A_70, %dma_start3A_71] : memref<80x128xf32, #tpu.memory_space<vmem>> -> memref<80x128xf32, #tpu.memory_space<vmem>>
        tpu.enqueue_dma source(%dma_start3A_72 : memref<80x128xf32, #tpu.memory_space<vmem>>) target(%dma_start3A_69 : memref<80x128xf32, #tpu.memory_space<vmem_shared>>) target_semaphore(%run_scoped3A : memref<!tpu.dma_semaphore, #tpu.memory_space<semaphore_mem>>)
        %dma_wait3A = arith.constant 0 : i32
        %dma_wait3A_73 = arith.constant 0 : i32
        %dma_wait3A_74 = tpu.memref_slice %arg9[%dma_wait3A, %dma_wait3A_73] : memref<80x128xf32, #tpu.memory_space<vmem>> -> memref<80x128xf32, #tpu.memory_space<vmem>>
        %dma_wait3A_75 = arith.constant 0 : i32
        %dma_wait3A_76 = tpu.memref_slice %arg6[%add3A_55, %dma_wait3A_75] : memref<10000x128xf32, #tpu.memory_space<vmem_shared>> -> memref<80x128xf32, #tpu.memory_space<vmem_shared>>
        %dma_wait3A_77 = arith.constant 0 : i32
        %dma_wait3A_78 = tpu.memref_slice %arg6[%add3A_55, %dma_wait3A_77] : memref<10000x128xf32, #tpu.memory_space<vmem_shared>> -> memref<80x128xf32, #tpu.memory_space<vmem_shared>>
        %dma_wait3A_79 = arith.constant 0 : i32
        %dma_wait3A_80 = arith.constant 0 : i32
        %dma_wait3A_81 = tpu.memref_slice %arg9[%dma_wait3A_79, %dma_wait3A_80] : memref<80x128xf32, #tpu.memory_space<vmem>> -> memref<80x128xf32, #tpu.memory_space<vmem>>
        tpu.wait_dma2 semaphore(%run_scoped3A : memref<!tpu.dma_semaphore, #tpu.memory_space<semaphore_mem>>) src(%dma_wait3A_81 : memref<80x128xf32, #tpu.memory_space<vmem>>) dst(%dma_wait3A_78 : memref<80x128xf32, #tpu.memory_space<vmem_shared>>)
        tpu.yield
      }) : () -> ()
      %add3A_56 = arith.constant 480 : i32
      %add3A_57 = arith.addi %mul3A_31, %add3A_56 : i32
      %add3A_58 = arith.constant 480 : i32
      %add3A_59 = arith.addi %mul3A_31, %add3A_58 : i32
      "tpu.region"() ({
        %run_scoped3A = tpu.sem_alloc : memref<!tpu.dma_semaphore, #tpu.memory_space<semaphore_mem>>
        %dma_start3A = arith.constant 0 : i32
        %dma_start3A_64 = arith.constant 0 : i32
        %dma_start3A_65 = tpu.memref_slice %arg9[%dma_start3A, %dma_start3A_64] : memref<80x128xf32, #tpu.memory_space<vmem>> -> memref<80x128xf32, #tpu.memory_space<vmem>>
        %dma_start3A_66 = arith.constant 0 : i32
        %dma_start3A_67 = tpu.memref_slice %arg6[%add3A_59, %dma_start3A_66] : memref<10000x128xf32, #tpu.memory_space<vmem_shared>> -> memref<80x128xf32, #tpu.memory_space<vmem_shared>>
        %dma_start3A_68 = arith.constant 0 : i32
        %dma_start3A_69 = tpu.memref_slice %arg6[%add3A_59, %dma_start3A_68] : memref<10000x128xf32, #tpu.memory_space<vmem_shared>> -> memref<80x128xf32, #tpu.memory_space<vmem_shared>>
        %dma_start3A_70 = arith.constant 0 : i32
        %dma_start3A_71 = arith.constant 0 : i32
        %dma_start3A_72 = tpu.memref_slice %arg9[%dma_start3A_70, %dma_start3A_71] : memref<80x128xf32, #tpu.memory_space<vmem>> -> memref<80x128xf32, #tpu.memory_space<vmem>>
        tpu.enqueue_dma source(%dma_start3A_72 : memref<80x128xf32, #tpu.memory_space<vmem>>) target(%dma_start3A_69 : memref<80x128xf32, #tpu.memory_space<vmem_shared>>) target_semaphore(%run_scoped3A : memref<!tpu.dma_semaphore, #tpu.memory_space<semaphore_mem>>)
        %dma_wait3A = arith.constant 0 : i32
        %dma_wait3A_73 = arith.constant 0 : i32
        %dma_wait3A_74 = tpu.memref_slice %arg9[%dma_wait3A, %dma_wait3A_73] : memref<80x128xf32, #tpu.memory_space<vmem>> -> memref<80x128xf32, #tpu.memory_space<vmem>>
        %dma_wait3A_75 = arith.constant 0 : i32
        %dma_wait3A_76 = tpu.memref_slice %arg6[%add3A_59, %dma_wait3A_75] : memref<10000x128xf32, #tpu.memory_space<vmem_shared>> -> memref<80x128xf32, #tpu.memory_space<vmem_shared>>
        %dma_wait3A_77 = arith.constant 0 : i32
        %dma_wait3A_78 = tpu.memref_slice %arg6[%add3A_59, %dma_wait3A_77] : memref<10000x128xf32, #tpu.memory_space<vmem_shared>> -> memref<80x128xf32, #tpu.memory_space<vmem_shared>>
        %dma_wait3A_79 = arith.constant 0 : i32
        %dma_wait3A_80 = arith.constant 0 : i32
        %dma_wait3A_81 = tpu.memref_slice %arg9[%dma_wait3A_79, %dma_wait3A_80] : memref<80x128xf32, #tpu.memory_space<vmem>> -> memref<80x128xf32, #tpu.memory_space<vmem>>
        tpu.wait_dma2 semaphore(%run_scoped3A : memref<!tpu.dma_semaphore, #tpu.memory_space<semaphore_mem>>) src(%dma_wait3A_81 : memref<80x128xf32, #tpu.memory_space<vmem>>) dst(%dma_wait3A_78 : memref<80x128xf32, #tpu.memory_space<vmem_shared>>)
        tpu.yield
      }) : () -> ()
      %add3A_60 = arith.constant 560 : i32
      %add3A_61 = arith.addi %mul3A_31, %add3A_60 : i32
      %add3A_62 = arith.constant 560 : i32
      %add3A_63 = arith.addi %mul3A_31, %add3A_62 : i32
      "tpu.region"() ({
        %run_scoped3A = tpu.sem_alloc : memref<!tpu.dma_semaphore, #tpu.memory_space<semaphore_mem>>
        %dma_start3A = arith.constant 0 : i32
        %dma_start3A_64 = arith.constant 0 : i32
        %dma_start3A_65 = tpu.memref_slice %arg9[%dma_start3A, %dma_start3A_64] : memref<80x128xf32, #tpu.memory_space<vmem>> -> memref<64x128xf32, #tpu.memory_space<vmem>>
        %dma_start3A_66 = arith.constant 0 : i32
        %dma_start3A_67 = tpu.memref_slice %arg6[%add3A_63, %dma_start3A_66] : memref<10000x128xf32, #tpu.memory_space<vmem_shared>> -> memref<64x128xf32, #tpu.memory_space<vmem_shared>>
        %dma_start3A_68 = arith.constant 0 : i32
        %dma_start3A_69 = tpu.memref_slice %arg6[%add3A_63, %dma_start3A_68] : memref<10000x128xf32, #tpu.memory_space<vmem_shared>> -> memref<64x128xf32, #tpu.memory_space<vmem_shared>>
        %dma_start3A_70 = arith.constant 0 : i32
        %dma_start3A_71 = arith.constant 0 : i32
        %dma_start3A_72 = tpu.memref_slice %arg9[%dma_start3A_70, %dma_start3A_71] : memref<80x128xf32, #tpu.memory_space<vmem>> -> memref<64x128xf32, #tpu.memory_space<vmem>>
        tpu.enqueue_dma source(%dma_start3A_72 : memref<64x128xf32, #tpu.memory_space<vmem>>) target(%dma_start3A_69 : memref<64x128xf32, #tpu.memory_space<vmem_shared>>) target_semaphore(%run_scoped3A : memref<!tpu.dma_semaphore, #tpu.memory_space<semaphore_mem>>)
        %dma_wait3A = arith.constant 0 : i32
        %dma_wait3A_73 = arith.constant 0 : i32
        %dma_wait3A_74 = tpu.memref_slice %arg9[%dma_wait3A, %dma_wait3A_73] : memref<80x128xf32, #tpu.memory_space<vmem>> -> memref<64x128xf32, #tpu.memory_space<vmem>>
        %dma_wait3A_75 = arith.constant 0 : i32
        %dma_wait3A_76 = tpu.memref_slice %arg6[%add3A_63, %dma_wait3A_75] : memref<10000x128xf32, #tpu.memory_space<vmem_shared>> -> memref<64x128xf32, #tpu.memory_space<vmem_shared>>
        %dma_wait3A_77 = arith.constant 0 : i32
        %dma_wait3A_78 = tpu.memref_slice %arg6[%add3A_63, %dma_wait3A_77] : memref<10000x128xf32, #tpu.memory_space<vmem_shared>> -> memref<64x128xf32, #tpu.memory_space<vmem_shared>>
        %dma_wait3A_79 = arith.constant 0 : i32
        %dma_wait3A_80 = arith.constant 0 : i32
        %dma_wait3A_81 = tpu.memref_slice %arg9[%dma_wait3A_79, %dma_wait3A_80] : memref<80x128xf32, #tpu.memory_space<vmem>> -> memref<64x128xf32, #tpu.memory_space<vmem>>
        tpu.wait_dma2 semaphore(%run_scoped3A : memref<!tpu.dma_semaphore, #tpu.memory_space<semaphore_mem>>) src(%dma_wait3A_81 : memref<64x128xf32, #tpu.memory_space<vmem>>) dst(%dma_wait3A_78 : memref<64x128xf32, #tpu.memory_space<vmem_shared>>)
        tpu.yield
      }) : () -> ()
    } else {
    }
    %eq3A = arith.constant 15 : i32
    %eq3A_9 = arith.cmpi eq, %arg1, %eq3A : i32
    %convert_element_type3A_10 = arith.extui %eq3A_9 : i1 to i32
    %cond3A_11 = arith.constant 0 : i32
    %cond3A_12 = arith.cmpi ne, %convert_element_type3A_10, %cond3A_11 : i32
    scf.if %cond3A_12 {
      "tpu.region"() ({
        %run_scoped3A = tpu.sem_alloc : memref<!tpu.dma_semaphore, #tpu.memory_space<semaphore_mem>>
        %dma_start3A = arith.constant 0 : i32
        %dma_start3A_30 = arith.constant 0 : i32
        %dma_start3A_31 = tpu.memref_slice %arg9[%dma_start3A, %dma_start3A_30] : memref<80x128xf32, #tpu.memory_space<vmem>> -> memref<80x128xf32, #tpu.memory_space<vmem>>
        %dma_start3A_32 = arith.constant 9360 : i32
        %dma_start3A_33 = arith.constant 0 : i32
        %dma_start3A_34 = tpu.memref_slice %arg6[%dma_start3A_32, %dma_start3A_33] : memref<10000x128xf32, #tpu.memory_space<vmem_shared>> -> memref<80x128xf32, #tpu.memory_space<vmem_shared>>
        %dma_start3A_35 = arith.constant 9360 : i32
        %dma_start3A_36 = arith.constant 0 : i32
        %dma_start3A_37 = tpu.memref_slice %arg6[%dma_start3A_35, %dma_start3A_36] : memref<10000x128xf32, #tpu.memory_space<vmem_shared>> -> memref<80x128xf32, #tpu.memory_space<vmem_shared>>
        %dma_start3A_38 = arith.constant 0 : i32
        %dma_start3A_39 = arith.constant 0 : i32
        %dma_start3A_40 = tpu.memref_slice %arg9[%dma_start3A_38, %dma_start3A_39] : memref<80x128xf32, #tpu.memory_space<vmem>> -> memref<80x128xf32, #tpu.memory_space<vmem>>
        tpu.enqueue_dma source(%dma_start3A_40 : memref<80x128xf32, #tpu.memory_space<vmem>>) target(%dma_start3A_37 : memref<80x128xf32, #tpu.memory_space<vmem_shared>>) target_semaphore(%run_scoped3A : memref<!tpu.dma_semaphore, #tpu.memory_space<semaphore_mem>>)
        %dma_wait3A = arith.constant 0 : i32
        %dma_wait3A_41 = arith.constant 0 : i32
        %dma_wait3A_42 = tpu.memref_slice %arg9[%dma_wait3A, %dma_wait3A_41] : memref<80x128xf32, #tpu.memory_space<vmem>> -> memref<80x128xf32, #tpu.memory_space<vmem>>
        %dma_wait3A_43 = arith.constant 9360 : i32
        %dma_wait3A_44 = arith.constant 0 : i32
        %dma_wait3A_45 = tpu.memref_slice %arg6[%dma_wait3A_43, %dma_wait3A_44] : memref<10000x128xf32, #tpu.memory_space<vmem_shared>> -> memref<80x128xf32, #tpu.memory_space<vmem_shared>>
        %dma_wait3A_46 = arith.constant 9360 : i32
        %dma_wait3A_47 = arith.constant 0 : i32
        %dma_wait3A_48 = tpu.memref_slice %arg6[%dma_wait3A_46, %dma_wait3A_47] : memref<10000x128xf32, #tpu.memory_space<vmem_shared>> -> memref<80x128xf32, #tpu.memory_space<vmem_shared>>
        %dma_wait3A_49 = arith.constant 0 : i32
        %dma_wait3A_50 = arith.constant 0 : i32
        %dma_wait3A_51 = tpu.memref_slice %arg9[%dma_wait3A_49, %dma_wait3A_50] : memref<80x128xf32, #tpu.memory_space<vmem>> -> memref<80x128xf32, #tpu.memory_space<vmem>>
        tpu.wait_dma2 semaphore(%run_scoped3A : memref<!tpu.dma_semaphore, #tpu.memory_space<semaphore_mem>>) src(%dma_wait3A_51 : memref<80x128xf32, #tpu.memory_space<vmem>>) dst(%dma_wait3A_48 : memref<80x128xf32, #tpu.memory_space<vmem_shared>>)
        tpu.yield
      }) : () -> ()
      "tpu.region"() ({
        %run_scoped3A = tpu.sem_alloc : memref<!tpu.dma_semaphore, #tpu.memory_space<semaphore_mem>>
        %dma_start3A = arith.constant 0 : i32
        %dma_start3A_30 = arith.constant 0 : i32
        %dma_start3A_31 = tpu.memref_slice %arg9[%dma_start3A, %dma_start3A_30] : memref<80x128xf32, #tpu.memory_space<vmem>> -> memref<80x128xf32, #tpu.memory_space<vmem>>
        %dma_start3A_32 = arith.constant 9440 : i32
        %dma_start3A_33 = arith.constant 0 : i32
        %dma_start3A_34 = tpu.memref_slice %arg6[%dma_start3A_32, %dma_start3A_33] : memref<10000x128xf32, #tpu.memory_space<vmem_shared>> -> memref<80x128xf32, #tpu.memory_space<vmem_shared>>
        %dma_start3A_35 = arith.constant 9440 : i32
        %dma_start3A_36 = arith.constant 0 : i32
        %dma_start3A_37 = tpu.memref_slice %arg6[%dma_start3A_35, %dma_start3A_36] : memref<10000x128xf32, #tpu.memory_space<vmem_shared>> -> memref<80x128xf32, #tpu.memory_space<vmem_shared>>
        %dma_start3A_38 = arith.constant 0 : i32
        %dma_start3A_39 = arith.constant 0 : i32
        %dma_start3A_40 = tpu.memref_slice %arg9[%dma_start3A_38, %dma_start3A_39] : memref<80x128xf32, #tpu.memory_space<vmem>> -> memref<80x128xf32, #tpu.memory_space<vmem>>
        tpu.enqueue_dma source(%dma_start3A_40 : memref<80x128xf32, #tpu.memory_space<vmem>>) target(%dma_start3A_37 : memref<80x128xf32, #tpu.memory_space<vmem_shared>>) target_semaphore(%run_scoped3A : memref<!tpu.dma_semaphore, #tpu.memory_space<semaphore_mem>>)
        %dma_wait3A = arith.constant 0 : i32
        %dma_wait3A_41 = arith.constant 0 : i32
        %dma_wait3A_42 = tpu.memref_slice %arg9[%dma_wait3A, %dma_wait3A_41] : memref<80x128xf32, #tpu.memory_space<vmem>> -> memref<80x128xf32, #tpu.memory_space<vmem>>
        %dma_wait3A_43 = arith.constant 9440 : i32
        %dma_wait3A_44 = arith.constant 0 : i32
        %dma_wait3A_45 = tpu.memref_slice %arg6[%dma_wait3A_43, %dma_wait3A_44] : memref<10000x128xf32, #tpu.memory_space<vmem_shared>> -> memref<80x128xf32, #tpu.memory_space<vmem_shared>>
        %dma_wait3A_46 = arith.constant 9440 : i32
        %dma_wait3A_47 = arith.constant 0 : i32
        %dma_wait3A_48 = tpu.memref_slice %arg6[%dma_wait3A_46, %dma_wait3A_47] : memref<10000x128xf32, #tpu.memory_space<vmem_shared>> -> memref<80x128xf32, #tpu.memory_space<vmem_shared>>
        %dma_wait3A_49 = arith.constant 0 : i32
        %dma_wait3A_50 = arith.constant 0 : i32
        %dma_wait3A_51 = tpu.memref_slice %arg9[%dma_wait3A_49, %dma_wait3A_50] : memref<80x128xf32, #tpu.memory_space<vmem>> -> memref<80x128xf32, #tpu.memory_space<vmem>>
        tpu.wait_dma2 semaphore(%run_scoped3A : memref<!tpu.dma_semaphore, #tpu.memory_space<semaphore_mem>>) src(%dma_wait3A_51 : memref<80x128xf32, #tpu.memory_space<vmem>>) dst(%dma_wait3A_48 : memref<80x128xf32, #tpu.memory_space<vmem_shared>>)
        tpu.yield
      }) : () -> ()
      "tpu.region"() ({
        %run_scoped3A = tpu.sem_alloc : memref<!tpu.dma_semaphore, #tpu.memory_space<semaphore_mem>>
        %dma_start3A = arith.constant 0 : i32
        %dma_start3A_30 = arith.constant 0 : i32
        %dma_start3A_31 = tpu.memref_slice %arg9[%dma_start3A, %dma_start3A_30] : memref<80x128xf32, #tpu.memory_space<vmem>> -> memref<80x128xf32, #tpu.memory_space<vmem>>
        %dma_start3A_32 = arith.constant 9520 : i32
        %dma_start3A_33 = arith.constant 0 : i32
        %dma_start3A_34 = tpu.memref_slice %arg6[%dma_start3A_32, %dma_start3A_33] : memref<10000x128xf32, #tpu.memory_space<vmem_shared>> -> memref<80x128xf32, #tpu.memory_space<vmem_shared>>
        %dma_start3A_35 = arith.constant 9520 : i32
        %dma_start3A_36 = arith.constant 0 : i32
        %dma_start3A_37 = tpu.memref_slice %arg6[%dma_start3A_35, %dma_start3A_36] : memref<10000x128xf32, #tpu.memory_space<vmem_shared>> -> memref<80x128xf32, #tpu.memory_space<vmem_shared>>
        %dma_start3A_38 = arith.constant 0 : i32
        %dma_start3A_39 = arith.constant 0 : i32
        %dma_start3A_40 = tpu.memref_slice %arg9[%dma_start3A_38, %dma_start3A_39] : memref<80x128xf32, #tpu.memory_space<vmem>> -> memref<80x128xf32, #tpu.memory_space<vmem>>
        tpu.enqueue_dma source(%dma_start3A_40 : memref<80x128xf32, #tpu.memory_space<vmem>>) target(%dma_start3A_37 : memref<80x128xf32, #tpu.memory_space<vmem_shared>>) target_semaphore(%run_scoped3A : memref<!tpu.dma_semaphore, #tpu.memory_space<semaphore_mem>>)
        %dma_wait3A = arith.constant 0 : i32
        %dma_wait3A_41 = arith.constant 0 : i32
        %dma_wait3A_42 = tpu.memref_slice %arg9[%dma_wait3A, %dma_wait3A_41] : memref<80x128xf32, #tpu.memory_space<vmem>> -> memref<80x128xf32, #tpu.memory_space<vmem>>
        %dma_wait3A_43 = arith.constant 9520 : i32
        %dma_wait3A_44 = arith.constant 0 : i32
        %dma_wait3A_45 = tpu.memref_slice %arg6[%dma_wait3A_43, %dma_wait3A_44] : memref<10000x128xf32, #tpu.memory_space<vmem_shared>> -> memref<80x128xf32, #tpu.memory_space<vmem_shared>>
        %dma_wait3A_46 = arith.constant 9520 : i32
        %dma_wait3A_47 = arith.constant 0 : i32
        %dma_wait3A_48 = tpu.memref_slice %arg6[%dma_wait3A_46, %dma_wait3A_47] : memref<10000x128xf32, #tpu.memory_space<vmem_shared>> -> memref<80x128xf32, #tpu.memory_space<vmem_shared>>
        %dma_wait3A_49 = arith.constant 0 : i32
        %dma_wait3A_50 = arith.constant 0 : i32
        %dma_wait3A_51 = tpu.memref_slice %arg9[%dma_wait3A_49, %dma_wait3A_50] : memref<80x128xf32, #tpu.memory_space<vmem>> -> memref<80x128xf32, #tpu.memory_space<vmem>>
        tpu.wait_dma2 semaphore(%run_scoped3A : memref<!tpu.dma_semaphore, #tpu.memory_space<semaphore_mem>>) src(%dma_wait3A_51 : memref<80x128xf32, #tpu.memory_space<vmem>>) dst(%dma_wait3A_48 : memref<80x128xf32, #tpu.memory_space<vmem_shared>>)
        tpu.yield
      }) : () -> ()
      "tpu.region"() ({
        %run_scoped3A = tpu.sem_alloc : memref<!tpu.dma_semaphore, #tpu.memory_space<semaphore_mem>>
        %dma_start3A = arith.constant 0 : i32
        %dma_start3A_30 = arith.constant 0 : i32
        %dma_start3A_31 = tpu.memref_slice %arg9[%dma_start3A, %dma_start3A_30] : memref<80x128xf32, #tpu.memory_space<vmem>> -> memref<80x128xf32, #tpu.memory_space<vmem>>
        %dma_start3A_32 = arith.constant 9600 : i32
        %dma_start3A_33 = arith.constant 0 : i32
        %dma_start3A_34 = tpu.memref_slice %arg6[%dma_start3A_32, %dma_start3A_33] : memref<10000x128xf32, #tpu.memory_space<vmem_shared>> -> memref<80x128xf32, #tpu.memory_space<vmem_shared>>
        %dma_start3A_35 = arith.constant 9600 : i32
        %dma_start3A_36 = arith.constant 0 : i32
        %dma_start3A_37 = tpu.memref_slice %arg6[%dma_start3A_35, %dma_start3A_36] : memref<10000x128xf32, #tpu.memory_space<vmem_shared>> -> memref<80x128xf32, #tpu.memory_space<vmem_shared>>
        %dma_start3A_38 = arith.constant 0 : i32
        %dma_start3A_39 = arith.constant 0 : i32
        %dma_start3A_40 = tpu.memref_slice %arg9[%dma_start3A_38, %dma_start3A_39] : memref<80x128xf32, #tpu.memory_space<vmem>> -> memref<80x128xf32, #tpu.memory_space<vmem>>
        tpu.enqueue_dma source(%dma_start3A_40 : memref<80x128xf32, #tpu.memory_space<vmem>>) target(%dma_start3A_37 : memref<80x128xf32, #tpu.memory_space<vmem_shared>>) target_semaphore(%run_scoped3A : memref<!tpu.dma_semaphore, #tpu.memory_space<semaphore_mem>>)
        %dma_wait3A = arith.constant 0 : i32
        %dma_wait3A_41 = arith.constant 0 : i32
        %dma_wait3A_42 = tpu.memref_slice %arg9[%dma_wait3A, %dma_wait3A_41] : memref<80x128xf32, #tpu.memory_space<vmem>> -> memref<80x128xf32, #tpu.memory_space<vmem>>
        %dma_wait3A_43 = arith.constant 9600 : i32
        %dma_wait3A_44 = arith.constant 0 : i32
        %dma_wait3A_45 = tpu.memref_slice %arg6[%dma_wait3A_43, %dma_wait3A_44] : memref<10000x128xf32, #tpu.memory_space<vmem_shared>> -> memref<80x128xf32, #tpu.memory_space<vmem_shared>>
        %dma_wait3A_46 = arith.constant 9600 : i32
        %dma_wait3A_47 = arith.constant 0 : i32
        %dma_wait3A_48 = tpu.memref_slice %arg6[%dma_wait3A_46, %dma_wait3A_47] : memref<10000x128xf32, #tpu.memory_space<vmem_shared>> -> memref<80x128xf32, #tpu.memory_space<vmem_shared>>
        %dma_wait3A_49 = arith.constant 0 : i32
        %dma_wait3A_50 = arith.constant 0 : i32
        %dma_wait3A_51 = tpu.memref_slice %arg9[%dma_wait3A_49, %dma_wait3A_50] : memref<80x128xf32, #tpu.memory_space<vmem>> -> memref<80x128xf32, #tpu.memory_space<vmem>>
        tpu.wait_dma2 semaphore(%run_scoped3A : memref<!tpu.dma_semaphore, #tpu.memory_space<semaphore_mem>>) src(%dma_wait3A_51 : memref<80x128xf32, #tpu.memory_space<vmem>>) dst(%dma_wait3A_48 : memref<80x128xf32, #tpu.memory_space<vmem_shared>>)
        tpu.yield
      }) : () -> ()
      "tpu.region"() ({
        %run_scoped3A = tpu.sem_alloc : memref<!tpu.dma_semaphore, #tpu.memory_space<semaphore_mem>>
        %dma_start3A = arith.constant 0 : i32
        %dma_start3A_30 = arith.constant 0 : i32
        %dma_start3A_31 = tpu.memref_slice %arg9[%dma_start3A, %dma_start3A_30] : memref<80x128xf32, #tpu.memory_space<vmem>> -> memref<80x128xf32, #tpu.memory_space<vmem>>
        %dma_start3A_32 = arith.constant 9680 : i32
        %dma_start3A_33 = arith.constant 0 : i32
        %dma_start3A_34 = tpu.memref_slice %arg6[%dma_start3A_32, %dma_start3A_33] : memref<10000x128xf32, #tpu.memory_space<vmem_shared>> -> memref<80x128xf32, #tpu.memory_space<vmem_shared>>
        %dma_start3A_35 = arith.constant 9680 : i32
        %dma_start3A_36 = arith.constant 0 : i32
        %dma_start3A_37 = tpu.memref_slice %arg6[%dma_start3A_35, %dma_start3A_36] : memref<10000x128xf32, #tpu.memory_space<vmem_shared>> -> memref<80x128xf32, #tpu.memory_space<vmem_shared>>
        %dma_start3A_38 = arith.constant 0 : i32
        %dma_start3A_39 = arith.constant 0 : i32
        %dma_start3A_40 = tpu.memref_slice %arg9[%dma_start3A_38, %dma_start3A_39] : memref<80x128xf32, #tpu.memory_space<vmem>> -> memref<80x128xf32, #tpu.memory_space<vmem>>
        tpu.enqueue_dma source(%dma_start3A_40 : memref<80x128xf32, #tpu.memory_space<vmem>>) target(%dma_start3A_37 : memref<80x128xf32, #tpu.memory_space<vmem_shared>>) target_semaphore(%run_scoped3A : memref<!tpu.dma_semaphore, #tpu.memory_space<semaphore_mem>>)
        %dma_wait3A = arith.constant 0 : i32
        %dma_wait3A_41 = arith.constant 0 : i32
        %dma_wait3A_42 = tpu.memref_slice %arg9[%dma_wait3A, %dma_wait3A_41] : memref<80x128xf32, #tpu.memory_space<vmem>> -> memref<80x128xf32, #tpu.memory_space<vmem>>
        %dma_wait3A_43 = arith.constant 9680 : i32
        %dma_wait3A_44 = arith.constant 0 : i32
        %dma_wait3A_45 = tpu.memref_slice %arg6[%dma_wait3A_43, %dma_wait3A_44] : memref<10000x128xf32, #tpu.memory_space<vmem_shared>> -> memref<80x128xf32, #tpu.memory_space<vmem_shared>>
        %dma_wait3A_46 = arith.constant 9680 : i32
        %dma_wait3A_47 = arith.constant 0 : i32
        %dma_wait3A_48 = tpu.memref_slice %arg6[%dma_wait3A_46, %dma_wait3A_47] : memref<10000x128xf32, #tpu.memory_space<vmem_shared>> -> memref<80x128xf32, #tpu.memory_space<vmem_shared>>
        %dma_wait3A_49 = arith.constant 0 : i32
        %dma_wait3A_50 = arith.constant 0 : i32
        %dma_wait3A_51 = tpu.memref_slice %arg9[%dma_wait3A_49, %dma_wait3A_50] : memref<80x128xf32, #tpu.memory_space<vmem>> -> memref<80x128xf32, #tpu.memory_space<vmem>>
        tpu.wait_dma2 semaphore(%run_scoped3A : memref<!tpu.dma_semaphore, #tpu.memory_space<semaphore_mem>>) src(%dma_wait3A_51 : memref<80x128xf32, #tpu.memory_space<vmem>>) dst(%dma_wait3A_48 : memref<80x128xf32, #tpu.memory_space<vmem_shared>>)
        tpu.yield
      }) : () -> ()
      "tpu.region"() ({
        %run_scoped3A = tpu.sem_alloc : memref<!tpu.dma_semaphore, #tpu.memory_space<semaphore_mem>>
        %dma_start3A = arith.constant 0 : i32
        %dma_start3A_30 = arith.constant 0 : i32
        %dma_start3A_31 = tpu.memref_slice %arg9[%dma_start3A, %dma_start3A_30] : memref<80x128xf32, #tpu.memory_space<vmem>> -> memref<80x128xf32, #tpu.memory_space<vmem>>
        %dma_start3A_32 = arith.constant 9760 : i32
        %dma_start3A_33 = arith.constant 0 : i32
        %dma_start3A_34 = tpu.memref_slice %arg6[%dma_start3A_32, %dma_start3A_33] : memref<10000x128xf32, #tpu.memory_space<vmem_shared>> -> memref<80x128xf32, #tpu.memory_space<vmem_shared>>
        %dma_start3A_35 = arith.constant 9760 : i32
        %dma_start3A_36 = arith.constant 0 : i32
        %dma_start3A_37 = tpu.memref_slice %arg6[%dma_start3A_35, %dma_start3A_36] : memref<10000x128xf32, #tpu.memory_space<vmem_shared>> -> memref<80x128xf32, #tpu.memory_space<vmem_shared>>
        %dma_start3A_38 = arith.constant 0 : i32
        %dma_start3A_39 = arith.constant 0 : i32
        %dma_start3A_40 = tpu.memref_slice %arg9[%dma_start3A_38, %dma_start3A_39] : memref<80x128xf32, #tpu.memory_space<vmem>> -> memref<80x128xf32, #tpu.memory_space<vmem>>
        tpu.enqueue_dma source(%dma_start3A_40 : memref<80x128xf32, #tpu.memory_space<vmem>>) target(%dma_start3A_37 : memref<80x128xf32, #tpu.memory_space<vmem_shared>>) target_semaphore(%run_scoped3A : memref<!tpu.dma_semaphore, #tpu.memory_space<semaphore_mem>>)
        %dma_wait3A = arith.constant 0 : i32
        %dma_wait3A_41 = arith.constant 0 : i32
        %dma_wait3A_42 = tpu.memref_slice %arg9[%dma_wait3A, %dma_wait3A_41] : memref<80x128xf32, #tpu.memory_space<vmem>> -> memref<80x128xf32, #tpu.memory_space<vmem>>
        %dma_wait3A_43 = arith.constant 9760 : i32
        %dma_wait3A_44 = arith.constant 0 : i32
        %dma_wait3A_45 = tpu.memref_slice %arg6[%dma_wait3A_43, %dma_wait3A_44] : memref<10000x128xf32, #tpu.memory_space<vmem_shared>> -> memref<80x128xf32, #tpu.memory_space<vmem_shared>>
        %dma_wait3A_46 = arith.constant 9760 : i32
        %dma_wait3A_47 = arith.constant 0 : i32
        %dma_wait3A_48 = tpu.memref_slice %arg6[%dma_wait3A_46, %dma_wait3A_47] : memref<10000x128xf32, #tpu.memory_space<vmem_shared>> -> memref<80x128xf32, #tpu.memory_space<vmem_shared>>
        %dma_wait3A_49 = arith.constant 0 : i32
        %dma_wait3A_50 = arith.constant 0 : i32
        %dma_wait3A_51 = tpu.memref_slice %arg9[%dma_wait3A_49, %dma_wait3A_50] : memref<80x128xf32, #tpu.memory_space<vmem>> -> memref<80x128xf32, #tpu.memory_space<vmem>>
        tpu.wait_dma2 semaphore(%run_scoped3A : memref<!tpu.dma_semaphore, #tpu.memory_space<semaphore_mem>>) src(%dma_wait3A_51 : memref<80x128xf32, #tpu.memory_space<vmem>>) dst(%dma_wait3A_48 : memref<80x128xf32, #tpu.memory_space<vmem_shared>>)
        tpu.yield
      }) : () -> ()
      "tpu.region"() ({
        %run_scoped3A = tpu.sem_alloc : memref<!tpu.dma_semaphore, #tpu.memory_space<semaphore_mem>>
        %dma_start3A = arith.constant 0 : i32
        %dma_start3A_30 = arith.constant 0 : i32
        %dma_start3A_31 = tpu.memref_slice %arg9[%dma_start3A, %dma_start3A_30] : memref<80x128xf32, #tpu.memory_space<vmem>> -> memref<80x128xf32, #tpu.memory_space<vmem>>
        %dma_start3A_32 = arith.constant 9840 : i32
        %dma_start3A_33 = arith.constant 0 : i32
        %dma_start3A_34 = tpu.memref_slice %arg6[%dma_start3A_32, %dma_start3A_33] : memref<10000x128xf32, #tpu.memory_space<vmem_shared>> -> memref<80x128xf32, #tpu.memory_space<vmem_shared>>
        %dma_start3A_35 = arith.constant 9840 : i32
        %dma_start3A_36 = arith.constant 0 : i32
        %dma_start3A_37 = tpu.memref_slice %arg6[%dma_start3A_35, %dma_start3A_36] : memref<10000x128xf32, #tpu.memory_space<vmem_shared>> -> memref<80x128xf32, #tpu.memory_space<vmem_shared>>
        %dma_start3A_38 = arith.constant 0 : i32
        %dma_start3A_39 = arith.constant 0 : i32
        %dma_start3A_40 = tpu.memref_slice %arg9[%dma_start3A_38, %dma_start3A_39] : memref<80x128xf32, #tpu.memory_space<vmem>> -> memref<80x128xf32, #tpu.memory_space<vmem>>
        tpu.enqueue_dma source(%dma_start3A_40 : memref<80x128xf32, #tpu.memory_space<vmem>>) target(%dma_start3A_37 : memref<80x128xf32, #tpu.memory_space<vmem_shared>>) target_semaphore(%run_scoped3A : memref<!tpu.dma_semaphore, #tpu.memory_space<semaphore_mem>>)
        %dma_wait3A = arith.constant 0 : i32
        %dma_wait3A_41 = arith.constant 0 : i32
        %dma_wait3A_42 = tpu.memref_slice %arg9[%dma_wait3A, %dma_wait3A_41] : memref<80x128xf32, #tpu.memory_space<vmem>> -> memref<80x128xf32, #tpu.memory_space<vmem>>
        %dma_wait3A_43 = arith.constant 9840 : i32
        %dma_wait3A_44 = arith.constant 0 : i32
        %dma_wait3A_45 = tpu.memref_slice %arg6[%dma_wait3A_43, %dma_wait3A_44] : memref<10000x128xf32, #tpu.memory_space<vmem_shared>> -> memref<80x128xf32, #tpu.memory_space<vmem_shared>>
        %dma_wait3A_46 = arith.constant 9840 : i32
        %dma_wait3A_47 = arith.constant 0 : i32
        %dma_wait3A_48 = tpu.memref_slice %arg6[%dma_wait3A_46, %dma_wait3A_47] : memref<10000x128xf32, #tpu.memory_space<vmem_shared>> -> memref<80x128xf32, #tpu.memory_space<vmem_shared>>
        %dma_wait3A_49 = arith.constant 0 : i32
        %dma_wait3A_50 = arith.constant 0 : i32
        %dma_wait3A_51 = tpu.memref_slice %arg9[%dma_wait3A_49, %dma_wait3A_50] : memref<80x128xf32, #tpu.memory_space<vmem>> -> memref<80x128xf32, #tpu.memory_space<vmem>>
        tpu.wait_dma2 semaphore(%run_scoped3A : memref<!tpu.dma_semaphore, #tpu.memory_space<semaphore_mem>>) src(%dma_wait3A_51 : memref<80x128xf32, #tpu.memory_space<vmem>>) dst(%dma_wait3A_48 : memref<80x128xf32, #tpu.memory_space<vmem_shared>>)
        tpu.yield
      }) : () -> ()
      "tpu.region"() ({
        %run_scoped3A = tpu.sem_alloc : memref<!tpu.dma_semaphore, #tpu.memory_space<semaphore_mem>>
        %dma_start3A = arith.constant 0 : i32
        %dma_start3A_30 = arith.constant 0 : i32
        %dma_start3A_31 = tpu.memref_slice %arg9[%dma_start3A, %dma_start3A_30] : memref<80x128xf32, #tpu.memory_space<vmem>> -> memref<80x128xf32, #tpu.memory_space<vmem>>
        %dma_start3A_32 = arith.constant 9920 : i32
        %dma_start3A_33 = arith.constant 0 : i32
        %dma_start3A_34 = tpu.memref_slice %arg6[%dma_start3A_32, %dma_start3A_33] : memref<10000x128xf32, #tpu.memory_space<vmem_shared>> -> memref<80x128xf32, #tpu.memory_space<vmem_shared>>
        %dma_start3A_35 = arith.constant 9920 : i32
        %dma_start3A_36 = arith.constant 0 : i32
        %dma_start3A_37 = tpu.memref_slice %arg6[%dma_start3A_35, %dma_start3A_36] : memref<10000x128xf32, #tpu.memory_space<vmem_shared>> -> memref<80x128xf32, #tpu.memory_space<vmem_shared>>
        %dma_start3A_38 = arith.constant 0 : i32
        %dma_start3A_39 = arith.constant 0 : i32
        %dma_start3A_40 = tpu.memref_slice %arg9[%dma_start3A_38, %dma_start3A_39] : memref<80x128xf32, #tpu.memory_space<vmem>> -> memref<80x128xf32, #tpu.memory_space<vmem>>
        tpu.enqueue_dma source(%dma_start3A_40 : memref<80x128xf32, #tpu.memory_space<vmem>>) target(%dma_start3A_37 : memref<80x128xf32, #tpu.memory_space<vmem_shared>>) target_semaphore(%run_scoped3A : memref<!tpu.dma_semaphore, #tpu.memory_space<semaphore_mem>>)
        %dma_wait3A = arith.constant 0 : i32
        %dma_wait3A_41 = arith.constant 0 : i32
        %dma_wait3A_42 = tpu.memref_slice %arg9[%dma_wait3A, %dma_wait3A_41] : memref<80x128xf32, #tpu.memory_space<vmem>> -> memref<80x128xf32, #tpu.memory_space<vmem>>
        %dma_wait3A_43 = arith.constant 9920 : i32
        %dma_wait3A_44 = arith.constant 0 : i32
        %dma_wait3A_45 = tpu.memref_slice %arg6[%dma_wait3A_43, %dma_wait3A_44] : memref<10000x128xf32, #tpu.memory_space<vmem_shared>> -> memref<80x128xf32, #tpu.memory_space<vmem_shared>>
        %dma_wait3A_46 = arith.constant 9920 : i32
        %dma_wait3A_47 = arith.constant 0 : i32
        %dma_wait3A_48 = tpu.memref_slice %arg6[%dma_wait3A_46, %dma_wait3A_47] : memref<10000x128xf32, #tpu.memory_space<vmem_shared>> -> memref<80x128xf32, #tpu.memory_space<vmem_shared>>
        %dma_wait3A_49 = arith.constant 0 : i32
        %dma_wait3A_50 = arith.constant 0 : i32
        %dma_wait3A_51 = tpu.memref_slice %arg9[%dma_wait3A_49, %dma_wait3A_50] : memref<80x128xf32, #tpu.memory_space<vmem>> -> memref<80x128xf32, #tpu.memory_space<vmem>>
        tpu.wait_dma2 semaphore(%run_scoped3A : memref<!tpu.dma_semaphore, #tpu.memory_space<semaphore_mem>>) src(%dma_wait3A_51 : memref<80x128xf32, #tpu.memory_space<vmem>>) dst(%dma_wait3A_48 : memref<80x128xf32, #tpu.memory_space<vmem_shared>>)
        tpu.yield
      }) : () -> ()
    } else {
    }
    "tpu.region"() ({
      %run_scoped3A = tpu.sem_alloc : memref<!tpu.dma_semaphore, #tpu.memory_space<semaphore_mem>>
      %dma_start3A = arith.constant 0 : i32
      %dma_start3A_30 = arith.constant 0 : i32
      %dma_start3A_31 = tpu.memref_slice %arg3[%add3A, %dma_start3A, %dma_start3A_30] : memref<32x125x80xi32, #tpu.memory_space<hbm>> -> memref<1x125x80xi32, #tpu.memory_space<hbm>>
      %dma_start3A_32 = tpu.memref_squeeze %dma_start3A_31 : memref<1x125x80xi32, #tpu.memory_space<hbm>> -> memref<125x80xi32, #tpu.memory_space<hbm>>
      %dma_start3A_33 = arith.constant 0 : i32
      %dma_start3A_34 = arith.constant 0 : i32
      %dma_start3A_35 = tpu.memref_slice %arg3[%add3A, %dma_start3A_33, %dma_start3A_34] : memref<32x125x80xi32, #tpu.memory_space<hbm>> -> memref<1x125x80xi32, #tpu.memory_space<hbm>>
      %dma_start3A_36 = tpu.memref_squeeze %dma_start3A_35 : memref<1x125x80xi32, #tpu.memory_space<hbm>> -> memref<125x80xi32, #tpu.memory_space<hbm>>
      tpu.enqueue_dma source(%dma_start3A_36 : memref<125x80xi32, #tpu.memory_space<hbm>>) target(%arg7 : memref<125x80xi32, #tpu.memory_space<vmem>>) target_semaphore(%run_scoped3A : memref<!tpu.dma_semaphore, #tpu.memory_space<semaphore_mem>>)
      %dma_wait3A = arith.constant 0 : i32
      %dma_wait3A_37 = arith.constant 0 : i32
      %dma_wait3A_38 = tpu.memref_slice %arg3[%add3A, %dma_wait3A, %dma_wait3A_37] : memref<32x125x80xi32, #tpu.memory_space<hbm>> -> memref<1x125x80xi32, #tpu.memory_space<hbm>>
      %dma_wait3A_39 = tpu.memref_squeeze %dma_wait3A_38 : memref<1x125x80xi32, #tpu.memory_space<hbm>> -> memref<125x80xi32, #tpu.memory_space<hbm>>
      %dma_wait3A_40 = arith.constant 0 : i32
      %dma_wait3A_41 = arith.constant 0 : i32
      %dma_wait3A_42 = tpu.memref_slice %arg3[%add3A, %dma_wait3A_40, %dma_wait3A_41] : memref<32x125x80xi32, #tpu.memory_space<hbm>> -> memref<1x125x80xi32, #tpu.memory_space<hbm>>
      %dma_wait3A_43 = tpu.memref_squeeze %dma_wait3A_42 : memref<1x125x80xi32, #tpu.memory_space<hbm>> -> memref<125x80xi32, #tpu.memory_space<hbm>>
      tpu.wait_dma2 semaphore(%run_scoped3A : memref<!tpu.dma_semaphore, #tpu.memory_space<semaphore_mem>>) src(%dma_wait3A_43 : memref<125x80xi32, #tpu.memory_space<hbm>>) dst(%arg7 : memref<125x80xi32, #tpu.memory_space<vmem>>)
      tpu.yield
    }) : () -> ()
    "tpu.region"() ({
      %run_scoped3A = tpu.sem_alloc : memref<!tpu.dma_semaphore, #tpu.memory_space<semaphore_mem>>
      %dma_start3A = arith.constant 0 : i32
      %dma_start3A_30 = arith.constant 0 : i32
      %dma_start3A_31 = tpu.memref_slice %arg4[%add3A, %dma_start3A, %dma_start3A_30] : memref<32x125x80xi32, #tpu.memory_space<hbm>> -> memref<1x125x80xi32, #tpu.memory_space<hbm>>
      %dma_start3A_32 = tpu.memref_squeeze %dma_start3A_31 : memref<1x125x80xi32, #tpu.memory_space<hbm>> -> memref<125x80xi32, #tpu.memory_space<hbm>>
      %dma_start3A_33 = arith.constant 0 : i32
      %dma_start3A_34 = arith.constant 0 : i32
      %dma_start3A_35 = tpu.memref_slice %arg4[%add3A, %dma_start3A_33, %dma_start3A_34] : memref<32x125x80xi32, #tpu.memory_space<hbm>> -> memref<1x125x80xi32, #tpu.memory_space<hbm>>
      %dma_start3A_36 = tpu.memref_squeeze %dma_start3A_35 : memref<1x125x80xi32, #tpu.memory_space<hbm>> -> memref<125x80xi32, #tpu.memory_space<hbm>>
      tpu.enqueue_dma source(%dma_start3A_36 : memref<125x80xi32, #tpu.memory_space<hbm>>) target(%arg8 : memref<125x80xi32, #tpu.memory_space<vmem>>) target_semaphore(%run_scoped3A : memref<!tpu.dma_semaphore, #tpu.memory_space<semaphore_mem>>)
      %dma_wait3A = arith.constant 0 : i32
      %dma_wait3A_37 = arith.constant 0 : i32
      %dma_wait3A_38 = tpu.memref_slice %arg4[%add3A, %dma_wait3A, %dma_wait3A_37] : memref<32x125x80xi32, #tpu.memory_space<hbm>> -> memref<1x125x80xi32, #tpu.memory_space<hbm>>
      %dma_wait3A_39 = tpu.memref_squeeze %dma_wait3A_38 : memref<1x125x80xi32, #tpu.memory_space<hbm>> -> memref<125x80xi32, #tpu.memory_space<hbm>>
      %dma_wait3A_40 = arith.constant 0 : i32
      %dma_wait3A_41 = arith.constant 0 : i32
      %dma_wait3A_42 = tpu.memref_slice %arg4[%add3A, %dma_wait3A_40, %dma_wait3A_41] : memref<32x125x80xi32, #tpu.memory_space<hbm>> -> memref<1x125x80xi32, #tpu.memory_space<hbm>>
      %dma_wait3A_43 = tpu.memref_squeeze %dma_wait3A_42 : memref<1x125x80xi32, #tpu.memory_space<hbm>> -> memref<125x80xi32, #tpu.memory_space<hbm>>
      tpu.wait_dma2 semaphore(%run_scoped3A : memref<!tpu.dma_semaphore, #tpu.memory_space<semaphore_mem>>) src(%dma_wait3A_43 : memref<125x80xi32, #tpu.memory_space<hbm>>) dst(%arg8 : memref<125x80xi32, #tpu.memory_space<vmem>>)
      tpu.yield
    }) : () -> ()
    %barrier3A = arith.constant 0 : index
    tpu.barrier barrier_id(%barrier3A)
    %scan3A_13 = arith.constant 0 : i32
    %scan3A_14 = arith.constant 0 : i32
    %scan3A_15 = arith.constant 125 : i32
    %scan3A_16 = arith.addi %scan3A_14, %scan3A_15 : i32
    %scan3A_17 = arith.constant 1 : i32
    scf.for %scan3A_30 = %scan3A_14 to %scan3A_16 step %scan3A_17  : i32 {
      %dma_start3A = arith.constant 0 : i32
      %dma_start3A_31 = tpu.memref_slice %arg8[%scan3A_30, %dma_start3A] : memref<125x80xi32, #tpu.memory_space<vmem>> -> memref<1x80xi32, #tpu.memory_space<vmem>>
      %dma_start3A_32 = tpu.memref_squeeze %dma_start3A_31 : memref<1x80xi32, #tpu.memory_space<vmem>> -> memref<80xi32, #tpu.memory_space<vmem>>
      %dma_start3A_33 = arith.constant 0 : i32
      %dma_start3A_34 = arith.constant 0 : i32
      %dma_start3A_35 = tpu.memref_slice %arg2[%dma_start3A_33, %dma_start3A_34] : memref<5000x128xf32, #tpu.memory_space<hbm>> -> memref<5000x128xf32, #tpu.memory_space<hbm>>
      tpu.enqueue_indirect_dma source(%dma_start3A_35 : memref<5000x128xf32, #tpu.memory_space<hbm>>) target(%arg9 : memref<80x128xf32, #tpu.memory_space<vmem>>) offsets(%dma_start3A_32 : memref<80xi32, #tpu.memory_space<vmem>>) semaphore(%arg11 : memref<!tpu.dma_semaphore, #tpu.memory_space<semaphore_mem>>)
      %dma_wait3A = arith.constant 0 : i32
      %dma_wait3A_36 = tpu.memref_slice %arg8[%scan3A_30, %dma_wait3A] : memref<125x80xi32, #tpu.memory_space<vmem>> -> memref<1x80xi32, #tpu.memory_space<vmem>>
      %dma_wait3A_37 = tpu.memref_squeeze %dma_wait3A_36 : memref<1x80xi32, #tpu.memory_space<vmem>> -> memref<80xi32, #tpu.memory_space<vmem>>
      %dma_wait3A_38 = arith.constant 0 : i32
      %dma_wait3A_39 = arith.constant 0 : i32
      %dma_wait3A_40 = tpu.memref_slice %arg2[%dma_wait3A_38, %dma_wait3A_39] : memref<5000x128xf32, #tpu.memory_space<hbm>> -> memref<5000x128xf32, #tpu.memory_space<hbm>>
      tpu.wait_indirect_dma semaphore(%arg11 : memref<!tpu.dma_semaphore, #tpu.memory_space<semaphore_mem>>) src(%dma_wait3A_40 : memref<5000x128xf32, #tpu.memory_space<hbm>>) dst(%arg9 : memref<80x128xf32, #tpu.memory_space<vmem>>)
      "tpu.region"() ({
        %run_scoped3A = tpu.sem_alloc : memref<!tpu.dma_semaphore, #tpu.memory_space<semaphore_mem>>
        %dma_start3A_41 = arith.constant 0 : i32
        %dma_start3A_42 = tpu.memref_slice %arg7[%scan3A_30, %dma_start3A_41] : memref<125x80xi32, #tpu.memory_space<vmem>> -> memref<1x80xi32, #tpu.memory_space<vmem>>
        %dma_start3A_43 = tpu.memref_squeeze %dma_start3A_42 : memref<1x80xi32, #tpu.memory_space<vmem>> -> memref<80xi32, #tpu.memory_space<vmem>>
        %dma_start3A_44 = arith.constant 0 : i32
        %dma_start3A_45 = arith.constant 0 : i32
        %dma_start3A_46 = tpu.memref_slice %arg6[%dma_start3A_44, %dma_start3A_45] : memref<10000x128xf32, #tpu.memory_space<vmem_shared>> -> memref<10000x128xf32, #tpu.memory_space<vmem_shared>>
        tpu.enqueue_indirect_dma source(%arg9 : memref<80x128xf32, #tpu.memory_space<vmem>>) target(%dma_start3A_46 : memref<10000x128xf32, #tpu.memory_space<vmem_shared>>) offsets(%dma_start3A_43 : memref<80xi32, #tpu.memory_space<vmem>>) semaphore(%run_scoped3A : memref<!tpu.dma_semaphore, #tpu.memory_space<semaphore_mem>>) {add = true}
        %dma_wait3A_47 = arith.constant 0 : i32
        %dma_wait3A_48 = tpu.memref_slice %arg7[%scan3A_30, %dma_wait3A_47] : memref<125x80xi32, #tpu.memory_space<vmem>> -> memref<1x80xi32, #tpu.memory_space<vmem>>
        %dma_wait3A_49 = tpu.memref_squeeze %dma_wait3A_48 : memref<1x80xi32, #tpu.memory_space<vmem>> -> memref<80xi32, #tpu.memory_space<vmem>>
        %dma_wait3A_50 = arith.constant 0 : i32
        %dma_wait3A_51 = arith.constant 0 : i32
        %dma_wait3A_52 = tpu.memref_slice %arg6[%dma_wait3A_50, %dma_wait3A_51] : memref<10000x128xf32, #tpu.memory_space<vmem_shared>> -> memref<10000x128xf32, #tpu.memory_space<vmem_shared>>
        tpu.wait_indirect_dma semaphore(%run_scoped3A : memref<!tpu.dma_semaphore, #tpu.memory_space<semaphore_mem>>) src(%arg9 : memref<80x128xf32, #tpu.memory_space<vmem>>) dst(%dma_wait3A_52 : memref<10000x128xf32, #tpu.memory_space<vmem_shared>>)
        tpu.yield
      }) : () -> ()
    }
    %scan3A_18 = arith.constant 125 : i32
    %barrier3A_19 = arith.constant 0 : index
    tpu.barrier barrier_id(%barrier3A_19)
    %lt3A_20 = arith.constant 15 : i32
    %lt3A_21 = arith.cmpi slt, %arg1, %lt3A_20 : i32
    %convert_element_type3A_22 = arith.extui %lt3A_21 : i1 to i32
    %cond3A_23 = arith.constant 0 : i32
    %cond3A_24 = arith.cmpi ne, %convert_element_type3A_22, %cond3A_23 : i32
    scf.if %cond3A_24 {
      %mul3A_30 = arith.constant 624 : i32
      %mul3A_31 = arith.muli %arg1, %mul3A_30 : i32
      %add3A_32 = arith.constant 0 : i32
      %add3A_33 = arith.addi %mul3A_31, %add3A_32 : i32
      %add3A_34 = arith.constant 0 : i32
      %add3A_35 = arith.addi %mul3A_31, %add3A_34 : i32
      "tpu.region"() ({
        %run_scoped3A = tpu.sem_alloc : memref<!tpu.dma_semaphore, #tpu.memory_space<semaphore_mem>>
        %dma_start3A = arith.constant 0 : i32
        %dma_start3A_64 = tpu.memref_slice %arg5[%arg0, %add3A_35, %dma_start3A] : memref<2x10000x128xf32, #tpu.memory_space<hbm>> -> memref<1x80x128xf32, #tpu.memory_space<hbm>>
        %dma_start3A_65 = tpu.memref_squeeze %dma_start3A_64 : memref<1x80x128xf32, #tpu.memory_space<hbm>> -> memref<80x128xf32, #tpu.memory_space<hbm>>
        %dma_start3A_66 = arith.constant 0 : i32
        %dma_start3A_67 = tpu.memref_slice %arg6[%add3A_33, %dma_start3A_66] : memref<10000x128xf32, #tpu.memory_space<vmem_shared>> -> memref<80x128xf32, #tpu.memory_space<vmem_shared>>
        tpu.enqueue_dma source(%dma_start3A_67 : memref<80x128xf32, #tpu.memory_space<vmem_shared>>) target(%dma_start3A_65 : memref<80x128xf32, #tpu.memory_space<hbm>>) target_semaphore(%run_scoped3A : memref<!tpu.dma_semaphore, #tpu.memory_space<semaphore_mem>>)
        %dma_wait3A = arith.constant 0 : i32
        %dma_wait3A_68 = tpu.memref_slice %arg5[%arg0, %add3A_35, %dma_wait3A] : memref<2x10000x128xf32, #tpu.memory_space<hbm>> -> memref<1x80x128xf32, #tpu.memory_space<hbm>>
        %dma_wait3A_69 = tpu.memref_squeeze %dma_wait3A_68 : memref<1x80x128xf32, #tpu.memory_space<hbm>> -> memref<80x128xf32, #tpu.memory_space<hbm>>
        %dma_wait3A_70 = arith.constant 0 : i32
        %dma_wait3A_71 = tpu.memref_slice %arg6[%add3A_33, %dma_wait3A_70] : memref<10000x128xf32, #tpu.memory_space<vmem_shared>> -> memref<80x128xf32, #tpu.memory_space<vmem_shared>>
        tpu.wait_dma2 semaphore(%run_scoped3A : memref<!tpu.dma_semaphore, #tpu.memory_space<semaphore_mem>>) src(%dma_wait3A_71 : memref<80x128xf32, #tpu.memory_space<vmem_shared>>) dst(%dma_wait3A_69 : memref<80x128xf32, #tpu.memory_space<hbm>>)
        tpu.yield
      }) : () -> ()
      %add3A_36 = arith.constant 80 : i32
      %add3A_37 = arith.addi %mul3A_31, %add3A_36 : i32
      %add3A_38 = arith.constant 80 : i32
      %add3A_39 = arith.addi %mul3A_31, %add3A_38 : i32
      "tpu.region"() ({
        %run_scoped3A = tpu.sem_alloc : memref<!tpu.dma_semaphore, #tpu.memory_space<semaphore_mem>>
        %dma_start3A = arith.constant 0 : i32
        %dma_start3A_64 = tpu.memref_slice %arg5[%arg0, %add3A_39, %dma_start3A] : memref<2x10000x128xf32, #tpu.memory_space<hbm>> -> memref<1x80x128xf32, #tpu.memory_space<hbm>>
        %dma_start3A_65 = tpu.memref_squeeze %dma_start3A_64 : memref<1x80x128xf32, #tpu.memory_space<hbm>> -> memref<80x128xf32, #tpu.memory_space<hbm>>
        %dma_start3A_66 = arith.constant 0 : i32
        %dma_start3A_67 = tpu.memref_slice %arg6[%add3A_37, %dma_start3A_66] : memref<10000x128xf32, #tpu.memory_space<vmem_shared>> -> memref<80x128xf32, #tpu.memory_space<vmem_shared>>
        tpu.enqueue_dma source(%dma_start3A_67 : memref<80x128xf32, #tpu.memory_space<vmem_shared>>) target(%dma_start3A_65 : memref<80x128xf32, #tpu.memory_space<hbm>>) target_semaphore(%run_scoped3A : memref<!tpu.dma_semaphore, #tpu.memory_space<semaphore_mem>>)
        %dma_wait3A = arith.constant 0 : i32
        %dma_wait3A_68 = tpu.memref_slice %arg5[%arg0, %add3A_39, %dma_wait3A] : memref<2x10000x128xf32, #tpu.memory_space<hbm>> -> memref<1x80x128xf32, #tpu.memory_space<hbm>>
        %dma_wait3A_69 = tpu.memref_squeeze %dma_wait3A_68 : memref<1x80x128xf32, #tpu.memory_space<hbm>> -> memref<80x128xf32, #tpu.memory_space<hbm>>
        %dma_wait3A_70 = arith.constant 0 : i32
        %dma_wait3A_71 = tpu.memref_slice %arg6[%add3A_37, %dma_wait3A_70] : memref<10000x128xf32, #tpu.memory_space<vmem_shared>> -> memref<80x128xf32, #tpu.memory_space<vmem_shared>>
        tpu.wait_dma2 semaphore(%run_scoped3A : memref<!tpu.dma_semaphore, #tpu.memory_space<semaphore_mem>>) src(%dma_wait3A_71 : memref<80x128xf32, #tpu.memory_space<vmem_shared>>) dst(%dma_wait3A_69 : memref<80x128xf32, #tpu.memory_space<hbm>>)
        tpu.yield
      }) : () -> ()
      %add3A_40 = arith.constant 160 : i32
      %add3A_41 = arith.addi %mul3A_31, %add3A_40 : i32
      %add3A_42 = arith.constant 160 : i32
      %add3A_43 = arith.addi %mul3A_31, %add3A_42 : i32
      "tpu.region"() ({
        %run_scoped3A = tpu.sem_alloc : memref<!tpu.dma_semaphore, #tpu.memory_space<semaphore_mem>>
        %dma_start3A = arith.constant 0 : i32
        %dma_start3A_64 = tpu.memref_slice %arg5[%arg0, %add3A_43, %dma_start3A] : memref<2x10000x128xf32, #tpu.memory_space<hbm>> -> memref<1x80x128xf32, #tpu.memory_space<hbm>>
        %dma_start3A_65 = tpu.memref_squeeze %dma_start3A_64 : memref<1x80x128xf32, #tpu.memory_space<hbm>> -> memref<80x128xf32, #tpu.memory_space<hbm>>
        %dma_start3A_66 = arith.constant 0 : i32
        %dma_start3A_67 = tpu.memref_slice %arg6[%add3A_41, %dma_start3A_66] : memref<10000x128xf32, #tpu.memory_space<vmem_shared>> -> memref<80x128xf32, #tpu.memory_space<vmem_shared>>
        tpu.enqueue_dma source(%dma_start3A_67 : memref<80x128xf32, #tpu.memory_space<vmem_shared>>) target(%dma_start3A_65 : memref<80x128xf32, #tpu.memory_space<hbm>>) target_semaphore(%run_scoped3A : memref<!tpu.dma_semaphore, #tpu.memory_space<semaphore_mem>>)
        %dma_wait3A = arith.constant 0 : i32
        %dma_wait3A_68 = tpu.memref_slice %arg5[%arg0, %add3A_43, %dma_wait3A] : memref<2x10000x128xf32, #tpu.memory_space<hbm>> -> memref<1x80x128xf32, #tpu.memory_space<hbm>>
        %dma_wait3A_69 = tpu.memref_squeeze %dma_wait3A_68 : memref<1x80x128xf32, #tpu.memory_space<hbm>> -> memref<80x128xf32, #tpu.memory_space<hbm>>
        %dma_wait3A_70 = arith.constant 0 : i32
        %dma_wait3A_71 = tpu.memref_slice %arg6[%add3A_41, %dma_wait3A_70] : memref<10000x128xf32, #tpu.memory_space<vmem_shared>> -> memref<80x128xf32, #tpu.memory_space<vmem_shared>>
        tpu.wait_dma2 semaphore(%run_scoped3A : memref<!tpu.dma_semaphore, #tpu.memory_space<semaphore_mem>>) src(%dma_wait3A_71 : memref<80x128xf32, #tpu.memory_space<vmem_shared>>) dst(%dma_wait3A_69 : memref<80x128xf32, #tpu.memory_space<hbm>>)
        tpu.yield
      }) : () -> ()
      %add3A_44 = arith.constant 240 : i32
      %add3A_45 = arith.addi %mul3A_31, %add3A_44 : i32
      %add3A_46 = arith.constant 240 : i32
      %add3A_47 = arith.addi %mul3A_31, %add3A_46 : i32
      "tpu.region"() ({
        %run_scoped3A = tpu.sem_alloc : memref<!tpu.dma_semaphore, #tpu.memory_space<semaphore_mem>>
        %dma_start3A = arith.constant 0 : i32
        %dma_start3A_64 = tpu.memref_slice %arg5[%arg0, %add3A_47, %dma_start3A] : memref<2x10000x128xf32, #tpu.memory_space<hbm>> -> memref<1x80x128xf32, #tpu.memory_space<hbm>>
        %dma_start3A_65 = tpu.memref_squeeze %dma_start3A_64 : memref<1x80x128xf32, #tpu.memory_space<hbm>> -> memref<80x128xf32, #tpu.memory_space<hbm>>
        %dma_start3A_66 = arith.constant 0 : i32
        %dma_start3A_67 = tpu.memref_slice %arg6[%add3A_45, %dma_start3A_66] : memref<10000x128xf32, #tpu.memory_space<vmem_shared>> -> memref<80x128xf32, #tpu.memory_space<vmem_shared>>
        tpu.enqueue_dma source(%dma_start3A_67 : memref<80x128xf32, #tpu.memory_space<vmem_shared>>) target(%dma_start3A_65 : memref<80x128xf32, #tpu.memory_space<hbm>>) target_semaphore(%run_scoped3A : memref<!tpu.dma_semaphore, #tpu.memory_space<semaphore_mem>>)
        %dma_wait3A = arith.constant 0 : i32
        %dma_wait3A_68 = tpu.memref_slice %arg5[%arg0, %add3A_47, %dma_wait3A] : memref<2x10000x128xf32, #tpu.memory_space<hbm>> -> memref<1x80x128xf32, #tpu.memory_space<hbm>>
        %dma_wait3A_69 = tpu.memref_squeeze %dma_wait3A_68 : memref<1x80x128xf32, #tpu.memory_space<hbm>> -> memref<80x128xf32, #tpu.memory_space<hbm>>
        %dma_wait3A_70 = arith.constant 0 : i32
        %dma_wait3A_71 = tpu.memref_slice %arg6[%add3A_45, %dma_wait3A_70] : memref<10000x128xf32, #tpu.memory_space<vmem_shared>> -> memref<80x128xf32, #tpu.memory_space<vmem_shared>>
        tpu.wait_dma2 semaphore(%run_scoped3A : memref<!tpu.dma_semaphore, #tpu.memory_space<semaphore_mem>>) src(%dma_wait3A_71 : memref<80x128xf32, #tpu.memory_space<vmem_shared>>) dst(%dma_wait3A_69 : memref<80x128xf32, #tpu.memory_space<hbm>>)
        tpu.yield
      }) : () -> ()
      %add3A_48 = arith.constant 320 : i32
      %add3A_49 = arith.addi %mul3A_31, %add3A_48 : i32
      %add3A_50 = arith.constant 320 : i32
      %add3A_51 = arith.addi %mul3A_31, %add3A_50 : i32
      "tpu.region"() ({
        %run_scoped3A = tpu.sem_alloc : memref<!tpu.dma_semaphore, #tpu.memory_space<semaphore_mem>>
        %dma_start3A = arith.constant 0 : i32
        %dma_start3A_64 = tpu.memref_slice %arg5[%arg0, %add3A_51, %dma_start3A] : memref<2x10000x128xf32, #tpu.memory_space<hbm>> -> memref<1x80x128xf32, #tpu.memory_space<hbm>>
        %dma_start3A_65 = tpu.memref_squeeze %dma_start3A_64 : memref<1x80x128xf32, #tpu.memory_space<hbm>> -> memref<80x128xf32, #tpu.memory_space<hbm>>
        %dma_start3A_66 = arith.constant 0 : i32
        %dma_start3A_67 = tpu.memref_slice %arg6[%add3A_49, %dma_start3A_66] : memref<10000x128xf32, #tpu.memory_space<vmem_shared>> -> memref<80x128xf32, #tpu.memory_space<vmem_shared>>
        tpu.enqueue_dma source(%dma_start3A_67 : memref<80x128xf32, #tpu.memory_space<vmem_shared>>) target(%dma_start3A_65 : memref<80x128xf32, #tpu.memory_space<hbm>>) target_semaphore(%run_scoped3A : memref<!tpu.dma_semaphore, #tpu.memory_space<semaphore_mem>>)
        %dma_wait3A = arith.constant 0 : i32
        %dma_wait3A_68 = tpu.memref_slice %arg5[%arg0, %add3A_51, %dma_wait3A] : memref<2x10000x128xf32, #tpu.memory_space<hbm>> -> memref<1x80x128xf32, #tpu.memory_space<hbm>>
        %dma_wait3A_69 = tpu.memref_squeeze %dma_wait3A_68 : memref<1x80x128xf32, #tpu.memory_space<hbm>> -> memref<80x128xf32, #tpu.memory_space<hbm>>
        %dma_wait3A_70 = arith.constant 0 : i32
        %dma_wait3A_71 = tpu.memref_slice %arg6[%add3A_49, %dma_wait3A_70] : memref<10000x128xf32, #tpu.memory_space<vmem_shared>> -> memref<80x128xf32, #tpu.memory_space<vmem_shared>>
        tpu.wait_dma2 semaphore(%run_scoped3A : memref<!tpu.dma_semaphore, #tpu.memory_space<semaphore_mem>>) src(%dma_wait3A_71 : memref<80x128xf32, #tpu.memory_space<vmem_shared>>) dst(%dma_wait3A_69 : memref<80x128xf32, #tpu.memory_space<hbm>>)
        tpu.yield
      }) : () -> ()
      %add3A_52 = arith.constant 400 : i32
      %add3A_53 = arith.addi %mul3A_31, %add3A_52 : i32
      %add3A_54 = arith.constant 400 : i32
      %add3A_55 = arith.addi %mul3A_31, %add3A_54 : i32
      "tpu.region"() ({
        %run_scoped3A = tpu.sem_alloc : memref<!tpu.dma_semaphore, #tpu.memory_space<semaphore_mem>>
        %dma_start3A = arith.constant 0 : i32
        %dma_start3A_64 = tpu.memref_slice %arg5[%arg0, %add3A_55, %dma_start3A] : memref<2x10000x128xf32, #tpu.memory_space<hbm>> -> memref<1x80x128xf32, #tpu.memory_space<hbm>>
        %dma_start3A_65 = tpu.memref_squeeze %dma_start3A_64 : memref<1x80x128xf32, #tpu.memory_space<hbm>> -> memref<80x128xf32, #tpu.memory_space<hbm>>
        %dma_start3A_66 = arith.constant 0 : i32
        %dma_start3A_67 = tpu.memref_slice %arg6[%add3A_53, %dma_start3A_66] : memref<10000x128xf32, #tpu.memory_space<vmem_shared>> -> memref<80x128xf32, #tpu.memory_space<vmem_shared>>
        tpu.enqueue_dma source(%dma_start3A_67 : memref<80x128xf32, #tpu.memory_space<vmem_shared>>) target(%dma_start3A_65 : memref<80x128xf32, #tpu.memory_space<hbm>>) target_semaphore(%run_scoped3A : memref<!tpu.dma_semaphore, #tpu.memory_space<semaphore_mem>>)
        %dma_wait3A = arith.constant 0 : i32
        %dma_wait3A_68 = tpu.memref_slice %arg5[%arg0, %add3A_55, %dma_wait3A] : memref<2x10000x128xf32, #tpu.memory_space<hbm>> -> memref<1x80x128xf32, #tpu.memory_space<hbm>>
        %dma_wait3A_69 = tpu.memref_squeeze %dma_wait3A_68 : memref<1x80x128xf32, #tpu.memory_space<hbm>> -> memref<80x128xf32, #tpu.memory_space<hbm>>
        %dma_wait3A_70 = arith.constant 0 : i32
        %dma_wait3A_71 = tpu.memref_slice %arg6[%add3A_53, %dma_wait3A_70] : memref<10000x128xf32, #tpu.memory_space<vmem_shared>> -> memref<80x128xf32, #tpu.memory_space<vmem_shared>>
        tpu.wait_dma2 semaphore(%run_scoped3A : memref<!tpu.dma_semaphore, #tpu.memory_space<semaphore_mem>>) src(%dma_wait3A_71 : memref<80x128xf32, #tpu.memory_space<vmem_shared>>) dst(%dma_wait3A_69 : memref<80x128xf32, #tpu.memory_space<hbm>>)
        tpu.yield
      }) : () -> ()
      %add3A_56 = arith.constant 480 : i32
      %add3A_57 = arith.addi %mul3A_31, %add3A_56 : i32
      %add3A_58 = arith.constant 480 : i32
      %add3A_59 = arith.addi %mul3A_31, %add3A_58 : i32
      "tpu.region"() ({
        %run_scoped3A = tpu.sem_alloc : memref<!tpu.dma_semaphore, #tpu.memory_space<semaphore_mem>>
        %dma_start3A = arith.constant 0 : i32
        %dma_start3A_64 = tpu.memref_slice %arg5[%arg0, %add3A_59, %dma_start3A] : memref<2x10000x128xf32, #tpu.memory_space<hbm>> -> memref<1x80x128xf32, #tpu.memory_space<hbm>>
        %dma_start3A_65 = tpu.memref_squeeze %dma_start3A_64 : memref<1x80x128xf32, #tpu.memory_space<hbm>> -> memref<80x128xf32, #tpu.memory_space<hbm>>
        %dma_start3A_66 = arith.constant 0 : i32
        %dma_start3A_67 = tpu.memref_slice %arg6[%add3A_57, %dma_start3A_66] : memref<10000x128xf32, #tpu.memory_space<vmem_shared>> -> memref<80x128xf32, #tpu.memory_space<vmem_shared>>
        tpu.enqueue_dma source(%dma_start3A_67 : memref<80x128xf32, #tpu.memory_space<vmem_shared>>) target(%dma_start3A_65 : memref<80x128xf32, #tpu.memory_space<hbm>>) target_semaphore(%run_scoped3A : memref<!tpu.dma_semaphore, #tpu.memory_space<semaphore_mem>>)
        %dma_wait3A = arith.constant 0 : i32
        %dma_wait3A_68 = tpu.memref_slice %arg5[%arg0, %add3A_59, %dma_wait3A] : memref<2x10000x128xf32, #tpu.memory_space<hbm>> -> memref<1x80x128xf32, #tpu.memory_space<hbm>>
        %dma_wait3A_69 = tpu.memref_squeeze %dma_wait3A_68 : memref<1x80x128xf32, #tpu.memory_space<hbm>> -> memref<80x128xf32, #tpu.memory_space<hbm>>
        %dma_wait3A_70 = arith.constant 0 : i32
        %dma_wait3A_71 = tpu.memref_slice %arg6[%add3A_57, %dma_wait3A_70] : memref<10000x128xf32, #tpu.memory_space<vmem_shared>> -> memref<80x128xf32, #tpu.memory_space<vmem_shared>>
        tpu.wait_dma2 semaphore(%run_scoped3A : memref<!tpu.dma_semaphore, #tpu.memory_space<semaphore_mem>>) src(%dma_wait3A_71 : memref<80x128xf32, #tpu.memory_space<vmem_shared>>) dst(%dma_wait3A_69 : memref<80x128xf32, #tpu.memory_space<hbm>>)
        tpu.yield
      }) : () -> ()
      %add3A_60 = arith.constant 560 : i32
      %add3A_61 = arith.addi %mul3A_31, %add3A_60 : i32
      %add3A_62 = arith.constant 560 : i32
      %add3A_63 = arith.addi %mul3A_31, %add3A_62 : i32
      "tpu.region"() ({
        %run_scoped3A = tpu.sem_alloc : memref<!tpu.dma_semaphore, #tpu.memory_space<semaphore_mem>>
        %dma_start3A = arith.constant 0 : i32
        %dma_start3A_64 = tpu.memref_slice %arg5[%arg0, %add3A_63, %dma_start3A] : memref<2x10000x128xf32, #tpu.memory_space<hbm>> -> memref<1x64x128xf32, #tpu.memory_space<hbm>>
        %dma_start3A_65 = tpu.memref_squeeze %dma_start3A_64 : memref<1x64x128xf32, #tpu.memory_space<hbm>> -> memref<64x128xf32, #tpu.memory_space<hbm>>
        %dma_start3A_66 = arith.constant 0 : i32
        %dma_start3A_67 = tpu.memref_slice %arg6[%add3A_61, %dma_start3A_66] : memref<10000x128xf32, #tpu.memory_space<vmem_shared>> -> memref<64x128xf32, #tpu.memory_space<vmem_shared>>
        tpu.enqueue_dma source(%dma_start3A_67 : memref<64x128xf32, #tpu.memory_space<vmem_shared>>) target(%dma_start3A_65 : memref<64x128xf32, #tpu.memory_space<hbm>>) target_semaphore(%run_scoped3A : memref<!tpu.dma_semaphore, #tpu.memory_space<semaphore_mem>>)
        %dma_wait3A = arith.constant 0 : i32
        %dma_wait3A_68 = tpu.memref_slice %arg5[%arg0, %add3A_63, %dma_wait3A] : memref<2x10000x128xf32, #tpu.memory_space<hbm>> -> memref<1x64x128xf32, #tpu.memory_space<hbm>>
        %dma_wait3A_69 = tpu.memref_squeeze %dma_wait3A_68 : memref<1x64x128xf32, #tpu.memory_space<hbm>> -> memref<64x128xf32, #tpu.memory_space<hbm>>
        %dma_wait3A_70 = arith.constant 0 : i32
        %dma_wait3A_71 = tpu.memref_slice %arg6[%add3A_61, %dma_wait3A_70] : memref<10000x128xf32, #tpu.memory_space<vmem_shared>> -> memref<64x128xf32, #tpu.memory_space<vmem_shared>>
        tpu.wait_dma2 semaphore(%run_scoped3A : memref<!tpu.dma_semaphore, #tpu.memory_space<semaphore_mem>>) src(%dma_wait3A_71 : memref<64x128xf32, #tpu.memory_space<vmem_shared>>) dst(%dma_wait3A_69 : memref<64x128xf32, #tpu.memory_space<hbm>>)
        tpu.yield
      }) : () -> ()
    } else {
    }
    %eq3A_25 = arith.constant 15 : i32
    %eq3A_26 = arith.cmpi eq, %arg1, %eq3A_25 : i32
    %convert_element_type3A_27 = arith.extui %eq3A_26 : i1 to i32
    %cond3A_28 = arith.constant 0 : i32
    %cond3A_29 = arith.cmpi ne, %convert_element_type3A_27, %cond3A_28 : i32
    scf.if %cond3A_29 {
      "tpu.region"() ({
        %run_scoped3A = tpu.sem_alloc : memref<!tpu.dma_semaphore, #tpu.memory_space<semaphore_mem>>
        %dma_start3A = arith.constant 9360 : i32
        %dma_start3A_30 = arith.constant 0 : i32
        %dma_start3A_31 = tpu.memref_slice %arg5[%arg0, %dma_start3A, %dma_start3A_30] : memref<2x10000x128xf32, #tpu.memory_space<hbm>> -> memref<1x80x128xf32, #tpu.memory_space<hbm>>
        %dma_start3A_32 = tpu.memref_squeeze %dma_start3A_31 : memref<1x80x128xf32, #tpu.memory_space<hbm>> -> memref<80x128xf32, #tpu.memory_space<hbm>>
        %dma_start3A_33 = arith.constant 9360 : i32
        %dma_start3A_34 = arith.constant 0 : i32
        %dma_start3A_35 = tpu.memref_slice %arg6[%dma_start3A_33, %dma_start3A_34] : memref<10000x128xf32, #tpu.memory_space<vmem_shared>> -> memref<80x128xf32, #tpu.memory_space<vmem_shared>>
        tpu.enqueue_dma source(%dma_start3A_35 : memref<80x128xf32, #tpu.memory_space<vmem_shared>>) target(%dma_start3A_32 : memref<80x128xf32, #tpu.memory_space<hbm>>) target_semaphore(%run_scoped3A : memref<!tpu.dma_semaphore, #tpu.memory_space<semaphore_mem>>)
        %dma_wait3A = arith.constant 9360 : i32
        %dma_wait3A_36 = arith.constant 0 : i32
        %dma_wait3A_37 = tpu.memref_slice %arg5[%arg0, %dma_wait3A, %dma_wait3A_36] : memref<2x10000x128xf32, #tpu.memory_space<hbm>> -> memref<1x80x128xf32, #tpu.memory_space<hbm>>
        %dma_wait3A_38 = tpu.memref_squeeze %dma_wait3A_37 : memref<1x80x128xf32, #tpu.memory_space<hbm>> -> memref<80x128xf32, #tpu.memory_space<hbm>>
        %dma_wait3A_39 = arith.constant 9360 : i32
        %dma_wait3A_40 = arith.constant 0 : i32
        %dma_wait3A_41 = tpu.memref_slice %arg6[%dma_wait3A_39, %dma_wait3A_40] : memref<10000x128xf32, #tpu.memory_space<vmem_shared>> -> memref<80x128xf32, #tpu.memory_space<vmem_shared>>
        tpu.wait_dma2 semaphore(%run_scoped3A : memref<!tpu.dma_semaphore, #tpu.memory_space<semaphore_mem>>) src(%dma_wait3A_41 : memref<80x128xf32, #tpu.memory_space<vmem_shared>>) dst(%dma_wait3A_38 : memref<80x128xf32, #tpu.memory_space<hbm>>)
        tpu.yield
      }) : () -> ()
      "tpu.region"() ({
        %run_scoped3A = tpu.sem_alloc : memref<!tpu.dma_semaphore, #tpu.memory_space<semaphore_mem>>
        %dma_start3A = arith.constant 9440 : i32
        %dma_start3A_30 = arith.constant 0 : i32
        %dma_start3A_31 = tpu.memref_slice %arg5[%arg0, %dma_start3A, %dma_start3A_30] : memref<2x10000x128xf32, #tpu.memory_space<hbm>> -> memref<1x80x128xf32, #tpu.memory_space<hbm>>
        %dma_start3A_32 = tpu.memref_squeeze %dma_start3A_31 : memref<1x80x128xf32, #tpu.memory_space<hbm>> -> memref<80x128xf32, #tpu.memory_space<hbm>>
        %dma_start3A_33 = arith.constant 9440 : i32
        %dma_start3A_34 = arith.constant 0 : i32
        %dma_start3A_35 = tpu.memref_slice %arg6[%dma_start3A_33, %dma_start3A_34] : memref<10000x128xf32, #tpu.memory_space<vmem_shared>> -> memref<80x128xf32, #tpu.memory_space<vmem_shared>>
        tpu.enqueue_dma source(%dma_start3A_35 : memref<80x128xf32, #tpu.memory_space<vmem_shared>>) target(%dma_start3A_32 : memref<80x128xf32, #tpu.memory_space<hbm>>) target_semaphore(%run_scoped3A : memref<!tpu.dma_semaphore, #tpu.memory_space<semaphore_mem>>)
        %dma_wait3A = arith.constant 9440 : i32
        %dma_wait3A_36 = arith.constant 0 : i32
        %dma_wait3A_37 = tpu.memref_slice %arg5[%arg0, %dma_wait3A, %dma_wait3A_36] : memref<2x10000x128xf32, #tpu.memory_space<hbm>> -> memref<1x80x128xf32, #tpu.memory_space<hbm>>
        %dma_wait3A_38 = tpu.memref_squeeze %dma_wait3A_37 : memref<1x80x128xf32, #tpu.memory_space<hbm>> -> memref<80x128xf32, #tpu.memory_space<hbm>>
        %dma_wait3A_39 = arith.constant 9440 : i32
        %dma_wait3A_40 = arith.constant 0 : i32
        %dma_wait3A_41 = tpu.memref_slice %arg6[%dma_wait3A_39, %dma_wait3A_40] : memref<10000x128xf32, #tpu.memory_space<vmem_shared>> -> memref<80x128xf32, #tpu.memory_space<vmem_shared>>
        tpu.wait_dma2 semaphore(%run_scoped3A : memref<!tpu.dma_semaphore, #tpu.memory_space<semaphore_mem>>) src(%dma_wait3A_41 : memref<80x128xf32, #tpu.memory_space<vmem_shared>>) dst(%dma_wait3A_38 : memref<80x128xf32, #tpu.memory_space<hbm>>)
        tpu.yield
      }) : () -> ()
      "tpu.region"() ({
        %run_scoped3A = tpu.sem_alloc : memref<!tpu.dma_semaphore, #tpu.memory_space<semaphore_mem>>
        %dma_start3A = arith.constant 9520 : i32
        %dma_start3A_30 = arith.constant 0 : i32
        %dma_start3A_31 = tpu.memref_slice %arg5[%arg0, %dma_start3A, %dma_start3A_30] : memref<2x10000x128xf32, #tpu.memory_space<hbm>> -> memref<1x80x128xf32, #tpu.memory_space<hbm>>
        %dma_start3A_32 = tpu.memref_squeeze %dma_start3A_31 : memref<1x80x128xf32, #tpu.memory_space<hbm>> -> memref<80x128xf32, #tpu.memory_space<hbm>>
        %dma_start3A_33 = arith.constant 9520 : i32
        %dma_start3A_34 = arith.constant 0 : i32
        %dma_start3A_35 = tpu.memref_slice %arg6[%dma_start3A_33, %dma_start3A_34] : memref<10000x128xf32, #tpu.memory_space<vmem_shared>> -> memref<80x128xf32, #tpu.memory_space<vmem_shared>>
        tpu.enqueue_dma source(%dma_start3A_35 : memref<80x128xf32, #tpu.memory_space<vmem_shared>>) target(%dma_start3A_32 : memref<80x128xf32, #tpu.memory_space<hbm>>) target_semaphore(%run_scoped3A : memref<!tpu.dma_semaphore, #tpu.memory_space<semaphore_mem>>)
        %dma_wait3A = arith.constant 9520 : i32
        %dma_wait3A_36 = arith.constant 0 : i32
        %dma_wait3A_37 = tpu.memref_slice %arg5[%arg0, %dma_wait3A, %dma_wait3A_36] : memref<2x10000x128xf32, #tpu.memory_space<hbm>> -> memref<1x80x128xf32, #tpu.memory_space<hbm>>
        %dma_wait3A_38 = tpu.memref_squeeze %dma_wait3A_37 : memref<1x80x128xf32, #tpu.memory_space<hbm>> -> memref<80x128xf32, #tpu.memory_space<hbm>>
        %dma_wait3A_39 = arith.constant 9520 : i32
        %dma_wait3A_40 = arith.constant 0 : i32
        %dma_wait3A_41 = tpu.memref_slice %arg6[%dma_wait3A_39, %dma_wait3A_40] : memref<10000x128xf32, #tpu.memory_space<vmem_shared>> -> memref<80x128xf32, #tpu.memory_space<vmem_shared>>
        tpu.wait_dma2 semaphore(%run_scoped3A : memref<!tpu.dma_semaphore, #tpu.memory_space<semaphore_mem>>) src(%dma_wait3A_41 : memref<80x128xf32, #tpu.memory_space<vmem_shared>>) dst(%dma_wait3A_38 : memref<80x128xf32, #tpu.memory_space<hbm>>)
        tpu.yield
      }) : () -> ()
      "tpu.region"() ({
        %run_scoped3A = tpu.sem_alloc : memref<!tpu.dma_semaphore, #tpu.memory_space<semaphore_mem>>
        %dma_start3A = arith.constant 9600 : i32
        %dma_start3A_30 = arith.constant 0 : i32
        %dma_start3A_31 = tpu.memref_slice %arg5[%arg0, %dma_start3A, %dma_start3A_30] : memref<2x10000x128xf32, #tpu.memory_space<hbm>> -> memref<1x80x128xf32, #tpu.memory_space<hbm>>
        %dma_start3A_32 = tpu.memref_squeeze %dma_start3A_31 : memref<1x80x128xf32, #tpu.memory_space<hbm>> -> memref<80x128xf32, #tpu.memory_space<hbm>>
        %dma_start3A_33 = arith.constant 9600 : i32
        %dma_start3A_34 = arith.constant 0 : i32
        %dma_start3A_35 = tpu.memref_slice %arg6[%dma_start3A_33, %dma_start3A_34] : memref<10000x128xf32, #tpu.memory_space<vmem_shared>> -> memref<80x128xf32, #tpu.memory_space<vmem_shared>>
        tpu.enqueue_dma source(%dma_start3A_35 : memref<80x128xf32, #tpu.memory_space<vmem_shared>>) target(%dma_start3A_32 : memref<80x128xf32, #tpu.memory_space<hbm>>) target_semaphore(%run_scoped3A : memref<!tpu.dma_semaphore, #tpu.memory_space<semaphore_mem>>)
        %dma_wait3A = arith.constant 9600 : i32
        %dma_wait3A_36 = arith.constant 0 : i32
        %dma_wait3A_37 = tpu.memref_slice %arg5[%arg0, %dma_wait3A, %dma_wait3A_36] : memref<2x10000x128xf32, #tpu.memory_space<hbm>> -> memref<1x80x128xf32, #tpu.memory_space<hbm>>
        %dma_wait3A_38 = tpu.memref_squeeze %dma_wait3A_37 : memref<1x80x128xf32, #tpu.memory_space<hbm>> -> memref<80x128xf32, #tpu.memory_space<hbm>>
        %dma_wait3A_39 = arith.constant 9600 : i32
        %dma_wait3A_40 = arith.constant 0 : i32
        %dma_wait3A_41 = tpu.memref_slice %arg6[%dma_wait3A_39, %dma_wait3A_40] : memref<10000x128xf32, #tpu.memory_space<vmem_shared>> -> memref<80x128xf32, #tpu.memory_space<vmem_shared>>
        tpu.wait_dma2 semaphore(%run_scoped3A : memref<!tpu.dma_semaphore, #tpu.memory_space<semaphore_mem>>) src(%dma_wait3A_41 : memref<80x128xf32, #tpu.memory_space<vmem_shared>>) dst(%dma_wait3A_38 : memref<80x128xf32, #tpu.memory_space<hbm>>)
        tpu.yield
      }) : () -> ()
      "tpu.region"() ({
        %run_scoped3A = tpu.sem_alloc : memref<!tpu.dma_semaphore, #tpu.memory_space<semaphore_mem>>
        %dma_start3A = arith.constant 9680 : i32
        %dma_start3A_30 = arith.constant 0 : i32
        %dma_start3A_31 = tpu.memref_slice %arg5[%arg0, %dma_start3A, %dma_start3A_30] : memref<2x10000x128xf32, #tpu.memory_space<hbm>> -> memref<1x80x128xf32, #tpu.memory_space<hbm>>
        %dma_start3A_32 = tpu.memref_squeeze %dma_start3A_31 : memref<1x80x128xf32, #tpu.memory_space<hbm>> -> memref<80x128xf32, #tpu.memory_space<hbm>>
        %dma_start3A_33 = arith.constant 9680 : i32
        %dma_start3A_34 = arith.constant 0 : i32
        %dma_start3A_35 = tpu.memref_slice %arg6[%dma_start3A_33, %dma_start3A_34] : memref<10000x128xf32, #tpu.memory_space<vmem_shared>> -> memref<80x128xf32, #tpu.memory_space<vmem_shared>>
        tpu.enqueue_dma source(%dma_start3A_35 : memref<80x128xf32, #tpu.memory_space<vmem_shared>>) target(%dma_start3A_32 : memref<80x128xf32, #tpu.memory_space<hbm>>) target_semaphore(%run_scoped3A : memref<!tpu.dma_semaphore, #tpu.memory_space<semaphore_mem>>)
        %dma_wait3A = arith.constant 9680 : i32
        %dma_wait3A_36 = arith.constant 0 : i32
        %dma_wait3A_37 = tpu.memref_slice %arg5[%arg0, %dma_wait3A, %dma_wait3A_36] : memref<2x10000x128xf32, #tpu.memory_space<hbm>> -> memref<1x80x128xf32, #tpu.memory_space<hbm>>
        %dma_wait3A_38 = tpu.memref_squeeze %dma_wait3A_37 : memref<1x80x128xf32, #tpu.memory_space<hbm>> -> memref<80x128xf32, #tpu.memory_space<hbm>>
        %dma_wait3A_39 = arith.constant 9680 : i32
        %dma_wait3A_40 = arith.constant 0 : i32
        %dma_wait3A_41 = tpu.memref_slice %arg6[%dma_wait3A_39, %dma_wait3A_40] : memref<10000x128xf32, #tpu.memory_space<vmem_shared>> -> memref<80x128xf32, #tpu.memory_space<vmem_shared>>
        tpu.wait_dma2 semaphore(%run_scoped3A : memref<!tpu.dma_semaphore, #tpu.memory_space<semaphore_mem>>) src(%dma_wait3A_41 : memref<80x128xf32, #tpu.memory_space<vmem_shared>>) dst(%dma_wait3A_38 : memref<80x128xf32, #tpu.memory_space<hbm>>)
        tpu.yield
      }) : () -> ()
      "tpu.region"() ({
        %run_scoped3A = tpu.sem_alloc : memref<!tpu.dma_semaphore, #tpu.memory_space<semaphore_mem>>
        %dma_start3A = arith.constant 9760 : i32
        %dma_start3A_30 = arith.constant 0 : i32
        %dma_start3A_31 = tpu.memref_slice %arg5[%arg0, %dma_start3A, %dma_start3A_30] : memref<2x10000x128xf32, #tpu.memory_space<hbm>> -> memref<1x80x128xf32, #tpu.memory_space<hbm>>
        %dma_start3A_32 = tpu.memref_squeeze %dma_start3A_31 : memref<1x80x128xf32, #tpu.memory_space<hbm>> -> memref<80x128xf32, #tpu.memory_space<hbm>>
        %dma_start3A_33 = arith.constant 9760 : i32
        %dma_start3A_34 = arith.constant 0 : i32
        %dma_start3A_35 = tpu.memref_slice %arg6[%dma_start3A_33, %dma_start3A_34] : memref<10000x128xf32, #tpu.memory_space<vmem_shared>> -> memref<80x128xf32, #tpu.memory_space<vmem_shared>>
        tpu.enqueue_dma source(%dma_start3A_35 : memref<80x128xf32, #tpu.memory_space<vmem_shared>>) target(%dma_start3A_32 : memref<80x128xf32, #tpu.memory_space<hbm>>) target_semaphore(%run_scoped3A : memref<!tpu.dma_semaphore, #tpu.memory_space<semaphore_mem>>)
        %dma_wait3A = arith.constant 9760 : i32
        %dma_wait3A_36 = arith.constant 0 : i32
        %dma_wait3A_37 = tpu.memref_slice %arg5[%arg0, %dma_wait3A, %dma_wait3A_36] : memref<2x10000x128xf32, #tpu.memory_space<hbm>> -> memref<1x80x128xf32, #tpu.memory_space<hbm>>
        %dma_wait3A_38 = tpu.memref_squeeze %dma_wait3A_37 : memref<1x80x128xf32, #tpu.memory_space<hbm>> -> memref<80x128xf32, #tpu.memory_space<hbm>>
        %dma_wait3A_39 = arith.constant 9760 : i32
        %dma_wait3A_40 = arith.constant 0 : i32
        %dma_wait3A_41 = tpu.memref_slice %arg6[%dma_wait3A_39, %dma_wait3A_40] : memref<10000x128xf32, #tpu.memory_space<vmem_shared>> -> memref<80x128xf32, #tpu.memory_space<vmem_shared>>
        tpu.wait_dma2 semaphore(%run_scoped3A : memref<!tpu.dma_semaphore, #tpu.memory_space<semaphore_mem>>) src(%dma_wait3A_41 : memref<80x128xf32, #tpu.memory_space<vmem_shared>>) dst(%dma_wait3A_38 : memref<80x128xf32, #tpu.memory_space<hbm>>)
        tpu.yield
      }) : () -> ()
      "tpu.region"() ({
        %run_scoped3A = tpu.sem_alloc : memref<!tpu.dma_semaphore, #tpu.memory_space<semaphore_mem>>
        %dma_start3A = arith.constant 9840 : i32
        %dma_start3A_30 = arith.constant 0 : i32
        %dma_start3A_31 = tpu.memref_slice %arg5[%arg0, %dma_start3A, %dma_start3A_30] : memref<2x10000x128xf32, #tpu.memory_space<hbm>> -> memref<1x80x128xf32, #tpu.memory_space<hbm>>
        %dma_start3A_32 = tpu.memref_squeeze %dma_start3A_31 : memref<1x80x128xf32, #tpu.memory_space<hbm>> -> memref<80x128xf32, #tpu.memory_space<hbm>>
        %dma_start3A_33 = arith.constant 9840 : i32
        %dma_start3A_34 = arith.constant 0 : i32
        %dma_start3A_35 = tpu.memref_slice %arg6[%dma_start3A_33, %dma_start3A_34] : memref<10000x128xf32, #tpu.memory_space<vmem_shared>> -> memref<80x128xf32, #tpu.memory_space<vmem_shared>>
        tpu.enqueue_dma source(%dma_start3A_35 : memref<80x128xf32, #tpu.memory_space<vmem_shared>>) target(%dma_start3A_32 : memref<80x128xf32, #tpu.memory_space<hbm>>) target_semaphore(%run_scoped3A : memref<!tpu.dma_semaphore, #tpu.memory_space<semaphore_mem>>)
        %dma_wait3A = arith.constant 9840 : i32
        %dma_wait3A_36 = arith.constant 0 : i32
        %dma_wait3A_37 = tpu.memref_slice %arg5[%arg0, %dma_wait3A, %dma_wait3A_36] : memref<2x10000x128xf32, #tpu.memory_space<hbm>> -> memref<1x80x128xf32, #tpu.memory_space<hbm>>
        %dma_wait3A_38 = tpu.memref_squeeze %dma_wait3A_37 : memref<1x80x128xf32, #tpu.memory_space<hbm>> -> memref<80x128xf32, #tpu.memory_space<hbm>>
        %dma_wait3A_39 = arith.constant 9840 : i32
        %dma_wait3A_40 = arith.constant 0 : i32
        %dma_wait3A_41 = tpu.memref_slice %arg6[%dma_wait3A_39, %dma_wait3A_40] : memref<10000x128xf32, #tpu.memory_space<vmem_shared>> -> memref<80x128xf32, #tpu.memory_space<vmem_shared>>
        tpu.wait_dma2 semaphore(%run_scoped3A : memref<!tpu.dma_semaphore, #tpu.memory_space<semaphore_mem>>) src(%dma_wait3A_41 : memref<80x128xf32, #tpu.memory_space<vmem_shared>>) dst(%dma_wait3A_38 : memref<80x128xf32, #tpu.memory_space<hbm>>)
        tpu.yield
      }) : () -> ()
      "tpu.region"() ({
        %run_scoped3A = tpu.sem_alloc : memref<!tpu.dma_semaphore, #tpu.memory_space<semaphore_mem>>
        %dma_start3A = arith.constant 9920 : i32
        %dma_start3A_30 = arith.constant 0 : i32
        %dma_start3A_31 = tpu.memref_slice %arg5[%arg0, %dma_start3A, %dma_start3A_30] : memref<2x10000x128xf32, #tpu.memory_space<hbm>> -> memref<1x80x128xf32, #tpu.memory_space<hbm>>
        %dma_start3A_32 = tpu.memref_squeeze %dma_start3A_31 : memref<1x80x128xf32, #tpu.memory_space<hbm>> -> memref<80x128xf32, #tpu.memory_space<hbm>>
        %dma_start3A_33 = arith.constant 9920 : i32
        %dma_start3A_34 = arith.constant 0 : i32
        %dma_start3A_35 = tpu.memref_slice %arg6[%dma_start3A_33, %dma_start3A_34] : memref<10000x128xf32, #tpu.memory_space<vmem_shared>> -> memref<80x128xf32, #tpu.memory_space<vmem_shared>>
        tpu.enqueue_dma source(%dma_start3A_35 : memref<80x128xf32, #tpu.memory_space<vmem_shared>>) target(%dma_start3A_32 : memref<80x128xf32, #tpu.memory_space<hbm>>) target_semaphore(%run_scoped3A : memref<!tpu.dma_semaphore, #tpu.memory_space<semaphore_mem>>)
        %dma_wait3A = arith.constant 9920 : i32
        %dma_wait3A_36 = arith.constant 0 : i32
        %dma_wait3A_37 = tpu.memref_slice %arg5[%arg0, %dma_wait3A, %dma_wait3A_36] : memref<2x10000x128xf32, #tpu.memory_space<hbm>> -> memref<1x80x128xf32, #tpu.memory_space<hbm>>
        %dma_wait3A_38 = tpu.memref_squeeze %dma_wait3A_37 : memref<1x80x128xf32, #tpu.memory_space<hbm>> -> memref<80x128xf32, #tpu.memory_space<hbm>>
        %dma_wait3A_39 = arith.constant 9920 : i32
        %dma_wait3A_40 = arith.constant 0 : i32
        %dma_wait3A_41 = tpu.memref_slice %arg6[%dma_wait3A_39, %dma_wait3A_40] : memref<10000x128xf32, #tpu.memory_space<vmem_shared>> -> memref<80x128xf32, #tpu.memory_space<vmem_shared>>
        tpu.wait_dma2 semaphore(%run_scoped3A : memref<!tpu.dma_semaphore, #tpu.memory_space<semaphore_mem>>) src(%dma_wait3A_41 : memref<80x128xf32, #tpu.memory_space<vmem_shared>>) dst(%dma_wait3A_38 : memref<80x128xf32, #tpu.memory_space<hbm>>)
        tpu.yield
      }) : () -> ()
    } else {
    }
    return
  }
}

#map = affine_map<(d0, d1) -> (0, 0)>
#map1 = affine_map<(d0, d1) -> (0, 0, 0)>
module attributes {stable_mosaic.version = 14 : i64} {
  func.func @_edge_body(%arg0: i32, %arg1: i32, %arg2: memref<10000x128xf32, #tpu.memory_space<hbm>>, %arg3: memref<32x125x80xi32, #tpu.memory_space<hbm>>, %arg4: memref<32x125x80xi32, #tpu.memory_space<hbm>>, %arg5: memref<2x5000x128xf32, #tpu.memory_space<hbm>>, %arg6: memref<5000x128xf32, #tpu.memory_space<vmem_shared>>, %arg7: memref<125x80xi32, #tpu.memory_space<vmem>>, %arg8: memref<125x80xi32, #tpu.memory_space<vmem>>, %arg9: memref<80x128xf32, #tpu.memory_space<vmem>>, %arg10: memref<80x128xf32, #tpu.memory_space<vmem>>, %arg11: memref<!tpu.dma_semaphore, #tpu.memory_space<semaphore_mem>>, %arg12: memref<!tpu.dma_semaphore, #tpu.memory_space<semaphore_mem>>) attributes {dimension_semantics = [#tpu.dimension_semantics<core_parallel>, #tpu.dimension_semantics<subcore_parallel>], iteration_bounds = array<i64: 2, 16>, scalar_prefetch = 0 : i64, scratch_operands = 7 : i64, tpu.core_type = #tpu.core_type<sc_vector_subcore>, window_params = [{transform_indices = #map}, {transform_indices = #map1}, {transform_indices = #map1}, {transform_indices = #map1}]} {
    %mul3A = arith.constant 16 : i32
    %mul3A_0 = arith.muli %arg0, %mul3A : i32
    %add3A = arith.addi %mul3A_0, %arg1 : i32
    %broadcast_in_dim3A = arith.constant 0.000000e+00 : f32
    %broadcast_in_dim3A_1 = vector.broadcast %broadcast_in_dim3A : f32 to vector<16xf32>
    %scan3A = arith.constant 0 : i32
    %scan3A_2 = arith.constant 0 : i32
    %scan3A_3 = arith.constant 80 : i32
    %scan3A_4 = arith.addi %scan3A_2, %scan3A_3 : i32
    %scan3A_5 = arith.constant 1 : i32
    scf.for %scan3A_42 = %scan3A_2 to %scan3A_4 step %scan3A_5  : i32 {
      %swap3A = arith.index_cast %scan3A_42 : i32 to index
      %swap3A_43 = arith.constant 0 : index
      %swap3A_44 = tpu.vector_load %arg9[%swap3A, %swap3A_43] {strides = array<i32>} : memref<80x128xf32, #tpu.memory_space<vmem>>, vector<1x16xf32>,
      %swap3A_45 = vector.shape_cast %swap3A_44 : vector<1x16xf32> to vector<16xf32>
      %swap3A_46 = vector.shape_cast %broadcast_in_dim3A_1 : vector<16xf32> to vector<1x16xf32>
      tpu.vector_store %arg9[%swap3A, %swap3A_43], %swap3A_46 {strides = array<i32>} : memref<80x128xf32, #tpu.memory_space<vmem>>, vector<1x16xf32>,
      %swap3A_47 = arith.index_cast %scan3A_42 : i32 to index
      %swap3A_48 = arith.constant 16 : index
      %swap3A_49 = tpu.vector_load %arg9[%swap3A_47, %swap3A_48] {strides = array<i32>} : memref<80x128xf32, #tpu.memory_space<vmem>>, vector<1x16xf32>,
      %swap3A_50 = vector.shape_cast %swap3A_49 : vector<1x16xf32> to vector<16xf32>
      %swap3A_51 = vector.shape_cast %broadcast_in_dim3A_1 : vector<16xf32> to vector<1x16xf32>
      tpu.vector_store %arg9[%swap3A_47, %swap3A_48], %swap3A_51 {strides = array<i32>} : memref<80x128xf32, #tpu.memory_space<vmem>>, vector<1x16xf32>,
      %swap3A_52 = arith.index_cast %scan3A_42 : i32 to index
      %swap3A_53 = arith.constant 32 : index
      %swap3A_54 = tpu.vector_load %arg9[%swap3A_52, %swap3A_53] {strides = array<i32>} : memref<80x128xf32, #tpu.memory_space<vmem>>, vector<1x16xf32>,
      %swap3A_55 = vector.shape_cast %swap3A_54 : vector<1x16xf32> to vector<16xf32>
      %swap3A_56 = vector.shape_cast %broadcast_in_dim3A_1 : vector<16xf32> to vector<1x16xf32>
      tpu.vector_store %arg9[%swap3A_52, %swap3A_53], %swap3A_56 {strides = array<i32>} : memref<80x128xf32, #tpu.memory_space<vmem>>, vector<1x16xf32>,
      %swap3A_57 = arith.index_cast %scan3A_42 : i32 to index
      %swap3A_58 = arith.constant 48 : index
      %swap3A_59 = tpu.vector_load %arg9[%swap3A_57, %swap3A_58] {strides = array<i32>} : memref<80x128xf32, #tpu.memory_space<vmem>>, vector<1x16xf32>,
      %swap3A_60 = vector.shape_cast %swap3A_59 : vector<1x16xf32> to vector<16xf32>
      %swap3A_61 = vector.shape_cast %broadcast_in_dim3A_1 : vector<16xf32> to vector<1x16xf32>
      tpu.vector_store %arg9[%swap3A_57, %swap3A_58], %swap3A_61 {strides = array<i32>} : memref<80x128xf32, #tpu.memory_space<vmem>>, vector<1x16xf32>,
      %swap3A_62 = arith.index_cast %scan3A_42 : i32 to index
      %swap3A_63 = arith.constant 64 : index
      %swap3A_64 = tpu.vector_load %arg9[%swap3A_62, %swap3A_63] {strides = array<i32>} : memref<80x128xf32, #tpu.memory_space<vmem>>, vector<1x16xf32>,
      %swap3A_65 = vector.shape_cast %swap3A_64 : vector<1x16xf32> to vector<16xf32>
      %swap3A_66 = vector.shape_cast %broadcast_in_dim3A_1 : vector<16xf32> to vector<1x16xf32>
      tpu.vector_store %arg9[%swap3A_62, %swap3A_63], %swap3A_66 {strides = array<i32>} : memref<80x128xf32, #tpu.memory_space<vmem>>, vector<1x16xf32>,
      %swap3A_67 = arith.index_cast %scan3A_42 : i32 to index
      %swap3A_68 = arith.constant 80 : index
      %swap3A_69 = tpu.vector_load %arg9[%swap3A_67, %swap3A_68] {strides = array<i32>} : memref<80x128xf32, #tpu.memory_space<vmem>>, vector<1x16xf32>,
      %swap3A_70 = vector.shape_cast %swap3A_69 : vector<1x16xf32> to vector<16xf32>
      %swap3A_71 = vector.shape_cast %broadcast_in_dim3A_1 : vector<16xf32> to vector<1x16xf32>
      tpu.vector_store %arg9[%swap3A_67, %swap3A_68], %swap3A_71 {strides = array<i32>} : memref<80x128xf32, #tpu.memory_space<vmem>>, vector<1x16xf32>,
      %swap3A_72 = arith.index_cast %scan3A_42 : i32 to index
      %swap3A_73 = arith.constant 96 : index
      %swap3A_74 = tpu.vector_load %arg9[%swap3A_72, %swap3A_73] {strides = array<i32>} : memref<80x128xf32, #tpu.memory_space<vmem>>, vector<1x16xf32>,
      %swap3A_75 = vector.shape_cast %swap3A_74 : vector<1x16xf32> to vector<16xf32>
      %swap3A_76 = vector.shape_cast %broadcast_in_dim3A_1 : vector<16xf32> to vector<1x16xf32>
      tpu.vector_store %arg9[%swap3A_72, %swap3A_73], %swap3A_76 {strides = array<i32>} : memref<80x128xf32, #tpu.memory_space<vmem>>, vector<1x16xf32>,
      %swap3A_77 = arith.index_cast %scan3A_42 : i32 to index
      %swap3A_78 = arith.constant 112 : index
      %swap3A_79 = tpu.vector_load %arg9[%swap3A_77, %swap3A_78] {strides = array<i32>} : memref<80x128xf32, #tpu.memory_space<vmem>>, vector<1x16xf32>,
      %swap3A_80 = vector.shape_cast %swap3A_79 : vector<1x16xf32> to vector<16xf32>
      %swap3A_81 = vector.shape_cast %broadcast_in_dim3A_1 : vector<16xf32> to vector<1x16xf32>
      tpu.vector_store %arg9[%swap3A_77, %swap3A_78], %swap3A_81 {strides = array<i32>} : memref<80x128xf32, #tpu.memory_space<vmem>>, vector<1x16xf32>,
    }
    %scan3A_6 = arith.constant 80 : i32
    %lt3A = arith.constant 15 : i32
    %lt3A_7 = arith.cmpi slt, %arg1, %lt3A : i32
    %convert_element_type3A = arith.extui %lt3A_7 : i1 to i32
    %cond3A = arith.constant 0 : i32
    %cond3A_8 = arith.cmpi ne, %convert_element_type3A, %cond3A : i32
    scf.if %cond3A_8 {
      %mul3A_42 = arith.constant 312 : i32
      %mul3A_43 = arith.muli %arg1, %mul3A_42 : i32
      %add3A_44 = arith.constant 0 : i32
      %add3A_45 = arith.addi %mul3A_43, %add3A_44 : i32
      %add3A_46 = arith.constant 0 : i32
      %add3A_47 = arith.addi %mul3A_43, %add3A_46 : i32
      "tpu.region"() ({
        %run_scoped3A_60 = tpu.sem_alloc : memref<!tpu.dma_semaphore, #tpu.memory_space<semaphore_mem>>
        %dma_start3A_61 = arith.constant 0 : i32
        %dma_start3A_62 = arith.constant 0 : i32
        %dma_start3A_63 = tpu.memref_slice %arg9[%dma_start3A_61, %dma_start3A_62] : memref<80x128xf32, #tpu.memory_space<vmem>> -> memref<80x128xf32, #tpu.memory_space<vmem>>
        %dma_start3A_64 = arith.constant 0 : i32
        %dma_start3A_65 = tpu.memref_slice %arg6[%add3A_47, %dma_start3A_64] : memref<5000x128xf32, #tpu.memory_space<vmem_shared>> -> memref<80x128xf32, #tpu.memory_space<vmem_shared>>
        %dma_start3A_66 = arith.constant 0 : i32
        %dma_start3A_67 = tpu.memref_slice %arg6[%add3A_47, %dma_start3A_66] : memref<5000x128xf32, #tpu.memory_space<vmem_shared>> -> memref<80x128xf32, #tpu.memory_space<vmem_shared>>
        %dma_start3A_68 = arith.constant 0 : i32
        %dma_start3A_69 = arith.constant 0 : i32
        %dma_start3A_70 = tpu.memref_slice %arg9[%dma_start3A_68, %dma_start3A_69] : memref<80x128xf32, #tpu.memory_space<vmem>> -> memref<80x128xf32, #tpu.memory_space<vmem>>
        tpu.enqueue_dma source(%dma_start3A_70 : memref<80x128xf32, #tpu.memory_space<vmem>>) target(%dma_start3A_67 : memref<80x128xf32, #tpu.memory_space<vmem_shared>>) target_semaphore(%run_scoped3A_60 : memref<!tpu.dma_semaphore, #tpu.memory_space<semaphore_mem>>)
        %dma_wait3A_71 = arith.constant 0 : i32
        %dma_wait3A_72 = arith.constant 0 : i32
        %dma_wait3A_73 = tpu.memref_slice %arg9[%dma_wait3A_71, %dma_wait3A_72] : memref<80x128xf32, #tpu.memory_space<vmem>> -> memref<80x128xf32, #tpu.memory_space<vmem>>
        %dma_wait3A_74 = arith.constant 0 : i32
        %dma_wait3A_75 = tpu.memref_slice %arg6[%add3A_47, %dma_wait3A_74] : memref<5000x128xf32, #tpu.memory_space<vmem_shared>> -> memref<80x128xf32, #tpu.memory_space<vmem_shared>>
        %dma_wait3A_76 = arith.constant 0 : i32
        %dma_wait3A_77 = tpu.memref_slice %arg6[%add3A_47, %dma_wait3A_76] : memref<5000x128xf32, #tpu.memory_space<vmem_shared>> -> memref<80x128xf32, #tpu.memory_space<vmem_shared>>
        %dma_wait3A_78 = arith.constant 0 : i32
        %dma_wait3A_79 = arith.constant 0 : i32
        %dma_wait3A_80 = tpu.memref_slice %arg9[%dma_wait3A_78, %dma_wait3A_79] : memref<80x128xf32, #tpu.memory_space<vmem>> -> memref<80x128xf32, #tpu.memory_space<vmem>>
        tpu.wait_dma2 semaphore(%run_scoped3A_60 : memref<!tpu.dma_semaphore, #tpu.memory_space<semaphore_mem>>) src(%dma_wait3A_80 : memref<80x128xf32, #tpu.memory_space<vmem>>) dst(%dma_wait3A_77 : memref<80x128xf32, #tpu.memory_space<vmem_shared>>)
        tpu.yield
      }) : () -> ()
      %add3A_48 = arith.constant 80 : i32
      %add3A_49 = arith.addi %mul3A_43, %add3A_48 : i32
      %add3A_50 = arith.constant 80 : i32
      %add3A_51 = arith.addi %mul3A_43, %add3A_50 : i32
      "tpu.region"() ({
        %run_scoped3A_60 = tpu.sem_alloc : memref<!tpu.dma_semaphore, #tpu.memory_space<semaphore_mem>>
        %dma_start3A_61 = arith.constant 0 : i32
        %dma_start3A_62 = arith.constant 0 : i32
        %dma_start3A_63 = tpu.memref_slice %arg9[%dma_start3A_61, %dma_start3A_62] : memref<80x128xf32, #tpu.memory_space<vmem>> -> memref<80x128xf32, #tpu.memory_space<vmem>>
        %dma_start3A_64 = arith.constant 0 : i32
        %dma_start3A_65 = tpu.memref_slice %arg6[%add3A_51, %dma_start3A_64] : memref<5000x128xf32, #tpu.memory_space<vmem_shared>> -> memref<80x128xf32, #tpu.memory_space<vmem_shared>>
        %dma_start3A_66 = arith.constant 0 : i32
        %dma_start3A_67 = tpu.memref_slice %arg6[%add3A_51, %dma_start3A_66] : memref<5000x128xf32, #tpu.memory_space<vmem_shared>> -> memref<80x128xf32, #tpu.memory_space<vmem_shared>>
        %dma_start3A_68 = arith.constant 0 : i32
        %dma_start3A_69 = arith.constant 0 : i32
        %dma_start3A_70 = tpu.memref_slice %arg9[%dma_start3A_68, %dma_start3A_69] : memref<80x128xf32, #tpu.memory_space<vmem>> -> memref<80x128xf32, #tpu.memory_space<vmem>>
        tpu.enqueue_dma source(%dma_start3A_70 : memref<80x128xf32, #tpu.memory_space<vmem>>) target(%dma_start3A_67 : memref<80x128xf32, #tpu.memory_space<vmem_shared>>) target_semaphore(%run_scoped3A_60 : memref<!tpu.dma_semaphore, #tpu.memory_space<semaphore_mem>>)
        %dma_wait3A_71 = arith.constant 0 : i32
        %dma_wait3A_72 = arith.constant 0 : i32
        %dma_wait3A_73 = tpu.memref_slice %arg9[%dma_wait3A_71, %dma_wait3A_72] : memref<80x128xf32, #tpu.memory_space<vmem>> -> memref<80x128xf32, #tpu.memory_space<vmem>>
        %dma_wait3A_74 = arith.constant 0 : i32
        %dma_wait3A_75 = tpu.memref_slice %arg6[%add3A_51, %dma_wait3A_74] : memref<5000x128xf32, #tpu.memory_space<vmem_shared>> -> memref<80x128xf32, #tpu.memory_space<vmem_shared>>
        %dma_wait3A_76 = arith.constant 0 : i32
        %dma_wait3A_77 = tpu.memref_slice %arg6[%add3A_51, %dma_wait3A_76] : memref<5000x128xf32, #tpu.memory_space<vmem_shared>> -> memref<80x128xf32, #tpu.memory_space<vmem_shared>>
        %dma_wait3A_78 = arith.constant 0 : i32
        %dma_wait3A_79 = arith.constant 0 : i32
        %dma_wait3A_80 = tpu.memref_slice %arg9[%dma_wait3A_78, %dma_wait3A_79] : memref<80x128xf32, #tpu.memory_space<vmem>> -> memref<80x128xf32, #tpu.memory_space<vmem>>
        tpu.wait_dma2 semaphore(%run_scoped3A_60 : memref<!tpu.dma_semaphore, #tpu.memory_space<semaphore_mem>>) src(%dma_wait3A_80 : memref<80x128xf32, #tpu.memory_space<vmem>>) dst(%dma_wait3A_77 : memref<80x128xf32, #tpu.memory_space<vmem_shared>>)
        tpu.yield
      }) : () -> ()
      %add3A_52 = arith.constant 160 : i32
      %add3A_53 = arith.addi %mul3A_43, %add3A_52 : i32
      %add3A_54 = arith.constant 160 : i32
      %add3A_55 = arith.addi %mul3A_43, %add3A_54 : i32
      "tpu.region"() ({
        %run_scoped3A_60 = tpu.sem_alloc : memref<!tpu.dma_semaphore, #tpu.memory_space<semaphore_mem>>
        %dma_start3A_61 = arith.constant 0 : i32
        %dma_start3A_62 = arith.constant 0 : i32
        %dma_start3A_63 = tpu.memref_slice %arg9[%dma_start3A_61, %dma_start3A_62] : memref<80x128xf32, #tpu.memory_space<vmem>> -> memref<80x128xf32, #tpu.memory_space<vmem>>
        %dma_start3A_64 = arith.constant 0 : i32
        %dma_start3A_65 = tpu.memref_slice %arg6[%add3A_55, %dma_start3A_64] : memref<5000x128xf32, #tpu.memory_space<vmem_shared>> -> memref<80x128xf32, #tpu.memory_space<vmem_shared>>
        %dma_start3A_66 = arith.constant 0 : i32
        %dma_start3A_67 = tpu.memref_slice %arg6[%add3A_55, %dma_start3A_66] : memref<5000x128xf32, #tpu.memory_space<vmem_shared>> -> memref<80x128xf32, #tpu.memory_space<vmem_shared>>
        %dma_start3A_68 = arith.constant 0 : i32
        %dma_start3A_69 = arith.constant 0 : i32
        %dma_start3A_70 = tpu.memref_slice %arg9[%dma_start3A_68, %dma_start3A_69] : memref<80x128xf32, #tpu.memory_space<vmem>> -> memref<80x128xf32, #tpu.memory_space<vmem>>
        tpu.enqueue_dma source(%dma_start3A_70 : memref<80x128xf32, #tpu.memory_space<vmem>>) target(%dma_start3A_67 : memref<80x128xf32, #tpu.memory_space<vmem_shared>>) target_semaphore(%run_scoped3A_60 : memref<!tpu.dma_semaphore, #tpu.memory_space<semaphore_mem>>)
        %dma_wait3A_71 = arith.constant 0 : i32
        %dma_wait3A_72 = arith.constant 0 : i32
        %dma_wait3A_73 = tpu.memref_slice %arg9[%dma_wait3A_71, %dma_wait3A_72] : memref<80x128xf32, #tpu.memory_space<vmem>> -> memref<80x128xf32, #tpu.memory_space<vmem>>
        %dma_wait3A_74 = arith.constant 0 : i32
        %dma_wait3A_75 = tpu.memref_slice %arg6[%add3A_55, %dma_wait3A_74] : memref<5000x128xf32, #tpu.memory_space<vmem_shared>> -> memref<80x128xf32, #tpu.memory_space<vmem_shared>>
        %dma_wait3A_76 = arith.constant 0 : i32
        %dma_wait3A_77 = tpu.memref_slice %arg6[%add3A_55, %dma_wait3A_76] : memref<5000x128xf32, #tpu.memory_space<vmem_shared>> -> memref<80x128xf32, #tpu.memory_space<vmem_shared>>
        %dma_wait3A_78 = arith.constant 0 : i32
        %dma_wait3A_79 = arith.constant 0 : i32
        %dma_wait3A_80 = tpu.memref_slice %arg9[%dma_wait3A_78, %dma_wait3A_79] : memref<80x128xf32, #tpu.memory_space<vmem>> -> memref<80x128xf32, #tpu.memory_space<vmem>>
        tpu.wait_dma2 semaphore(%run_scoped3A_60 : memref<!tpu.dma_semaphore, #tpu.memory_space<semaphore_mem>>) src(%dma_wait3A_80 : memref<80x128xf32, #tpu.memory_space<vmem>>) dst(%dma_wait3A_77 : memref<80x128xf32, #tpu.memory_space<vmem_shared>>)
        tpu.yield
      }) : () -> ()
      %add3A_56 = arith.constant 240 : i32
      %add3A_57 = arith.addi %mul3A_43, %add3A_56 : i32
      %add3A_58 = arith.constant 240 : i32
      %add3A_59 = arith.addi %mul3A_43, %add3A_58 : i32
      "tpu.region"() ({
        %run_scoped3A_60 = tpu.sem_alloc : memref<!tpu.dma_semaphore, #tpu.memory_space<semaphore_mem>>
        %dma_start3A_61 = arith.constant 0 : i32
        %dma_start3A_62 = arith.constant 0 : i32
        %dma_start3A_63 = tpu.memref_slice %arg9[%dma_start3A_61, %dma_start3A_62] : memref<80x128xf32, #tpu.memory_space<vmem>> -> memref<72x128xf32, #tpu.memory_space<vmem>>
        %dma_start3A_64 = arith.constant 0 : i32
        %dma_start3A_65 = tpu.memref_slice %arg6[%add3A_59, %dma_start3A_64] : memref<5000x128xf32, #tpu.memory_space<vmem_shared>> -> memref<72x128xf32, #tpu.memory_space<vmem_shared>>
        %dma_start3A_66 = arith.constant 0 : i32
        %dma_start3A_67 = tpu.memref_slice %arg6[%add3A_59, %dma_start3A_66] : memref<5000x128xf32, #tpu.memory_space<vmem_shared>> -> memref<72x128xf32, #tpu.memory_space<vmem_shared>>
        %dma_start3A_68 = arith.constant 0 : i32
        %dma_start3A_69 = arith.constant 0 : i32
        %dma_start3A_70 = tpu.memref_slice %arg9[%dma_start3A_68, %dma_start3A_69] : memref<80x128xf32, #tpu.memory_space<vmem>> -> memref<72x128xf32, #tpu.memory_space<vmem>>
        tpu.enqueue_dma source(%dma_start3A_70 : memref<72x128xf32, #tpu.memory_space<vmem>>) target(%dma_start3A_67 : memref<72x128xf32, #tpu.memory_space<vmem_shared>>) target_semaphore(%run_scoped3A_60 : memref<!tpu.dma_semaphore, #tpu.memory_space<semaphore_mem>>)
        %dma_wait3A_71 = arith.constant 0 : i32
        %dma_wait3A_72 = arith.constant 0 : i32
        %dma_wait3A_73 = tpu.memref_slice %arg9[%dma_wait3A_71, %dma_wait3A_72] : memref<80x128xf32, #tpu.memory_space<vmem>> -> memref<72x128xf32, #tpu.memory_space<vmem>>
        %dma_wait3A_74 = arith.constant 0 : i32
        %dma_wait3A_75 = tpu.memref_slice %arg6[%add3A_59, %dma_wait3A_74] : memref<5000x128xf32, #tpu.memory_space<vmem_shared>> -> memref<72x128xf32, #tpu.memory_space<vmem_shared>>
        %dma_wait3A_76 = arith.constant 0 : i32
        %dma_wait3A_77 = tpu.memref_slice %arg6[%add3A_59, %dma_wait3A_76] : memref<5000x128xf32, #tpu.memory_space<vmem_shared>> -> memref<72x128xf32, #tpu.memory_space<vmem_shared>>
        %dma_wait3A_78 = arith.constant 0 : i32
        %dma_wait3A_79 = arith.constant 0 : i32
        %dma_wait3A_80 = tpu.memref_slice %arg9[%dma_wait3A_78, %dma_wait3A_79] : memref<80x128xf32, #tpu.memory_space<vmem>> -> memref<72x128xf32, #tpu.memory_space<vmem>>
        tpu.wait_dma2 semaphore(%run_scoped3A_60 : memref<!tpu.dma_semaphore, #tpu.memory_space<semaphore_mem>>) src(%dma_wait3A_80 : memref<72x128xf32, #tpu.memory_space<vmem>>) dst(%dma_wait3A_77 : memref<72x128xf32, #tpu.memory_space<vmem_shared>>)
        tpu.yield
      }) : () -> ()
    } else {
    }
    %eq3A = arith.constant 15 : i32
    %eq3A_9 = arith.cmpi eq, %arg1, %eq3A : i32
    %convert_element_type3A_10 = arith.extui %eq3A_9 : i1 to i32
    %cond3A_11 = arith.constant 0 : i32
    %cond3A_12 = arith.cmpi ne, %convert_element_type3A_10, %cond3A_11 : i32
    scf.if %cond3A_12 {
      "tpu.region"() ({
        %run_scoped3A_42 = tpu.sem_alloc : memref<!tpu.dma_semaphore, #tpu.memory_space<semaphore_mem>>
        %dma_start3A_43 = arith.constant 0 : i32
        %dma_start3A_44 = arith.constant 0 : i32
        %dma_start3A_45 = tpu.memref_slice %arg9[%dma_start3A_43, %dma_start3A_44] : memref<80x128xf32, #tpu.memory_space<vmem>> -> memref<80x128xf32, #tpu.memory_space<vmem>>
        %dma_start3A_46 = arith.constant 4680 : i32
        %dma_start3A_47 = arith.constant 0 : i32
        %dma_start3A_48 = tpu.memref_slice %arg6[%dma_start3A_46, %dma_start3A_47] : memref<5000x128xf32, #tpu.memory_space<vmem_shared>> -> memref<80x128xf32, #tpu.memory_space<vmem_shared>>
        %dma_start3A_49 = arith.constant 4680 : i32
        %dma_start3A_50 = arith.constant 0 : i32
        %dma_start3A_51 = tpu.memref_slice %arg6[%dma_start3A_49, %dma_start3A_50] : memref<5000x128xf32, #tpu.memory_space<vmem_shared>> -> memref<80x128xf32, #tpu.memory_space<vmem_shared>>
        %dma_start3A_52 = arith.constant 0 : i32
        %dma_start3A_53 = arith.constant 0 : i32
        %dma_start3A_54 = tpu.memref_slice %arg9[%dma_start3A_52, %dma_start3A_53] : memref<80x128xf32, #tpu.memory_space<vmem>> -> memref<80x128xf32, #tpu.memory_space<vmem>>
        tpu.enqueue_dma source(%dma_start3A_54 : memref<80x128xf32, #tpu.memory_space<vmem>>) target(%dma_start3A_51 : memref<80x128xf32, #tpu.memory_space<vmem_shared>>) target_semaphore(%run_scoped3A_42 : memref<!tpu.dma_semaphore, #tpu.memory_space<semaphore_mem>>)
        %dma_wait3A_55 = arith.constant 0 : i32
        %dma_wait3A_56 = arith.constant 0 : i32
        %dma_wait3A_57 = tpu.memref_slice %arg9[%dma_wait3A_55, %dma_wait3A_56] : memref<80x128xf32, #tpu.memory_space<vmem>> -> memref<80x128xf32, #tpu.memory_space<vmem>>
        %dma_wait3A_58 = arith.constant 4680 : i32
        %dma_wait3A_59 = arith.constant 0 : i32
        %dma_wait3A_60 = tpu.memref_slice %arg6[%dma_wait3A_58, %dma_wait3A_59] : memref<5000x128xf32, #tpu.memory_space<vmem_shared>> -> memref<80x128xf32, #tpu.memory_space<vmem_shared>>
        %dma_wait3A_61 = arith.constant 4680 : i32
        %dma_wait3A_62 = arith.constant 0 : i32
        %dma_wait3A_63 = tpu.memref_slice %arg6[%dma_wait3A_61, %dma_wait3A_62] : memref<5000x128xf32, #tpu.memory_space<vmem_shared>> -> memref<80x128xf32, #tpu.memory_space<vmem_shared>>
        %dma_wait3A_64 = arith.constant 0 : i32
        %dma_wait3A_65 = arith.constant 0 : i32
        %dma_wait3A_66 = tpu.memref_slice %arg9[%dma_wait3A_64, %dma_wait3A_65] : memref<80x128xf32, #tpu.memory_space<vmem>> -> memref<80x128xf32, #tpu.memory_space<vmem>>
        tpu.wait_dma2 semaphore(%run_scoped3A_42 : memref<!tpu.dma_semaphore, #tpu.memory_space<semaphore_mem>>) src(%dma_wait3A_66 : memref<80x128xf32, #tpu.memory_space<vmem>>) dst(%dma_wait3A_63 : memref<80x128xf32, #tpu.memory_space<vmem_shared>>)
        tpu.yield
      }) : () -> ()
      "tpu.region"() ({
        %run_scoped3A_42 = tpu.sem_alloc : memref<!tpu.dma_semaphore, #tpu.memory_space<semaphore_mem>>
        %dma_start3A_43 = arith.constant 0 : i32
        %dma_start3A_44 = arith.constant 0 : i32
        %dma_start3A_45 = tpu.memref_slice %arg9[%dma_start3A_43, %dma_start3A_44] : memref<80x128xf32, #tpu.memory_space<vmem>> -> memref<80x128xf32, #tpu.memory_space<vmem>>
        %dma_start3A_46 = arith.constant 4760 : i32
        %dma_start3A_47 = arith.constant 0 : i32
        %dma_start3A_48 = tpu.memref_slice %arg6[%dma_start3A_46, %dma_start3A_47] : memref<5000x128xf32, #tpu.memory_space<vmem_shared>> -> memref<80x128xf32, #tpu.memory_space<vmem_shared>>
        %dma_start3A_49 = arith.constant 4760 : i32
        %dma_start3A_50 = arith.constant 0 : i32
        %dma_start3A_51 = tpu.memref_slice %arg6[%dma_start3A_49, %dma_start3A_50] : memref<5000x128xf32, #tpu.memory_space<vmem_shared>> -> memref<80x128xf32, #tpu.memory_space<vmem_shared>>
        %dma_start3A_52 = arith.constant 0 : i32
        %dma_start3A_53 = arith.constant 0 : i32
        %dma_start3A_54 = tpu.memref_slice %arg9[%dma_start3A_52, %dma_start3A_53] : memref<80x128xf32, #tpu.memory_space<vmem>> -> memref<80x128xf32, #tpu.memory_space<vmem>>
        tpu.enqueue_dma source(%dma_start3A_54 : memref<80x128xf32, #tpu.memory_space<vmem>>) target(%dma_start3A_51 : memref<80x128xf32, #tpu.memory_space<vmem_shared>>) target_semaphore(%run_scoped3A_42 : memref<!tpu.dma_semaphore, #tpu.memory_space<semaphore_mem>>)
        %dma_wait3A_55 = arith.constant 0 : i32
        %dma_wait3A_56 = arith.constant 0 : i32
        %dma_wait3A_57 = tpu.memref_slice %arg9[%dma_wait3A_55, %dma_wait3A_56] : memref<80x128xf32, #tpu.memory_space<vmem>> -> memref<80x128xf32, #tpu.memory_space<vmem>>
        %dma_wait3A_58 = arith.constant 4760 : i32
        %dma_wait3A_59 = arith.constant 0 : i32
        %dma_wait3A_60 = tpu.memref_slice %arg6[%dma_wait3A_58, %dma_wait3A_59] : memref<5000x128xf32, #tpu.memory_space<vmem_shared>> -> memref<80x128xf32, #tpu.memory_space<vmem_shared>>
        %dma_wait3A_61 = arith.constant 4760 : i32
        %dma_wait3A_62 = arith.constant 0 : i32
        %dma_wait3A_63 = tpu.memref_slice %arg6[%dma_wait3A_61, %dma_wait3A_62] : memref<5000x128xf32, #tpu.memory_space<vmem_shared>> -> memref<80x128xf32, #tpu.memory_space<vmem_shared>>
        %dma_wait3A_64 = arith.constant 0 : i32
        %dma_wait3A_65 = arith.constant 0 : i32
        %dma_wait3A_66 = tpu.memref_slice %arg9[%dma_wait3A_64, %dma_wait3A_65] : memref<80x128xf32, #tpu.memory_space<vmem>> -> memref<80x128xf32, #tpu.memory_space<vmem>>
        tpu.wait_dma2 semaphore(%run_scoped3A_42 : memref<!tpu.dma_semaphore, #tpu.memory_space<semaphore_mem>>) src(%dma_wait3A_66 : memref<80x128xf32, #tpu.memory_space<vmem>>) dst(%dma_wait3A_63 : memref<80x128xf32, #tpu.memory_space<vmem_shared>>)
        tpu.yield
      }) : () -> ()
      "tpu.region"() ({
        %run_scoped3A_42 = tpu.sem_alloc : memref<!tpu.dma_semaphore, #tpu.memory_space<semaphore_mem>>
        %dma_start3A_43 = arith.constant 0 : i32
        %dma_start3A_44 = arith.constant 0 : i32
        %dma_start3A_45 = tpu.memref_slice %arg9[%dma_start3A_43, %dma_start3A_44] : memref<80x128xf32, #tpu.memory_space<vmem>> -> memref<80x128xf32, #tpu.memory_space<vmem>>
        %dma_start3A_46 = arith.constant 4840 : i32
        %dma_start3A_47 = arith.constant 0 : i32
        %dma_start3A_48 = tpu.memref_slice %arg6[%dma_start3A_46, %dma_start3A_47] : memref<5000x128xf32, #tpu.memory_space<vmem_shared>> -> memref<80x128xf32, #tpu.memory_space<vmem_shared>>
        %dma_start3A_49 = arith.constant 4840 : i32
        %dma_start3A_50 = arith.constant 0 : i32
        %dma_start3A_51 = tpu.memref_slice %arg6[%dma_start3A_49, %dma_start3A_50] : memref<5000x128xf32, #tpu.memory_space<vmem_shared>> -> memref<80x128xf32, #tpu.memory_space<vmem_shared>>
        %dma_start3A_52 = arith.constant 0 : i32
        %dma_start3A_53 = arith.constant 0 : i32
        %dma_start3A_54 = tpu.memref_slice %arg9[%dma_start3A_52, %dma_start3A_53] : memref<80x128xf32, #tpu.memory_space<vmem>> -> memref<80x128xf32, #tpu.memory_space<vmem>>
        tpu.enqueue_dma source(%dma_start3A_54 : memref<80x128xf32, #tpu.memory_space<vmem>>) target(%dma_start3A_51 : memref<80x128xf32, #tpu.memory_space<vmem_shared>>) target_semaphore(%run_scoped3A_42 : memref<!tpu.dma_semaphore, #tpu.memory_space<semaphore_mem>>)
        %dma_wait3A_55 = arith.constant 0 : i32
        %dma_wait3A_56 = arith.constant 0 : i32
        %dma_wait3A_57 = tpu.memref_slice %arg9[%dma_wait3A_55, %dma_wait3A_56] : memref<80x128xf32, #tpu.memory_space<vmem>> -> memref<80x128xf32, #tpu.memory_space<vmem>>
        %dma_wait3A_58 = arith.constant 4840 : i32
        %dma_wait3A_59 = arith.constant 0 : i32
        %dma_wait3A_60 = tpu.memref_slice %arg6[%dma_wait3A_58, %dma_wait3A_59] : memref<5000x128xf32, #tpu.memory_space<vmem_shared>> -> memref<80x128xf32, #tpu.memory_space<vmem_shared>>
        %dma_wait3A_61 = arith.constant 4840 : i32
        %dma_wait3A_62 = arith.constant 0 : i32
        %dma_wait3A_63 = tpu.memref_slice %arg6[%dma_wait3A_61, %dma_wait3A_62] : memref<5000x128xf32, #tpu.memory_space<vmem_shared>> -> memref<80x128xf32, #tpu.memory_space<vmem_shared>>
        %dma_wait3A_64 = arith.constant 0 : i32
        %dma_wait3A_65 = arith.constant 0 : i32
        %dma_wait3A_66 = tpu.memref_slice %arg9[%dma_wait3A_64, %dma_wait3A_65] : memref<80x128xf32, #tpu.memory_space<vmem>> -> memref<80x128xf32, #tpu.memory_space<vmem>>
        tpu.wait_dma2 semaphore(%run_scoped3A_42 : memref<!tpu.dma_semaphore, #tpu.memory_space<semaphore_mem>>) src(%dma_wait3A_66 : memref<80x128xf32, #tpu.memory_space<vmem>>) dst(%dma_wait3A_63 : memref<80x128xf32, #tpu.memory_space<vmem_shared>>)
        tpu.yield
      }) : () -> ()
      "tpu.region"() ({
        %run_scoped3A_42 = tpu.sem_alloc : memref<!tpu.dma_semaphore, #tpu.memory_space<semaphore_mem>>
        %dma_start3A_43 = arith.constant 0 : i32
        %dma_start3A_44 = arith.constant 0 : i32
        %dma_start3A_45 = tpu.memref_slice %arg9[%dma_start3A_43, %dma_start3A_44] : memref<80x128xf32, #tpu.memory_space<vmem>> -> memref<80x128xf32, #tpu.memory_space<vmem>>
        %dma_start3A_46 = arith.constant 4920 : i32
        %dma_start3A_47 = arith.constant 0 : i32
        %dma_start3A_48 = tpu.memref_slice %arg6[%dma_start3A_46, %dma_start3A_47] : memref<5000x128xf32, #tpu.memory_space<vmem_shared>> -> memref<80x128xf32, #tpu.memory_space<vmem_shared>>
        %dma_start3A_49 = arith.constant 4920 : i32
        %dma_start3A_50 = arith.constant 0 : i32
        %dma_start3A_51 = tpu.memref_slice %arg6[%dma_start3A_49, %dma_start3A_50] : memref<5000x128xf32, #tpu.memory_space<vmem_shared>> -> memref<80x128xf32, #tpu.memory_space<vmem_shared>>
        %dma_start3A_52 = arith.constant 0 : i32
        %dma_start3A_53 = arith.constant 0 : i32
        %dma_start3A_54 = tpu.memref_slice %arg9[%dma_start3A_52, %dma_start3A_53] : memref<80x128xf32, #tpu.memory_space<vmem>> -> memref<80x128xf32, #tpu.memory_space<vmem>>
        tpu.enqueue_dma source(%dma_start3A_54 : memref<80x128xf32, #tpu.memory_space<vmem>>) target(%dma_start3A_51 : memref<80x128xf32, #tpu.memory_space<vmem_shared>>) target_semaphore(%run_scoped3A_42 : memref<!tpu.dma_semaphore, #tpu.memory_space<semaphore_mem>>)
        %dma_wait3A_55 = arith.constant 0 : i32
        %dma_wait3A_56 = arith.constant 0 : i32
        %dma_wait3A_57 = tpu.memref_slice %arg9[%dma_wait3A_55, %dma_wait3A_56] : memref<80x128xf32, #tpu.memory_space<vmem>> -> memref<80x128xf32, #tpu.memory_space<vmem>>
        %dma_wait3A_58 = arith.constant 4920 : i32
        %dma_wait3A_59 = arith.constant 0 : i32
        %dma_wait3A_60 = tpu.memref_slice %arg6[%dma_wait3A_58, %dma_wait3A_59] : memref<5000x128xf32, #tpu.memory_space<vmem_shared>> -> memref<80x128xf32, #tpu.memory_space<vmem_shared>>
        %dma_wait3A_61 = arith.constant 4920 : i32
        %dma_wait3A_62 = arith.constant 0 : i32
        %dma_wait3A_63 = tpu.memref_slice %arg6[%dma_wait3A_61, %dma_wait3A_62] : memref<5000x128xf32, #tpu.memory_space<vmem_shared>> -> memref<80x128xf32, #tpu.memory_space<vmem_shared>>
        %dma_wait3A_64 = arith.constant 0 : i32
        %dma_wait3A_65 = arith.constant 0 : i32
        %dma_wait3A_66 = tpu.memref_slice %arg9[%dma_wait3A_64, %dma_wait3A_65] : memref<80x128xf32, #tpu.memory_space<vmem>> -> memref<80x128xf32, #tpu.memory_space<vmem>>
        tpu.wait_dma2 semaphore(%run_scoped3A_42 : memref<!tpu.dma_semaphore, #tpu.memory_space<semaphore_mem>>) src(%dma_wait3A_66 : memref<80x128xf32, #tpu.memory_space<vmem>>) dst(%dma_wait3A_63 : memref<80x128xf32, #tpu.memory_space<vmem_shared>>)
        tpu.yield
      }) : () -> ()
    } else {
    }
    "tpu.region"() ({
      %run_scoped3A_42 = tpu.sem_alloc : memref<!tpu.dma_semaphore, #tpu.memory_space<semaphore_mem>>
      %dma_start3A_43 = arith.constant 0 : i32
      %dma_start3A_44 = arith.constant 0 : i32
      %dma_start3A_45 = tpu.memref_slice %arg3[%add3A, %dma_start3A_43, %dma_start3A_44] : memref<32x125x80xi32, #tpu.memory_space<hbm>> -> memref<1x125x80xi32, #tpu.memory_space<hbm>>
      %dma_start3A_46 = tpu.memref_squeeze %dma_start3A_45 : memref<1x125x80xi32, #tpu.memory_space<hbm>> -> memref<125x80xi32, #tpu.memory_space<hbm>>
      %dma_start3A_47 = arith.constant 0 : i32
      %dma_start3A_48 = arith.constant 0 : i32
      %dma_start3A_49 = tpu.memref_slice %arg3[%add3A, %dma_start3A_47, %dma_start3A_48] : memref<32x125x80xi32, #tpu.memory_space<hbm>> -> memref<1x125x80xi32, #tpu.memory_space<hbm>>
      %dma_start3A_50 = tpu.memref_squeeze %dma_start3A_49 : memref<1x125x80xi32, #tpu.memory_space<hbm>> -> memref<125x80xi32, #tpu.memory_space<hbm>>
      tpu.enqueue_dma source(%dma_start3A_50 : memref<125x80xi32, #tpu.memory_space<hbm>>) target(%arg7 : memref<125x80xi32, #tpu.memory_space<vmem>>) target_semaphore(%run_scoped3A_42 : memref<!tpu.dma_semaphore, #tpu.memory_space<semaphore_mem>>)
      %dma_wait3A_51 = arith.constant 0 : i32
      %dma_wait3A_52 = arith.constant 0 : i32
      %dma_wait3A_53 = tpu.memref_slice %arg3[%add3A, %dma_wait3A_51, %dma_wait3A_52] : memref<32x125x80xi32, #tpu.memory_space<hbm>> -> memref<1x125x80xi32, #tpu.memory_space<hbm>>
      %dma_wait3A_54 = tpu.memref_squeeze %dma_wait3A_53 : memref<1x125x80xi32, #tpu.memory_space<hbm>> -> memref<125x80xi32, #tpu.memory_space<hbm>>
      %dma_wait3A_55 = arith.constant 0 : i32
      %dma_wait3A_56 = arith.constant 0 : i32
      %dma_wait3A_57 = tpu.memref_slice %arg3[%add3A, %dma_wait3A_55, %dma_wait3A_56] : memref<32x125x80xi32, #tpu.memory_space<hbm>> -> memref<1x125x80xi32, #tpu.memory_space<hbm>>
      %dma_wait3A_58 = tpu.memref_squeeze %dma_wait3A_57 : memref<1x125x80xi32, #tpu.memory_space<hbm>> -> memref<125x80xi32, #tpu.memory_space<hbm>>
      tpu.wait_dma2 semaphore(%run_scoped3A_42 : memref<!tpu.dma_semaphore, #tpu.memory_space<semaphore_mem>>) src(%dma_wait3A_58 : memref<125x80xi32, #tpu.memory_space<hbm>>) dst(%arg7 : memref<125x80xi32, #tpu.memory_space<vmem>>)
      tpu.yield
    }) : () -> ()
    "tpu.region"() ({
      %run_scoped3A_42 = tpu.sem_alloc : memref<!tpu.dma_semaphore, #tpu.memory_space<semaphore_mem>>
      %dma_start3A_43 = arith.constant 0 : i32
      %dma_start3A_44 = arith.constant 0 : i32
      %dma_start3A_45 = tpu.memref_slice %arg4[%add3A, %dma_start3A_43, %dma_start3A_44] : memref<32x125x80xi32, #tpu.memory_space<hbm>> -> memref<1x125x80xi32, #tpu.memory_space<hbm>>
      %dma_start3A_46 = tpu.memref_squeeze %dma_start3A_45 : memref<1x125x80xi32, #tpu.memory_space<hbm>> -> memref<125x80xi32, #tpu.memory_space<hbm>>
      %dma_start3A_47 = arith.constant 0 : i32
      %dma_start3A_48 = arith.constant 0 : i32
      %dma_start3A_49 = tpu.memref_slice %arg4[%add3A, %dma_start3A_47, %dma_start3A_48] : memref<32x125x80xi32, #tpu.memory_space<hbm>> -> memref<1x125x80xi32, #tpu.memory_space<hbm>>
      %dma_start3A_50 = tpu.memref_squeeze %dma_start3A_49 : memref<1x125x80xi32, #tpu.memory_space<hbm>> -> memref<125x80xi32, #tpu.memory_space<hbm>>
      tpu.enqueue_dma source(%dma_start3A_50 : memref<125x80xi32, #tpu.memory_space<hbm>>) target(%arg8 : memref<125x80xi32, #tpu.memory_space<vmem>>) target_semaphore(%run_scoped3A_42 : memref<!tpu.dma_semaphore, #tpu.memory_space<semaphore_mem>>)
      %dma_wait3A_51 = arith.constant 0 : i32
      %dma_wait3A_52 = arith.constant 0 : i32
      %dma_wait3A_53 = tpu.memref_slice %arg4[%add3A, %dma_wait3A_51, %dma_wait3A_52] : memref<32x125x80xi32, #tpu.memory_space<hbm>> -> memref<1x125x80xi32, #tpu.memory_space<hbm>>
      %dma_wait3A_54 = tpu.memref_squeeze %dma_wait3A_53 : memref<1x125x80xi32, #tpu.memory_space<hbm>> -> memref<125x80xi32, #tpu.memory_space<hbm>>
      %dma_wait3A_55 = arith.constant 0 : i32
      %dma_wait3A_56 = arith.constant 0 : i32
      %dma_wait3A_57 = tpu.memref_slice %arg4[%add3A, %dma_wait3A_55, %dma_wait3A_56] : memref<32x125x80xi32, #tpu.memory_space<hbm>> -> memref<1x125x80xi32, #tpu.memory_space<hbm>>
      %dma_wait3A_58 = tpu.memref_squeeze %dma_wait3A_57 : memref<1x125x80xi32, #tpu.memory_space<hbm>> -> memref<125x80xi32, #tpu.memory_space<hbm>>
      tpu.wait_dma2 semaphore(%run_scoped3A_42 : memref<!tpu.dma_semaphore, #tpu.memory_space<semaphore_mem>>) src(%dma_wait3A_58 : memref<125x80xi32, #tpu.memory_space<hbm>>) dst(%arg8 : memref<125x80xi32, #tpu.memory_space<vmem>>)
      tpu.yield
    }) : () -> ()
    %barrier3A = arith.constant 0 : index
    tpu.barrier barrier_id(%barrier3A)
    %dma_start3A = arith.constant 0 : i32
    %dma_start3A_13 = arith.constant 0 : i32
    %dma_start3A_14 = tpu.memref_slice %arg7[%dma_start3A, %dma_start3A_13] : memref<125x80xi32, #tpu.memory_space<vmem>> -> memref<1x80xi32, #tpu.memory_space<vmem>>
    %dma_start3A_15 = tpu.memref_squeeze %dma_start3A_14 : memref<1x80xi32, #tpu.memory_space<vmem>> -> memref<80xi32, #tpu.memory_space<vmem>>
    %dma_start3A_16 = arith.constant 0 : i32
    %dma_start3A_17 = arith.constant 0 : i32
    %dma_start3A_18 = tpu.memref_slice %arg2[%dma_start3A_16, %dma_start3A_17] : memref<10000x128xf32, #tpu.memory_space<hbm>> -> memref<10000x128xf32, #tpu.memory_space<hbm>>
    tpu.enqueue_indirect_dma source(%dma_start3A_18 : memref<10000x128xf32, #tpu.memory_space<hbm>>) target(%arg9 : memref<80x128xf32, #tpu.memory_space<vmem>>) offsets(%dma_start3A_15 : memref<80xi32, #tpu.memory_space<vmem>>) semaphore(%arg11 : memref<!tpu.dma_semaphore, #tpu.memory_space<semaphore_mem>>)
    %scan3A_19 = arith.constant 0 : i32
    %scan3A_20 = arith.constant 0 : i32
    %scan3A_21 = arith.constant 62 : i32
    %scan3A_22 = arith.addi %scan3A_20, %scan3A_21 : i32
    %scan3A_23 = arith.constant 1 : i32
    scf.for %scan3A_42 = %scan3A_20 to %scan3A_22 step %scan3A_23  : i32 {
      %mul3A_43 = arith.constant 2 : i32
      %mul3A_44 = arith.muli %mul3A_43, %scan3A_42 : i32
      %add3A_45 = arith.constant 1 : i32
      %add3A_46 = arith.addi %mul3A_44, %add3A_45 : i32
      %dma_start3A_47 = arith.constant 0 : i32
      %dma_start3A_48 = tpu.memref_slice %arg7[%add3A_46, %dma_start3A_47] : memref<125x80xi32, #tpu.memory_space<vmem>> -> memref<1x80xi32, #tpu.memory_space<vmem>>
      %dma_start3A_49 = tpu.memref_squeeze %dma_start3A_48 : memref<1x80xi32, #tpu.memory_space<vmem>> -> memref<80xi32, #tpu.memory_space<vmem>>
      %dma_start3A_50 = arith.constant 0 : i32
      %dma_start3A_51 = arith.constant 0 : i32
      %dma_start3A_52 = tpu.memref_slice %arg2[%dma_start3A_50, %dma_start3A_51] : memref<10000x128xf32, #tpu.memory_space<hbm>> -> memref<10000x128xf32, #tpu.memory_space<hbm>>
      tpu.enqueue_indirect_dma source(%dma_start3A_52 : memref<10000x128xf32, #tpu.memory_space<hbm>>) target(%arg10 : memref<80x128xf32, #tpu.memory_space<vmem>>) offsets(%dma_start3A_49 : memref<80xi32, #tpu.memory_space<vmem>>) semaphore(%arg12 : memref<!tpu.dma_semaphore, #tpu.memory_space<semaphore_mem>>)
      %dma_wait3A_53 = arith.constant 0 : i32
      %dma_wait3A_54 = tpu.memref_slice %arg7[%mul3A_44, %dma_wait3A_53] : memref<125x80xi32, #tpu.memory_space<vmem>> -> memref<1x80xi32, #tpu.memory_space<vmem>>
      %dma_wait3A_55 = tpu.memref_squeeze %dma_wait3A_54 : memref<1x80xi32, #tpu.memory_space<vmem>> -> memref<80xi32, #tpu.memory_space<vmem>>
      %dma_wait3A_56 = arith.constant 0 : i32
      %dma_wait3A_57 = arith.constant 0 : i32
      %dma_wait3A_58 = tpu.memref_slice %arg2[%dma_wait3A_56, %dma_wait3A_57] : memref<10000x128xf32, #tpu.memory_space<hbm>> -> memref<10000x128xf32, #tpu.memory_space<hbm>>
      tpu.wait_indirect_dma semaphore(%arg11 : memref<!tpu.dma_semaphore, #tpu.memory_space<semaphore_mem>>) src(%dma_wait3A_58 : memref<10000x128xf32, #tpu.memory_space<hbm>>) dst(%arg9 : memref<80x128xf32, #tpu.memory_space<vmem>>)
      "tpu.region"() ({
        %run_scoped3A_77 = tpu.sem_alloc : memref<!tpu.dma_semaphore, #tpu.memory_space<semaphore_mem>>
        %dma_start3A_78 = arith.constant 0 : i32
        %dma_start3A_79 = tpu.memref_slice %arg8[%mul3A_44, %dma_start3A_78] : memref<125x80xi32, #tpu.memory_space<vmem>> -> memref<1x80xi32, #tpu.memory_space<vmem>>
        %dma_start3A_80 = tpu.memref_squeeze %dma_start3A_79 : memref<1x80xi32, #tpu.memory_space<vmem>> -> memref<80xi32, #tpu.memory_space<vmem>>
        %dma_start3A_81 = arith.constant 0 : i32
        %dma_start3A_82 = arith.constant 0 : i32
        %dma_start3A_83 = tpu.memref_slice %arg6[%dma_start3A_81, %dma_start3A_82] : memref<5000x128xf32, #tpu.memory_space<vmem_shared>> -> memref<5000x128xf32, #tpu.memory_space<vmem_shared>>
        tpu.enqueue_indirect_dma source(%arg9 : memref<80x128xf32, #tpu.memory_space<vmem>>) target(%dma_start3A_83 : memref<5000x128xf32, #tpu.memory_space<vmem_shared>>) offsets(%dma_start3A_80 : memref<80xi32, #tpu.memory_space<vmem>>) semaphore(%run_scoped3A_77 : memref<!tpu.dma_semaphore, #tpu.memory_space<semaphore_mem>>) {add = true}
        %dma_wait3A_84 = arith.constant 0 : i32
        %dma_wait3A_85 = tpu.memref_slice %arg8[%mul3A_44, %dma_wait3A_84] : memref<125x80xi32, #tpu.memory_space<vmem>> -> memref<1x80xi32, #tpu.memory_space<vmem>>
        %dma_wait3A_86 = tpu.memref_squeeze %dma_wait3A_85 : memref<1x80xi32, #tpu.memory_space<vmem>> -> memref<80xi32, #tpu.memory_space<vmem>>
        %dma_wait3A_87 = arith.constant 0 : i32
        %dma_wait3A_88 = arith.constant 0 : i32
        %dma_wait3A_89 = tpu.memref_slice %arg6[%dma_wait3A_87, %dma_wait3A_88] : memref<5000x128xf32, #tpu.memory_space<vmem_shared>> -> memref<5000x128xf32, #tpu.memory_space<vmem_shared>>
        tpu.wait_indirect_dma semaphore(%run_scoped3A_77 : memref<!tpu.dma_semaphore, #tpu.memory_space<semaphore_mem>>) src(%arg9 : memref<80x128xf32, #tpu.memory_space<vmem>>) dst(%dma_wait3A_89 : memref<5000x128xf32, #tpu.memory_space<vmem_shared>>)
        tpu.yield
      }) : () -> ()
      %add3A_59 = arith.constant 2 : i32
      %add3A_60 = arith.addi %mul3A_44, %add3A_59 : i32
      %dma_start3A_61 = arith.constant 0 : i32
      %dma_start3A_62 = tpu.memref_slice %arg7[%add3A_60, %dma_start3A_61] : memref<125x80xi32, #tpu.memory_space<vmem>> -> memref<1x80xi32, #tpu.memory_space<vmem>>
      %dma_start3A_63 = tpu.memref_squeeze %dma_start3A_62 : memref<1x80xi32, #tpu.memory_space<vmem>> -> memref<80xi32, #tpu.memory_space<vmem>>
      %dma_start3A_64 = arith.constant 0 : i32
      %dma_start3A_65 = arith.constant 0 : i32
      %dma_start3A_66 = tpu.memref_slice %arg2[%dma_start3A_64, %dma_start3A_65] : memref<10000x128xf32, #tpu.memory_space<hbm>> -> memref<10000x128xf32, #tpu.memory_space<hbm>>
      tpu.enqueue_indirect_dma source(%dma_start3A_66 : memref<10000x128xf32, #tpu.memory_space<hbm>>) target(%arg9 : memref<80x128xf32, #tpu.memory_space<vmem>>) offsets(%dma_start3A_63 : memref<80xi32, #tpu.memory_space<vmem>>) semaphore(%arg11 : memref<!tpu.dma_semaphore, #tpu.memory_space<semaphore_mem>>)
      %add3A_67 = arith.constant 1 : i32
      %add3A_68 = arith.addi %mul3A_44, %add3A_67 : i32
      %dma_wait3A_69 = arith.constant 0 : i32
      %dma_wait3A_70 = tpu.memref_slice %arg7[%add3A_68, %dma_wait3A_69] : memref<125x80xi32, #tpu.memory_space<vmem>> -> memref<1x80xi32, #tpu.memory_space<vmem>>
      %dma_wait3A_71 = tpu.memref_squeeze %dma_wait3A_70 : memref<1x80xi32, #tpu.memory_space<vmem>> -> memref<80xi32, #tpu.memory_space<vmem>>
      %dma_wait3A_72 = arith.constant 0 : i32
      %dma_wait3A_73 = arith.constant 0 : i32
      %dma_wait3A_74 = tpu.memref_slice %arg2[%dma_wait3A_72, %dma_wait3A_73] : memref<10000x128xf32, #tpu.memory_space<hbm>> -> memref<10000x128xf32, #tpu.memory_space<hbm>>
      tpu.wait_indirect_dma semaphore(%arg12 : memref<!tpu.dma_semaphore, #tpu.memory_space<semaphore_mem>>) src(%dma_wait3A_74 : memref<10000x128xf32, #tpu.memory_space<hbm>>) dst(%arg10 : memref<80x128xf32, #tpu.memory_space<vmem>>)
      %add3A_75 = arith.constant 1 : i32
      %add3A_76 = arith.addi %mul3A_44, %add3A_75 : i32
      "tpu.region"() ({
        %run_scoped3A_77 = tpu.sem_alloc : memref<!tpu.dma_semaphore, #tpu.memory_space<semaphore_mem>>
        %dma_start3A_78 = arith.constant 0 : i32
        %dma_start3A_79 = tpu.memref_slice %arg8[%add3A_76, %dma_start3A_78] : memref<125x80xi32, #tpu.memory_space<vmem>> -> memref<1x80xi32, #tpu.memory_space<vmem>>
        %dma_start3A_80 = tpu.memref_squeeze %dma_start3A_79 : memref<1x80xi32, #tpu.memory_space<vmem>> -> memref<80xi32, #tpu.memory_space<vmem>>
        %dma_start3A_81 = arith.constant 0 : i32
        %dma_start3A_82 = arith.constant 0 : i32
        %dma_start3A_83 = tpu.memref_slice %arg6[%dma_start3A_81, %dma_start3A_82] : memref<5000x128xf32, #tpu.memory_space<vmem_shared>> -> memref<5000x128xf32, #tpu.memory_space<vmem_shared>>
        tpu.enqueue_indirect_dma source(%arg10 : memref<80x128xf32, #tpu.memory_space<vmem>>) target(%dma_start3A_83 : memref<5000x128xf32, #tpu.memory_space<vmem_shared>>) offsets(%dma_start3A_80 : memref<80xi32, #tpu.memory_space<vmem>>) semaphore(%run_scoped3A_77 : memref<!tpu.dma_semaphore, #tpu.memory_space<semaphore_mem>>) {add = true}
        %dma_wait3A_84 = arith.constant 0 : i32
        %dma_wait3A_85 = tpu.memref_slice %arg8[%add3A_76, %dma_wait3A_84] : memref<125x80xi32, #tpu.memory_space<vmem>> -> memref<1x80xi32, #tpu.memory_space<vmem>>
        %dma_wait3A_86 = tpu.memref_squeeze %dma_wait3A_85 : memref<1x80xi32, #tpu.memory_space<vmem>> -> memref<80xi32, #tpu.memory_space<vmem>>
        %dma_wait3A_87 = arith.constant 0 : i32
        %dma_wait3A_88 = arith.constant 0 : i32
        %dma_wait3A_89 = tpu.memref_slice %arg6[%dma_wait3A_87, %dma_wait3A_88] : memref<5000x128xf32, #tpu.memory_space<vmem_shared>> -> memref<5000x128xf32, #tpu.memory_space<vmem_shared>>
        tpu.wait_indirect_dma semaphore(%run_scoped3A_77 : memref<!tpu.dma_semaphore, #tpu.memory_space<semaphore_mem>>) src(%arg10 : memref<80x128xf32, #tpu.memory_space<vmem>>) dst(%dma_wait3A_89 : memref<5000x128xf32, #tpu.memory_space<vmem_shared>>)
        tpu.yield
      }) : () -> ()
    }
    %scan3A_24 = arith.constant 62 : i32
    %dma_wait3A = arith.constant 124 : i32
    %dma_wait3A_25 = arith.constant 0 : i32
    %dma_wait3A_26 = tpu.memref_slice %arg7[%dma_wait3A, %dma_wait3A_25] : memref<125x80xi32, #tpu.memory_space<vmem>> -> memref<1x80xi32, #tpu.memory_space<vmem>>
    %dma_wait3A_27 = tpu.memref_squeeze %dma_wait3A_26 : memref<1x80xi32, #tpu.memory_space<vmem>> -> memref<80xi32, #tpu.memory_space<vmem>>
    %dma_wait3A_28 = arith.constant 0 : i32
    %dma_wait3A_29 = arith.constant 0 : i32
    %dma_wait3A_30 = tpu.memref_slice %arg2[%dma_wait3A_28, %dma_wait3A_29] : memref<10000x128xf32, #tpu.memory_space<hbm>> -> memref<10000x128xf32, #tpu.memory_space<hbm>>
    tpu.wait_indirect_dma semaphore(%arg11 : memref<!tpu.dma_semaphore, #tpu.memory_space<semaphore_mem>>) src(%dma_wait3A_30 : memref<10000x128xf32, #tpu.memory_space<hbm>>) dst(%arg9 : memref<80x128xf32, #tpu.memory_space<vmem>>)
    %run_scoped3A = arith.constant 124 : i32
    "tpu.region"() ({
      %run_scoped3A_42 = tpu.sem_alloc : memref<!tpu.dma_semaphore, #tpu.memory_space<semaphore_mem>>
      %dma_start3A_43 = arith.constant 0 : i32
      %dma_start3A_44 = tpu.memref_slice %arg8[%run_scoped3A, %dma_start3A_43] : memref<125x80xi32, #tpu.memory_space<vmem>> -> memref<1x80xi32, #tpu.memory_space<vmem>>
      %dma_start3A_45 = tpu.memref_squeeze %dma_start3A_44 : memref<1x80xi32, #tpu.memory_space<vmem>> -> memref<80xi32, #tpu.memory_space<vmem>>
      %dma_start3A_46 = arith.constant 0 : i32
      %dma_start3A_47 = arith.constant 0 : i32
      %dma_start3A_48 = tpu.memref_slice %arg6[%dma_start3A_46, %dma_start3A_47] : memref<5000x128xf32, #tpu.memory_space<vmem_shared>> -> memref<5000x128xf32, #tpu.memory_space<vmem_shared>>
      tpu.enqueue_indirect_dma source(%arg9 : memref<80x128xf32, #tpu.memory_space<vmem>>) target(%dma_start3A_48 : memref<5000x128xf32, #tpu.memory_space<vmem_shared>>) offsets(%dma_start3A_45 : memref<80xi32, #tpu.memory_space<vmem>>) semaphore(%run_scoped3A_42 : memref<!tpu.dma_semaphore, #tpu.memory_space<semaphore_mem>>) {add = true}
      %dma_wait3A_49 = arith.constant 0 : i32
      %dma_wait3A_50 = tpu.memref_slice %arg8[%run_scoped3A, %dma_wait3A_49] : memref<125x80xi32, #tpu.memory_space<vmem>> -> memref<1x80xi32, #tpu.memory_space<vmem>>
      %dma_wait3A_51 = tpu.memref_squeeze %dma_wait3A_50 : memref<1x80xi32, #tpu.memory_space<vmem>> -> memref<80xi32, #tpu.memory_space<vmem>>
      %dma_wait3A_52 = arith.constant 0 : i32
      %dma_wait3A_53 = arith.constant 0 : i32
      %dma_wait3A_54 = tpu.memref_slice %arg6[%dma_wait3A_52, %dma_wait3A_53] : memref<5000x128xf32, #tpu.memory_space<vmem_shared>> -> memref<5000x128xf32, #tpu.memory_space<vmem_shared>>
      tpu.wait_indirect_dma semaphore(%run_scoped3A_42 : memref<!tpu.dma_semaphore, #tpu.memory_space<semaphore_mem>>) src(%arg9 : memref<80x128xf32, #tpu.memory_space<vmem>>) dst(%dma_wait3A_54 : memref<5000x128xf32, #tpu.memory_space<vmem_shared>>)
      tpu.yield
    }) : () -> ()
    %barrier3A_31 = arith.constant 0 : index
    tpu.barrier barrier_id(%barrier3A_31)
    %lt3A_32 = arith.constant 15 : i32
    %lt3A_33 = arith.cmpi slt, %arg1, %lt3A_32 : i32
    %convert_element_type3A_34 = arith.extui %lt3A_33 : i1 to i32
    %cond3A_35 = arith.constant 0 : i32
    %cond3A_36 = arith.cmpi ne, %convert_element_type3A_34, %cond3A_35 : i32
    scf.if %cond3A_36 {
      %mul3A_42 = arith.constant 312 : i32
      %mul3A_43 = arith.muli %arg1, %mul3A_42 : i32
      %add3A_44 = arith.constant 0 : i32
      %add3A_45 = arith.addi %mul3A_43, %add3A_44 : i32
      %add3A_46 = arith.constant 0 : i32
      %add3A_47 = arith.addi %mul3A_43, %add3A_46 : i32
      "tpu.region"() ({
        %run_scoped3A_60 = tpu.sem_alloc : memref<!tpu.dma_semaphore, #tpu.memory_space<semaphore_mem>>
        %dma_start3A_61 = arith.constant 0 : i32
        %dma_start3A_62 = tpu.memref_slice %arg5[%arg0, %add3A_47, %dma_start3A_61] : memref<2x5000x128xf32, #tpu.memory_space<hbm>> -> memref<1x80x128xf32, #tpu.memory_space<hbm>>
        %dma_start3A_63 = tpu.memref_squeeze %dma_start3A_62 : memref<1x80x128xf32, #tpu.memory_space<hbm>> -> memref<80x128xf32, #tpu.memory_space<hbm>>
        %dma_start3A_64 = arith.constant 0 : i32
        %dma_start3A_65 = tpu.memref_slice %arg6[%add3A_45, %dma_start3A_64] : memref<5000x128xf32, #tpu.memory_space<vmem_shared>> -> memref<80x128xf32, #tpu.memory_space<vmem_shared>>
        tpu.enqueue_dma source(%dma_start3A_65 : memref<80x128xf32, #tpu.memory_space<vmem_shared>>) target(%dma_start3A_63 : memref<80x128xf32, #tpu.memory_space<hbm>>) target_semaphore(%run_scoped3A_60 : memref<!tpu.dma_semaphore, #tpu.memory_space<semaphore_mem>>)
        %dma_wait3A_66 = arith.constant 0 : i32
        %dma_wait3A_67 = tpu.memref_slice %arg5[%arg0, %add3A_47, %dma_wait3A_66] : memref<2x5000x128xf32, #tpu.memory_space<hbm>> -> memref<1x80x128xf32, #tpu.memory_space<hbm>>
        %dma_wait3A_68 = tpu.memref_squeeze %dma_wait3A_67 : memref<1x80x128xf32, #tpu.memory_space<hbm>> -> memref<80x128xf32, #tpu.memory_space<hbm>>
        %dma_wait3A_69 = arith.constant 0 : i32
        %dma_wait3A_70 = tpu.memref_slice %arg6[%add3A_45, %dma_wait3A_69] : memref<5000x128xf32, #tpu.memory_space<vmem_shared>> -> memref<80x128xf32, #tpu.memory_space<vmem_shared>>
        tpu.wait_dma2 semaphore(%run_scoped3A_60 : memref<!tpu.dma_semaphore, #tpu.memory_space<semaphore_mem>>) src(%dma_wait3A_70 : memref<80x128xf32, #tpu.memory_space<vmem_shared>>) dst(%dma_wait3A_68 : memref<80x128xf32, #tpu.memory_space<hbm>>)
        tpu.yield
      }) : () -> ()
      %add3A_48 = arith.constant 80 : i32
      %add3A_49 = arith.addi %mul3A_43, %add3A_48 : i32
      %add3A_50 = arith.constant 80 : i32
      %add3A_51 = arith.addi %mul3A_43, %add3A_50 : i32
      "tpu.region"() ({
        %run_scoped3A_60 = tpu.sem_alloc : memref<!tpu.dma_semaphore, #tpu.memory_space<semaphore_mem>>
        %dma_start3A_61 = arith.constant 0 : i32
        %dma_start3A_62 = tpu.memref_slice %arg5[%arg0, %add3A_51, %dma_start3A_61] : memref<2x5000x128xf32, #tpu.memory_space<hbm>> -> memref<1x80x128xf32, #tpu.memory_space<hbm>>
        %dma_start3A_63 = tpu.memref_squeeze %dma_start3A_62 : memref<1x80x128xf32, #tpu.memory_space<hbm>> -> memref<80x128xf32, #tpu.memory_space<hbm>>
        %dma_start3A_64 = arith.constant 0 : i32
        %dma_start3A_65 = tpu.memref_slice %arg6[%add3A_49, %dma_start3A_64] : memref<5000x128xf32, #tpu.memory_space<vmem_shared>> -> memref<80x128xf32, #tpu.memory_space<vmem_shared>>
        tpu.enqueue_dma source(%dma_start3A_65 : memref<80x128xf32, #tpu.memory_space<vmem_shared>>) target(%dma_start3A_63 : memref<80x128xf32, #tpu.memory_space<hbm>>) target_semaphore(%run_scoped3A_60 : memref<!tpu.dma_semaphore, #tpu.memory_space<semaphore_mem>>)
        %dma_wait3A_66 = arith.constant 0 : i32
        %dma_wait3A_67 = tpu.memref_slice %arg5[%arg0, %add3A_51, %dma_wait3A_66] : memref<2x5000x128xf32, #tpu.memory_space<hbm>> -> memref<1x80x128xf32, #tpu.memory_space<hbm>>
        %dma_wait3A_68 = tpu.memref_squeeze %dma_wait3A_67 : memref<1x80x128xf32, #tpu.memory_space<hbm>> -> memref<80x128xf32, #tpu.memory_space<hbm>>
        %dma_wait3A_69 = arith.constant 0 : i32
        %dma_wait3A_70 = tpu.memref_slice %arg6[%add3A_49, %dma_wait3A_69] : memref<5000x128xf32, #tpu.memory_space<vmem_shared>> -> memref<80x128xf32, #tpu.memory_space<vmem_shared>>
        tpu.wait_dma2 semaphore(%run_scoped3A_60 : memref<!tpu.dma_semaphore, #tpu.memory_space<semaphore_mem>>) src(%dma_wait3A_70 : memref<80x128xf32, #tpu.memory_space<vmem_shared>>) dst(%dma_wait3A_68 : memref<80x128xf32, #tpu.memory_space<hbm>>)
        tpu.yield
      }) : () -> ()
      %add3A_52 = arith.constant 160 : i32
      %add3A_53 = arith.addi %mul3A_43, %add3A_52 : i32
      %add3A_54 = arith.constant 160 : i32
      %add3A_55 = arith.addi %mul3A_43, %add3A_54 : i32
      "tpu.region"() ({
        %run_scoped3A_60 = tpu.sem_alloc : memref<!tpu.dma_semaphore, #tpu.memory_space<semaphore_mem>>
        %dma_start3A_61 = arith.constant 0 : i32
        %dma_start3A_62 = tpu.memref_slice %arg5[%arg0, %add3A_55, %dma_start3A_61] : memref<2x5000x128xf32, #tpu.memory_space<hbm>> -> memref<1x80x128xf32, #tpu.memory_space<hbm>>
        %dma_start3A_63 = tpu.memref_squeeze %dma_start3A_62 : memref<1x80x128xf32, #tpu.memory_space<hbm>> -> memref<80x128xf32, #tpu.memory_space<hbm>>
        %dma_start3A_64 = arith.constant 0 : i32
        %dma_start3A_65 = tpu.memref_slice %arg6[%add3A_53, %dma_start3A_64] : memref<5000x128xf32, #tpu.memory_space<vmem_shared>> -> memref<80x128xf32, #tpu.memory_space<vmem_shared>>
        tpu.enqueue_dma source(%dma_start3A_65 : memref<80x128xf32, #tpu.memory_space<vmem_shared>>) target(%dma_start3A_63 : memref<80x128xf32, #tpu.memory_space<hbm>>) target_semaphore(%run_scoped3A_60 : memref<!tpu.dma_semaphore, #tpu.memory_space<semaphore_mem>>)
        %dma_wait3A_66 = arith.constant 0 : i32
        %dma_wait3A_67 = tpu.memref_slice %arg5[%arg0, %add3A_55, %dma_wait3A_66] : memref<2x5000x128xf32, #tpu.memory_space<hbm>> -> memref<1x80x128xf32, #tpu.memory_space<hbm>>
        %dma_wait3A_68 = tpu.memref_squeeze %dma_wait3A_67 : memref<1x80x128xf32, #tpu.memory_space<hbm>> -> memref<80x128xf32, #tpu.memory_space<hbm>>
        %dma_wait3A_69 = arith.constant 0 : i32
        %dma_wait3A_70 = tpu.memref_slice %arg6[%add3A_53, %dma_wait3A_69] : memref<5000x128xf32, #tpu.memory_space<vmem_shared>> -> memref<80x128xf32, #tpu.memory_space<vmem_shared>>
        tpu.wait_dma2 semaphore(%run_scoped3A_60 : memref<!tpu.dma_semaphore, #tpu.memory_space<semaphore_mem>>) src(%dma_wait3A_70 : memref<80x128xf32, #tpu.memory_space<vmem_shared>>) dst(%dma_wait3A_68 : memref<80x128xf32, #tpu.memory_space<hbm>>)
        tpu.yield
      }) : () -> ()
      %add3A_56 = arith.constant 240 : i32
      %add3A_57 = arith.addi %mul3A_43, %add3A_56 : i32
      %add3A_58 = arith.constant 240 : i32
      %add3A_59 = arith.addi %mul3A_43, %add3A_58 : i32
      "tpu.region"() ({
        %run_scoped3A_60 = tpu.sem_alloc : memref<!tpu.dma_semaphore, #tpu.memory_space<semaphore_mem>>
        %dma_start3A_61 = arith.constant 0 : i32
        %dma_start3A_62 = tpu.memref_slice %arg5[%arg0, %add3A_59, %dma_start3A_61] : memref<2x5000x128xf32, #tpu.memory_space<hbm>> -> memref<1x72x128xf32, #tpu.memory_space<hbm>>
        %dma_start3A_63 = tpu.memref_squeeze %dma_start3A_62 : memref<1x72x128xf32, #tpu.memory_space<hbm>> -> memref<72x128xf32, #tpu.memory_space<hbm>>
        %dma_start3A_64 = arith.constant 0 : i32
        %dma_start3A_65 = tpu.memref_slice %arg6[%add3A_57, %dma_start3A_64] : memref<5000x128xf32, #tpu.memory_space<vmem_shared>> -> memref<72x128xf32, #tpu.memory_space<vmem_shared>>
        tpu.enqueue_dma source(%dma_start3A_65 : memref<72x128xf32, #tpu.memory_space<vmem_shared>>) target(%dma_start3A_63 : memref<72x128xf32, #tpu.memory_space<hbm>>) target_semaphore(%run_scoped3A_60 : memref<!tpu.dma_semaphore, #tpu.memory_space<semaphore_mem>>)
        %dma_wait3A_66 = arith.constant 0 : i32
        %dma_wait3A_67 = tpu.memref_slice %arg5[%arg0, %add3A_59, %dma_wait3A_66] : memref<2x5000x128xf32, #tpu.memory_space<hbm>> -> memref<1x72x128xf32, #tpu.memory_space<hbm>>
        %dma_wait3A_68 = tpu.memref_squeeze %dma_wait3A_67 : memref<1x72x128xf32, #tpu.memory_space<hbm>> -> memref<72x128xf32, #tpu.memory_space<hbm>>
        %dma_wait3A_69 = arith.constant 0 : i32
        %dma_wait3A_70 = tpu.memref_slice %arg6[%add3A_57, %dma_wait3A_69] : memref<5000x128xf32, #tpu.memory_space<vmem_shared>> -> memref<72x128xf32, #tpu.memory_space<vmem_shared>>
        tpu.wait_dma2 semaphore(%run_scoped3A_60 : memref<!tpu.dma_semaphore, #tpu.memory_space<semaphore_mem>>) src(%dma_wait3A_70 : memref<72x128xf32, #tpu.memory_space<vmem_shared>>) dst(%dma_wait3A_68 : memref<72x128xf32, #tpu.memory_space<hbm>>)
        tpu.yield
      }) : () -> ()
    } else {
    }
    %eq3A_37 = arith.constant 15 : i32
    %eq3A_38 = arith.cmpi eq, %arg1, %eq3A_37 : i32
    %convert_element_type3A_39 = arith.extui %eq3A_38 : i1 to i32
    %cond3A_40 = arith.constant 0 : i32
    %cond3A_41 = arith.cmpi ne, %convert_element_type3A_39, %cond3A_40 : i32
    scf.if %cond3A_41 {
      "tpu.region"() ({
        %run_scoped3A_42 = tpu.sem_alloc : memref<!tpu.dma_semaphore, #tpu.memory_space<semaphore_mem>>
        %dma_start3A_43 = arith.constant 4680 : i32
        %dma_start3A_44 = arith.constant 0 : i32
        %dma_start3A_45 = tpu.memref_slice %arg5[%arg0, %dma_start3A_43, %dma_start3A_44] : memref<2x5000x128xf32, #tpu.memory_space<hbm>> -> memref<1x80x128xf32, #tpu.memory_space<hbm>>
        %dma_start3A_46 = tpu.memref_squeeze %dma_start3A_45 : memref<1x80x128xf32, #tpu.memory_space<hbm>> -> memref<80x128xf32, #tpu.memory_space<hbm>>
        %dma_start3A_47 = arith.constant 4680 : i32
        %dma_start3A_48 = arith.constant 0 : i32
        %dma_start3A_49 = tpu.memref_slice %arg6[%dma_start3A_47, %dma_start3A_48] : memref<5000x128xf32, #tpu.memory_space<vmem_shared>> -> memref<80x128xf32, #tpu.memory_space<vmem_shared>>
        tpu.enqueue_dma source(%dma_start3A_49 : memref<80x128xf32, #tpu.memory_space<vmem_shared>>) target(%dma_start3A_46 : memref<80x128xf32, #tpu.memory_space<hbm>>) target_semaphore(%run_scoped3A_42 : memref<!tpu.dma_semaphore, #tpu.memory_space<semaphore_mem>>)
        %dma_wait3A_50 = arith.constant 4680 : i32
        %dma_wait3A_51 = arith.constant 0 : i32
        %dma_wait3A_52 = tpu.memref_slice %arg5[%arg0, %dma_wait3A_50, %dma_wait3A_51] : memref<2x5000x128xf32, #tpu.memory_space<hbm>> -> memref<1x80x128xf32, #tpu.memory_space<hbm>>
        %dma_wait3A_53 = tpu.memref_squeeze %dma_wait3A_52 : memref<1x80x128xf32, #tpu.memory_space<hbm>> -> memref<80x128xf32, #tpu.memory_space<hbm>>
        %dma_wait3A_54 = arith.constant 4680 : i32
        %dma_wait3A_55 = arith.constant 0 : i32
        %dma_wait3A_56 = tpu.memref_slice %arg6[%dma_wait3A_54, %dma_wait3A_55] : memref<5000x128xf32, #tpu.memory_space<vmem_shared>> -> memref<80x128xf32, #tpu.memory_space<vmem_shared>>
        tpu.wait_dma2 semaphore(%run_scoped3A_42 : memref<!tpu.dma_semaphore, #tpu.memory_space<semaphore_mem>>) src(%dma_wait3A_56 : memref<80x128xf32, #tpu.memory_space<vmem_shared>>) dst(%dma_wait3A_53 : memref<80x128xf32, #tpu.memory_space<hbm>>)
        tpu.yield
      }) : () -> ()
      "tpu.region"() ({
        %run_scoped3A_42 = tpu.sem_alloc : memref<!tpu.dma_semaphore, #tpu.memory_space<semaphore_mem>>
        %dma_start3A_43 = arith.constant 4760 : i32
        %dma_start3A_44 = arith.constant 0 : i32
        %dma_start3A_45 = tpu.memref_slice %arg5[%arg0, %dma_start3A_43, %dma_start3A_44] : memref<2x5000x128xf32, #tpu.memory_space<hbm>> -> memref<1x80x128xf32, #tpu.memory_space<hbm>>
        %dma_start3A_46 = tpu.memref_squeeze %dma_start3A_45 : memref<1x80x128xf32, #tpu.memory_space<hbm>> -> memref<80x128xf32, #tpu.memory_space<hbm>>
        %dma_start3A_47 = arith.constant 4760 : i32
        %dma_start3A_48 = arith.constant 0 : i32
        %dma_start3A_49 = tpu.memref_slice %arg6[%dma_start3A_47, %dma_start3A_48] : memref<5000x128xf32, #tpu.memory_space<vmem_shared>> -> memref<80x128xf32, #tpu.memory_space<vmem_shared>>
        tpu.enqueue_dma source(%dma_start3A_49 : memref<80x128xf32, #tpu.memory_space<vmem_shared>>) target(%dma_start3A_46 : memref<80x128xf32, #tpu.memory_space<hbm>>) target_semaphore(%run_scoped3A_42 : memref<!tpu.dma_semaphore, #tpu.memory_space<semaphore_mem>>)
        %dma_wait3A_50 = arith.constant 4760 : i32
        %dma_wait3A_51 = arith.constant 0 : i32
        %dma_wait3A_52 = tpu.memref_slice %arg5[%arg0, %dma_wait3A_50, %dma_wait3A_51] : memref<2x5000x128xf32, #tpu.memory_space<hbm>> -> memref<1x80x128xf32, #tpu.memory_space<hbm>>
        %dma_wait3A_53 = tpu.memref_squeeze %dma_wait3A_52 : memref<1x80x128xf32, #tpu.memory_space<hbm>> -> memref<80x128xf32, #tpu.memory_space<hbm>>
        %dma_wait3A_54 = arith.constant 4760 : i32
        %dma_wait3A_55 = arith.constant 0 : i32
        %dma_wait3A_56 = tpu.memref_slice %arg6[%dma_wait3A_54, %dma_wait3A_55] : memref<5000x128xf32, #tpu.memory_space<vmem_shared>> -> memref<80x128xf32, #tpu.memory_space<vmem_shared>>
        tpu.wait_dma2 semaphore(%run_scoped3A_42 : memref<!tpu.dma_semaphore, #tpu.memory_space<semaphore_mem>>) src(%dma_wait3A_56 : memref<80x128xf32, #tpu.memory_space<vmem_shared>>) dst(%dma_wait3A_53 : memref<80x128xf32, #tpu.memory_space<hbm>>)
        tpu.yield
      }) : () -> ()
      "tpu.region"() ({
        %run_scoped3A_42 = tpu.sem_alloc : memref<!tpu.dma_semaphore, #tpu.memory_space<semaphore_mem>>
        %dma_start3A_43 = arith.constant 4840 : i32
        %dma_start3A_44 = arith.constant 0 : i32
        %dma_start3A_45 = tpu.memref_slice %arg5[%arg0, %dma_start3A_43, %dma_start3A_44] : memref<2x5000x128xf32, #tpu.memory_space<hbm>> -> memref<1x80x128xf32, #tpu.memory_space<hbm>>
        %dma_start3A_46 = tpu.memref_squeeze %dma_start3A_45 : memref<1x80x128xf32, #tpu.memory_space<hbm>> -> memref<80x128xf32, #tpu.memory_space<hbm>>
        %dma_start3A_47 = arith.constant 4840 : i32
        %dma_start3A_48 = arith.constant 0 : i32
        %dma_start3A_49 = tpu.memref_slice %arg6[%dma_start3A_47, %dma_start3A_48] : memref<5000x128xf32, #tpu.memory_space<vmem_shared>> -> memref<80x128xf32, #tpu.memory_space<vmem_shared>>
        tpu.enqueue_dma source(%dma_start3A_49 : memref<80x128xf32, #tpu.memory_space<vmem_shared>>) target(%dma_start3A_46 : memref<80x128xf32, #tpu.memory_space<hbm>>) target_semaphore(%run_scoped3A_42 : memref<!tpu.dma_semaphore, #tpu.memory_space<semaphore_mem>>)
        %dma_wait3A_50 = arith.constant 4840 : i32
        %dma_wait3A_51 = arith.constant 0 : i32
        %dma_wait3A_52 = tpu.memref_slice %arg5[%arg0, %dma_wait3A_50, %dma_wait3A_51] : memref<2x5000x128xf32, #tpu.memory_space<hbm>> -> memref<1x80x128xf32, #tpu.memory_space<hbm>>
        %dma_wait3A_53 = tpu.memref_squeeze %dma_wait3A_52 : memref<1x80x128xf32, #tpu.memory_space<hbm>> -> memref<80x128xf32, #tpu.memory_space<hbm>>
        %dma_wait3A_54 = arith.constant 4840 : i32
        %dma_wait3A_55 = arith.constant 0 : i32
        %dma_wait3A_56 = tpu.memref_slice %arg6[%dma_wait3A_54, %dma_wait3A_55] : memref<5000x128xf32, #tpu.memory_space<vmem_shared>> -> memref<80x128xf32, #tpu.memory_space<vmem_shared>>
        tpu.wait_dma2 semaphore(%run_scoped3A_42 : memref<!tpu.dma_semaphore, #tpu.memory_space<semaphore_mem>>) src(%dma_wait3A_56 : memref<80x128xf32, #tpu.memory_space<vmem_shared>>) dst(%dma_wait3A_53 : memref<80x128xf32, #tpu.memory_space<hbm>>)
        tpu.yield
      }) : () -> ()
      "tpu.region"() ({
        %run_scoped3A_42 = tpu.sem_alloc : memref<!tpu.dma_semaphore, #tpu.memory_space<semaphore_mem>>
        %dma_start3A_43 = arith.constant 4920 : i32
        %dma_start3A_44 = arith.constant 0 : i32
        %dma_start3A_45 = tpu.memref_slice %arg5[%arg0, %dma_start3A_43, %dma_start3A_44] : memref<2x5000x128xf32, #tpu.memory_space<hbm>> -> memref<1x80x128xf32, #tpu.memory_space<hbm>>
        %dma_start3A_46 = tpu.memref_squeeze %dma_start3A_45 : memref<1x80x128xf32, #tpu.memory_space<hbm>> -> memref<80x128xf32, #tpu.memory_space<hbm>>
        %dma_start3A_47 = arith.constant 4920 : i32
        %dma_start3A_48 = arith.constant 0 : i32
        %dma_start3A_49 = tpu.memref_slice %arg6[%dma_start3A_47, %dma_start3A_48] : memref<5000x128xf32, #tpu.memory_space<vmem_shared>> -> memref<80x128xf32, #tpu.memory_space<vmem_shared>>
        tpu.enqueue_dma source(%dma_start3A_49 : memref<80x128xf32, #tpu.memory_space<vmem_shared>>) target(%dma_start3A_46 : memref<80x128xf32, #tpu.memory_space<hbm>>) target_semaphore(%run_scoped3A_42 : memref<!tpu.dma_semaphore, #tpu.memory_space<semaphore_mem>>)
        %dma_wait3A_50 = arith.constant 4920 : i32
        %dma_wait3A_51 = arith.constant 0 : i32
        %dma_wait3A_52 = tpu.memref_slice %arg5[%arg0, %dma_wait3A_50, %dma_wait3A_51] : memref<2x5000x128xf32, #tpu.memory_space<hbm>> -> memref<1x80x128xf32, #tpu.memory_space<hbm>>
        %dma_wait3A_53 = tpu.memref_squeeze %dma_wait3A_52 : memref<1x80x128xf32, #tpu.memory_space<hbm>> -> memref<80x128xf32, #tpu.memory_space<hbm>>
        %dma_wait3A_54 = arith.constant 4920 : i32
        %dma_wait3A_55 = arith.constant 0 : i32
        %dma_wait3A_56 = tpu.memref_slice %arg6[%dma_wait3A_54, %dma_wait3A_55] : memref<5000x128xf32, #tpu.memory_space<vmem_shared>> -> memref<80x128xf32, #tpu.memory_space<vmem_shared>>
        tpu.wait_dma2 semaphore(%run_scoped3A_42 : memref<!tpu.dma_semaphore, #tpu.memory_space<semaphore_mem>>) src(%dma_wait3A_56 : memref<80x128xf32, #tpu.memory_space<vmem_shared>>) dst(%dma_wait3A_53 : memref<80x128xf32, #tpu.memory_space<hbm>>)
        tpu.yield
      }) : () -> ()
    } else {
    }
    return
  }
}

module attributes {stable_mosaic.version = 14 : i64} {
  func.func @_escale_body(%arg0: memref<2x5000x128xf32, #tpu.memory_space<vmem>>, %arg1: memref<2x5120xf32, #tpu.memory_space<vmem>>, %arg2: memref<5000x128xf32, #tpu.memory_space<vmem>>) attributes {dimension_semantics = [], scalar_prefetch = 0 : i64, scratch_operands = 0 : i64, tpu.core_type = #tpu.core_type<tc>} {
    %get3A = arith.constant 0 : index
    %get3A_0 = arith.constant 0 : index
    %get3A_1 = arith.constant 0 : index
    %get3A_2 = vector.load %arg0[%get3A, %get3A_0, %get3A_1] : memref<2x5000x128xf32, #tpu.memory_space<vmem>>, vector<2x5000x128xf32>
    %get3A_3 = arith.constant 0 : index
    %get3A_4 = arith.constant 0 : index
    %get3A_5 = vector.load %arg1[%get3A_3, %get3A_4] : memref<2x5120xf32, #tpu.memory_space<vmem>>, vector<2x5120xf32>
    %slice3A = vector.extract_strided_slice %get3A_5 {offsets = [0, 0], sizes = [1, 5120], strides = [1, 1]} : vector<2x5120xf32> to vector<1x5120xf32>
    %squeeze3A = vector.shape_cast %slice3A : vector<1x5120xf32> to vector<5120xf32>
    %slice3A_6 = vector.extract_strided_slice %get3A_5 {offsets = [1, 0], sizes = [1, 5120], strides = [1, 1]} : vector<2x5120xf32> to vector<1x5120xf32>
    %squeeze3A_7 = vector.shape_cast %slice3A_6 : vector<1x5120xf32> to vector<5120xf32>
    %add3A = arith.addf %squeeze3A, %squeeze3A_7 : vector<5120xf32>
    %slice3A_8 = vector.extract_strided_slice %add3A {offsets = [0], sizes = [5000], strides = [1]} : vector<5120xf32> to vector<5000xf32>
    %gt3A = arith.constant 0.000000e+00 : f32
    %gt3A_9 = vector.broadcast %gt3A : f32 to vector<5000xf32>
    %gt3A_10 = arith.cmpf ogt, %slice3A_8, %gt3A_9 : vector<5000xf32>
    %max3A = arith.constant 9.99999996E-13 : f32
    %max3A_11 = vector.broadcast %max3A : f32 to vector<5000xf32>
    %max3A_12 = arith.maximumf %slice3A_8, %max3A_11 : vector<5000xf32>
    %div3A = arith.constant 1.000000e+00 : f32
    %div3A_13 = vector.broadcast %div3A : f32 to vector<5000xf32>
    %div3A_14 = arith.divf %div3A_13, %max3A_12 : vector<5000xf32>
    %jit3A = arith.constant 0.000000e+00 : f32
    %broadcast_in_dim3A = vector.broadcast %jit3A : f32 to vector<5000xf32>
    %select_n3A = arith.select %gt3A_10, %div3A_14, %broadcast_in_dim3A : vector<5000xi1>, vector<5000xf32>
    %slice3A_15 = vector.extract_strided_slice %get3A_2 {offsets = [0, 0, 0], sizes = [1, 5000, 128], strides = [1, 1, 1]} : vector<2x5000x128xf32> to vector<1x5000x128xf32>
    %squeeze3A_16 = vector.shape_cast %slice3A_15 : vector<1x5000x128xf32> to vector<5000x128xf32>
    %slice3A_17 = vector.extract_strided_slice %get3A_2 {offsets = [1, 0, 0], sizes = [1, 5000, 128], strides = [1, 1, 1]} : vector<2x5000x128xf32> to vector<1x5000x128xf32>
    %squeeze3A_18 = vector.shape_cast %slice3A_17 : vector<1x5000x128xf32> to vector<5000x128xf32>
    %add3A_19 = arith.addf %squeeze3A_16, %squeeze3A_18 : vector<5000x128xf32>
    %broadcast_in_dim3A_20 = vector.shape_cast %select_n3A : vector<5000xf32> to vector<5000x1xf32>
    %mul3A = vector.broadcast %broadcast_in_dim3A_20 : vector<5000x1xf32> to vector<5000x128xf32>
    %mul3A_21 = arith.mulf %add3A_19, %mul3A : vector<5000x128xf32>
    %swap3A = arith.constant 0 : index
    %swap3A_22 = arith.constant 0 : index
    %swap3A_23 = vector.load %arg2[%swap3A, %swap3A_22] : memref<5000x128xf32, #tpu.memory_space<vmem>>, vector<5000x128xf32>
    tpu.vector_store %arg2[%swap3A, %swap3A_22], %mul3A_21 {strides = array<i32>} : memref<5000x128xf32, #tpu.memory_space<vmem>>, vector<5000x128xf32>,
    return
  }
}

module attributes {stable_mosaic.version = 14 : i64} {
  func.func @_matmul_body(%arg0: memref<10000x128xf32, #tpu.memory_space<vmem>>, %arg1: memref<128x128xf32, #tpu.memory_space<vmem>>, %arg2: memref<1x128xf32, #tpu.memory_space<vmem>>, %arg3: memref<10000x128xf32, #tpu.memory_space<vmem>>) attributes {dimension_semantics = [], scalar_prefetch = 0 : i64, scratch_operands = 0 : i64, tpu.core_type = #tpu.core_type<tc>} {
    %get3A = arith.constant 0 : index
    %get3A_0 = arith.constant 0 : index
    %get3A_1 = vector.load %arg0[%get3A, %get3A_0] : memref<10000x128xf32, #tpu.memory_space<vmem>>, vector<10000x128xf32>
    %get3A_2 = arith.constant 0 : index
    %get3A_3 = arith.constant 0 : index
    %get3A_4 = vector.load %arg1[%get3A_2, %get3A_3] : memref<128x128xf32, #tpu.memory_space<vmem>>, vector<128x128xf32>
    %dot_general3A = arith.constant dense<0.000000e+00> : vector<10000x128xf32>
    %dot_general3A_5 = tpu.matmul %get3A_1, %get3A_4, %dot_general3A {dimension_numbers = #tpu.dot_dimension_numbers<[1], [0], [0], [1], [0, 0, 1, 1], [], []>, transpose_lhs_hint = false} : vector<10000x128xf32>, vector<128x128xf32>, vector<10000x128xf32> -> vector<10000x128xf32>
    %get3A_6 = arith.constant 0 : index
    %get3A_7 = arith.constant 0 : index
    %get3A_8 = vector.load %arg2[%get3A_6, %get3A_7] : memref<1x128xf32, #tpu.memory_space<vmem>>, vector<1x128xf32>
    %add3A = vector.broadcast %get3A_8 : vector<1x128xf32> to vector<10000x128xf32>
    %add3A_9 = arith.addf %dot_general3A_5, %add3A : vector<10000x128xf32>
    %swap3A = arith.constant 0 : index
    %swap3A_10 = arith.constant 0 : index
    %swap3A_11 = vector.load %arg3[%swap3A, %swap3A_10] : memref<10000x128xf32, #tpu.memory_space<vmem>>, vector<10000x128xf32>
    tpu.vector_store %arg3[%swap3A, %swap3A_10], %add3A_9 {strides = array<i32>} : memref<10000x128xf32, #tpu.memory_space<vmem>>, vector<10000x128xf32>,
    return
  }
}

module attributes {stable_mosaic.version = 14 : i64} {
  func.func @_scale_body(%arg0: memref<10000x128xf32, #tpu.memory_space<vmem>>, %arg1: memref<2x10000xf32, #tpu.memory_space<vmem>>, %arg2: memref<10000x128xf32, #tpu.memory_space<vmem>>, %arg3: memref<1x10000xf32, #tpu.memory_space<vmem>>) attributes {dimension_semantics = [], scalar_prefetch = 0 : i64, scratch_operands = 0 : i64, tpu.core_type = #tpu.core_type<tc>} {
    %get3A = arith.constant 0 : index
    %get3A_0 = arith.constant 0 : index
    %get3A_1 = vector.load %arg1[%get3A, %get3A_0] : memref<2x10000xf32, #tpu.memory_space<vmem>>, vector<2x10000xf32>
    %slice3A = vector.extract_strided_slice %get3A_1 {offsets = [0, 0], sizes = [1, 10000], strides = [1, 1]} : vector<2x10000xf32> to vector<1x10000xf32>
    %squeeze3A = vector.shape_cast %slice3A : vector<1x10000xf32> to vector<10000xf32>
    %slice3A_2 = vector.extract_strided_slice %get3A_1 {offsets = [1, 0], sizes = [1, 10000], strides = [1, 1]} : vector<2x10000xf32> to vector<1x10000xf32>
    %squeeze3A_3 = vector.shape_cast %slice3A_2 : vector<1x10000xf32> to vector<10000xf32>
    %add3A = arith.addf %squeeze3A, %squeeze3A_3 : vector<10000xf32>
    %gt3A = arith.constant 0.000000e+00 : f32
    %gt3A_4 = vector.broadcast %gt3A : f32 to vector<10000xf32>
    %gt3A_5 = arith.cmpf ogt, %add3A, %gt3A_4 : vector<10000xf32>
    %max3A = arith.constant 9.99999996E-13 : f32
    %max3A_6 = vector.broadcast %max3A : f32 to vector<10000xf32>
    %max3A_7 = arith.maximumf %add3A, %max3A_6 : vector<10000xf32>
    %rsqrt3A = math.rsqrt %max3A_7 : vector<10000xf32>
    %jit3A = arith.constant 0.000000e+00 : f32
    %broadcast_in_dim3A = vector.broadcast %jit3A : f32 to vector<10000xf32>
    %select_n3A = arith.select %gt3A_5, %rsqrt3A, %broadcast_in_dim3A : vector<10000xi1>, vector<10000xf32>
    %get3A_8 = arith.constant 0 : index
    %get3A_9 = arith.constant 0 : index
    %get3A_10 = vector.load %arg0[%get3A_8, %get3A_9] : memref<10000x128xf32, #tpu.memory_space<vmem>>, vector<10000x128xf32>
    %broadcast_in_dim3A_11 = vector.shape_cast %select_n3A : vector<10000xf32> to vector<10000x1xf32>
    %mul3A = vector.broadcast %broadcast_in_dim3A_11 : vector<10000x1xf32> to vector<10000x128xf32>
    %mul3A_12 = arith.mulf %get3A_10, %mul3A : vector<10000x128xf32>
    %swap3A = arith.constant 0 : index
    %swap3A_13 = arith.constant 0 : index
    %swap3A_14 = vector.load %arg2[%swap3A, %swap3A_13] : memref<10000x128xf32, #tpu.memory_space<vmem>>, vector<10000x128xf32>
    tpu.vector_store %arg2[%swap3A, %swap3A_13], %mul3A_12 {strides = array<i32>} : memref<10000x128xf32, #tpu.memory_space<vmem>>, vector<10000x128xf32>,
    %broadcast_in_dim3A_15 = vector.shape_cast %select_n3A : vector<10000xf32> to vector<1x10000xf32>
    %swap3A_16 = arith.constant 0 : index
    %swap3A_17 = arith.constant 0 : index
    %swap3A_18 = vector.load %arg3[%swap3A_16, %swap3A_17] : memref<1x10000xf32, #tpu.memory_space<vmem>>, vector<1x10000xf32>
    tpu.vector_store %arg3[%swap3A_16, %swap3A_17], %broadcast_in_dim3A_15 {strides = array<i32>} : memref<1x10000xf32, #tpu.memory_space<vmem>>, vector<1x10000xf32>,
    return
  }
}

module attributes {stable_mosaic.version = 14 : i64} {
  func.func @_final_body(%arg0: memref<2x10000x128xf32, #tpu.memory_space<vmem>>, %arg1: memref<1x10000xf32, #tpu.memory_space<vmem>>, %arg2: memref<10000x128xf32, #tpu.memory_space<vmem>>) attributes {dimension_semantics = [], scalar_prefetch = 0 : i64, scratch_operands = 0 : i64, tpu.core_type = #tpu.core_type<tc>} {
    %get3A = arith.constant 0 : index
    %get3A_0 = arith.constant 0 : index
    %get3A_1 = arith.constant 0 : index
    %get3A_2 = vector.load %arg0[%get3A, %get3A_0, %get3A_1] : memref<2x10000x128xf32, #tpu.memory_space<vmem>>, vector<2x10000x128xf32>
    %get3A_3 = arith.constant 0 : index
    %get3A_4 = arith.constant 0 : index
    %get3A_5 = vector.load %arg1[%get3A_3, %get3A_4] : memref<1x10000xf32, #tpu.memory_space<vmem>>, vector<1x10000xf32>
    %slice3A = vector.extract_strided_slice %get3A_2 {offsets = [0, 0, 0], sizes = [1, 10000, 128], strides = [1, 1, 1]} : vector<2x10000x128xf32> to vector<1x10000x128xf32>
    %squeeze3A = vector.shape_cast %slice3A : vector<1x10000x128xf32> to vector<10000x128xf32>
    %slice3A_6 = vector.extract_strided_slice %get3A_2 {offsets = [1, 0, 0], sizes = [1, 10000, 128], strides = [1, 1, 1]} : vector<2x10000x128xf32> to vector<1x10000x128xf32>
    %squeeze3A_7 = vector.shape_cast %slice3A_6 : vector<1x10000x128xf32> to vector<10000x128xf32>
    %add3A = arith.addf %squeeze3A, %squeeze3A_7 : vector<10000x128xf32>
    %squeeze3A_8 = vector.shape_cast %get3A_5 : vector<1x10000xf32> to vector<10000xf32>
    %broadcast_in_dim3A = vector.shape_cast %squeeze3A_8 : vector<10000xf32> to vector<10000x1xf32>
    %mul3A = vector.broadcast %broadcast_in_dim3A : vector<10000x1xf32> to vector<10000x128xf32>
    %mul3A_9 = arith.mulf %add3A, %mul3A : vector<10000x128xf32>
    %max3A = arith.constant 0.000000e+00 : f32
    %max3A_10 = vector.broadcast %max3A : f32 to vector<10000x128xf32>
    %max3A_11 = arith.maximumf %mul3A_9, %max3A_10 : vector<10000x128xf32>
    %swap3A = arith.constant 0 : index
    %swap3A_12 = arith.constant 0 : index
    %swap3A_13 = vector.load %arg2[%swap3A, %swap3A_12] : memref<10000x128xf32, #tpu.memory_space<vmem>>, vector<10000x128xf32>
    tpu.vector_store %arg2[%swap3A, %swap3A_12], %max3A_11 {strides = array<i32>} : memref<10000x128xf32, #tpu.memory_space<vmem>>, vector<10000x128xf32>,
    return
  }
}

</mosaic_0001>

<sc_bundles>
// kernel: kernel.12.cloned.1.call-start
scs
__scs_entry_jumppad:
0x0: {  	(pc) =	sbr.rel $0x88, $3  }
0x1: {  	(tag) =	ssettag $0x0;
	lr =	simm.s32 $0x1  }
0x2: {  	[smem:$0x3F9C] =	sst lr;
	_ =	strace $0xD0000000  }
0x3: {  	_ = 	snop  }
0x4: {  	_ = 	snop  }
0x5: {  	_ = 	snop  }
0x6: {  	_ = 	snop  }
0x7: {  	_ = 	snop  }
__scs_overlays_trampoline_lowered:
0x8: {  	[smem:$0x3FAB] =	sst s0  }
0x9: {  	[smem:$0x3FAC] =	sst s1  }
0xa: {  	[smem:$0x3FAD] =	sst s2  }
0xb: {  	[smem:$0x3FAE] =	sst s3  }
0xc: {  	[smem:$0x3FAF] =	sst s4  }
0xd: {  	[smem:$0x3FB0] =	sst s5  }
0xe: {  	[smem:$0x3FB1] =	sst s6  }
0xf: {  	[smem:$0x3FB2] =	sst s7  }
0x10: {  	[smem:$0x3FB3] =	sst s8  }
0x11: {  	[smem:$0x3FB4] =	sst s9;
	s0 =	simm.s32 @!p0 $0x0  }
0x12: {  	s1 =	sld [smem:$0x3F9A];
	s0 =	simm.s32 @p0 $0x1  }
0x13: {  	[smem:$0x3FB5] =	sst s0;
	s0 =	simm.s32 @!p1 $0x0  }
0x14: {  	s2 =	sld [smem:$0x3F99];
	s0 =	simm.s32 @p1 $0x1  }
0x15: {  	[smem:$0x3FB6] =	sst s0;
	s0 =	simm.s32 @!p2 $0x0  }
0x16: {  	s3 =	sld [smem:$0x3FDB];
	s0 =	simm.s32 @p2 $0x1  }
0x17: {  	s4 =	simm.s32 $0x1BF5;
	[smem:$0x3FB8] =	sst s0  }
0x18: {  	s0 =	sld [smem:$0x3F9B];
	_ =	swait.ge [sflag:s4], $0x0  }
0x19: {  	s7 =	sld [smem:$0x3F9C]  }
0x1a: {  	s8 =	sadd.s32 $0xFFFFE003, lr  }
0x1b: {  	s9 =	sadd.s32 $0xFFFFFEF7, lr;
	s5 =	simm.s32 $0xFFFFFFFF;
	p2 =	slt.u32 s8, $0xFFFFF086  }
0x1c: {  	p1 =	slt.u32 s9, $0xF7A;
	s5 =	simm.s32 @!p2 $0x0  }
0x1d: {  	s5 =	simm.s32 @p1 $0x1;
	p0 =	seq.s32 s7, s2  }
0x1e: {  	s7 =	smul.u32 @!p0 $0xF7A, s2;
	p2 =	seq.s32 @!p0 s5, $0x0  }
0x1f: {  	s9 =	smul.u32 $0xF7A, s1;
	s8 =	simm.s32 @!p0 $0x1BF5;
	p2 =	por !p2, p0  }
0x20: {  	[sflag:s8] =	ssyncset.s32 @!p0 $0xFFFFF086;
	s6 =	sadd.s32 @!p0 s3, s7;
	s7 =	simm.s32 @!p0 $0x108  }
0x21: {  	s3 =	sadd.s32 s3, s9;
	s6 =	sadd.s32 @!p0 $0x88, s6;
	s7 =	simm.s32 @p2 $0x1082  }
0x22: {  	[simem:s7], [sflag:s8] =	dma.local @!p0 [hbm:s6], $0xF7A  }
0x23: {  	s9 =	sor.u32 $0xD0000000, s2;
	s6 =	simm.s32 $0x108;
	_ =	swait.ge @!p0 [sflag:s8], $0x0  }
0x24: {  	s3 =	sadd.s32 $0x88, s3;
	s6 =	simm.s32 @!p1 $0x1082;
	[sflag:s4] =	ssyncset.s32 $0xFFFFF086  }
0x25: {  	[simem:s6], [sflag:s4] =	dma.local [hbm:s3], $0xF7A  }
0x26: {  	[smem:$0x3F9C] =	sst s1;
	(tag) =	ssettag s2;
	_ =	strace s9  }
0x27: {  	s1 =	sld [smem:$0x3FAC]  }
0x28: {  	s2 =	sld [smem:$0x3FAD]  }
0x29: {  	s4 =	sld [smem:$0x3FAF]  }
0x2a: {  	p0 =	seq.s32 s5, $0x0;
	s5 =	sld [smem:$0x3FB0]  }
0x2b: {  	s6 =	sld [smem:$0x3FB1]  }
0x2c: {  	s7 =	sld [smem:$0x3FB2]  }
0x2d: {  	s3 =	simm.s32 $0x108;
	s8 =	sld [smem:$0x3FB3]  }
0x2e: {  	s3 =	simm.s32 @!p0 $0x1082;
	s9 =	sld [smem:$0x3FB4]  }
0x2f: {  	lr =	sadd.s32 s0, s3;
	s0 =	sld [smem:$0x3FAB]  }
0x30: {  	s3 =	sld [smem:$0x3FAE]  }
0x31: {  	[smem:$0x3FB7] =	sst s10  }
0x32: {  	s10 =	sld [smem:$0x3FB5];
	_ =	sdelay $0x3  }
0x33: {  	p0 =	seq.s32 s10, $0x1;
	s10 =	sld [smem:$0x3FB7];
	_ =	sdelay $0x3  }
0x34: {  	[smem:$0x3FB7] =	sst s10  }
0x35: {  	s10 =	sld [smem:$0x3FB6];
	_ =	sdelay $0x3  }
0x36: {  	p1 =	seq.s32 s10, $0x1;
	s10 =	sld [smem:$0x3FB7];
	_ =	sdelay $0x3  }
0x37: {  	[smem:$0x3FB7] =	sst s10  }
0x38: {  	s10 =	sld [smem:$0x3FB8]  }
0x39: {  	_ = 	snop;
	(pc) =	sbr.ind lr, $3  }
0x3a: {  	_ = 	snop  }
0x3b: {  	_ = 	snop  }
0x3c: {  	p2 =	seq.s32 s10, $0x1;
	s10 =	sld [smem:$0x3FB7]  }
0x3d: {  	_ =	shalt  }
0x3e: {  	_ =	shalt  }
0x3f: {  	_ =	shalt  }
0x40: {  	_ =	shalt  }
0x41: {  	_ =	shalt  }
0x42: {  	_ =	shalt  }
0x43: {  	_ =	shalt  }
0x44: {  	_ =	shalt  }
0x45: {  	_ =	shalt  }
0x46: {  	_ =	shalt  }
0x47: {  	_ =	shalt  }
0x48: {  	_ =	shalt  }
0x49: {  	_ =	shalt  }
0x4a: {  	_ =	shalt  }
0x4b: {  	_ =	shalt  }
0x4c: {  	_ =	shalt  }
0x4d: {  	_ =	shalt  }
0x4e: {  	_ =	shalt  }
0x4f: {  	_ =	shalt  }
0x50: {  	_ =	shalt  }
0x51: {  	_ =	shalt  }
0x52: {  	_ =	shalt  }
0x53: {  	_ =	shalt  }
0x54: {  	_ =	shalt  }
0x55: {  	_ =	shalt  }
0x56: {  	_ =	shalt  }
0x57: {  	_ =	shalt  }
0x58: {  	_ =	shalt  }
0x59: {  	_ =	shalt  }
0x5a: {  	_ =	shalt  }
0x5b: {  	_ =	shalt  }
0x5c: {  	_ =	shalt  }
0x5d: {  	_ =	shalt  }
0x5e: {  	_ =	shalt  }
0x5f: {  	_ =	shalt  }
0x60: {  	_ =	shalt  }
0x61: {  	_ =	shalt  }
0x62: {  	_ =	shalt  }
0x63: {  	_ =	shalt  }
0x64: {  	_ =	shalt  }
0x65: {  	_ =	shalt  }
0x66: {  	_ =	shalt  }
0x67: {  	_ =	shalt  }
0x68: {  	_ =	shalt  }
0x69: {  	_ =	shalt  }
0x6a: {  	_ =	shalt  }
0x6b: {  	_ =	shalt  }
0x6c: {  	_ =	shalt  }
0x6d: {  	_ =	shalt  }
0x6e: {  	_ =	shalt  }
0x6f: {  	_ =	shalt  }
0x70: {  	_ =	shalt  }
0x71: {  	_ =	shalt  }
0x72: {  	_ =	shalt  }
0x73: {  	_ =	shalt  }
0x74: {  	_ =	shalt  }
0x75: {  	_ =	shalt  }
0x76: {  	_ =	shalt  }
0x77: {  	_ =	shalt  }
0x78: {  	_ =	shalt  }
0x79: {  	_ =	shalt  }
0x7a: {  	_ =	shalt  }
0x7b: {  	_ =	shalt  }
0x7c: {  	_ =	shalt  }
0x7d: {  	_ =	shalt  }
0x7e: {  	_ =	shalt  }
0x7f: {  	_ =	shalt  }
0x80: {  	_ =	shalt  }
0x81: {  	_ =	shalt  }
0x82: {  	_ =	shalt  }
0x83: {  	_ =	shalt  }
0x84: {  	_ =	shalt  }
0x85: {  	_ =	shalt  }
0x86: {  	_ =	shalt  }
0x87: {  	_ =	shalt  }
.Lfunc_end0:
.L_simem_size_0:
called_computation.1_lowered:
.L_overlay_start_0:
0x88: {  	s2 =	sld [smem:$0x3FD9]  }
0x89: {  	s3 =	sld [smem:$0x3FFE];
	_ =	sdelay $0x1  }
0x8a: {  	s1 =	srdreg.scid  }
0x8b: {  	s0 =	sand.u32 $0x1, s1  }
0x8c: {  	s17 =	sshll.u32 s0, $0xA;
	s2 =	sadd.s32 s3, s2  }
0x8d: {  	s2 =	sadd.s32 s2, s17  }
0x8e: {  	[smem:$0x3FC3] =	sst s2  }
0x8f: {  	_ = 	snop  }
0x90: {  	s2 =	sld [smem:$0x3FD0];
	(tm) =	ssettm $0x1  }
0x91: {  	s18 =	sld [smem:$0x3FFB];
	_ =	sdelay $0x3  }
0x92: {  	_ =	strace s18  }
0x93: {  	s3 =	sld [smem:$0x3FFC];
	_ =	sdelay $0x3  }
0x94: {  	_ =	strace s3  }
0x95: {  	s3 =	sld [smem:$0x3FFD];
	_ =	sdelay $0x3  }
0x96: {  	_ =	strace s3  }
0x97: {  	_ =	strace $0x8FFFFFFF  }
0x98: {  	s19 =	sld [smem:$0x3FDB];
	_ =	sdelay $0x1  }
0x99: {  	s4 =	simm.s32 $_scs_section_size  }
0x9a: {  	s5 =	simm.s32 $_size__tile_overlayer_lowered;
	s6 =	simm.s32 $_tile_overlayer_lowered  }
0x9b: {  	s22 =	simm.s32 $0x1BFF;
	s21 =	sshll.u32 s6, $0x1;
	s3 =	sadd.s32 s4, s19  }
0x9c: {  	s7 =	simm.s32 $0x0;
	s20 =	sshll.u32 s5, $0x1;
	s5 =	sadd.s32 s21, s3  }
0x9d: {  	[timem:s7], [sflag:s22] =	dma.local [hbm:s5], s20  }
0x9e: {  	_ =	swait.ge [sflag:s22], s20  }
0x9f: {  	s4 =	ssub.s32 $0x0, s20;
	[sflag:s22] =	ssyncset.done $0x0  }
0xa0: {  	[sflag:s22] =	ssyncadd.s32 s4;
	_ =	sdelay $0x1  }
0xa1: {  	s23 =	simm.s32 $0x1B8B  }
0xa2: {  	_ =	swait.ge [sflag:s23], $0x1  }
0xa3: {  	[sflag:s23] =	ssyncset.done $0x0  }
0xa4: {  	s25 =	simm.s32 $0x1B8E;
	s24 =	sld [smem:$0x3FFE];
	[sflag:s23] =	ssyncadd.s32 $0xFFFFFFFF  }
0xa5: {  	s26 =	simm.s32 $execute0_lowered;
	[smem:$0x3FD2] =	sst s25  }
0xa6: {  	s5 =	sshll.u32 s26, $0x1;
	_ =	strace $0x80000049;
	[dreg:$0x1] =	wrdreg $0xFFFFFFFF  }
0xa7: {  	s28 =	simm.s32 $_size_execute0_lowered;
	s3 =	sadd.s32 s3, s5;
	[dreg:$0x0] =	wrdreg $0x0  }
0xa8: {  	s5 =	sshll.u32 s28, $0x1;
	[dreg:$0x2] =	wrdreg s3  }
0xa9: {  	[dreg:$0x3] =	wrdreg s5  }
0xaa: {  	[dreg:$0x4] =	wrdreg $0xC0  }
0xab: {  	_ =	task [dreg:s7], $0x5FFFF  }
0xac: {  	[dreg:$0x1] =	wrdreg $0xFFFFFFFF  }
0xad: {  	[dreg:$0x0] =	wrdreg $0x60  }
0xae: {  	[dreg:$0x2] =	wrdreg s2  }
0xaf: {  	[dreg:$0x3] =	wrdreg s24  }
0xb0: {  	[dreg:$0x4] =	wrdreg $0x0  }
0xb1: {  	[dreg:$0x5] =	wrdreg $0x9  }
0xb2: {  	_ =	task.clear_ibuf [dreg:s7], $0x6FFFF;
	_ =	strace $0x90000049  }
0xb3: {  	s29 =	simm.s32 $0x9;
	_ =	strace $0x8000004B  }
0xb4: {  	_ =	swait.ge [sflag:s29], $0x1  }
0xb5: {  	[sflag:s29] =	ssyncadd.s32 $0xFFFFFFFF  }
0xb6: {  	_ =	strace $0x9000004B  }
0xb7: {  	_ =	sfence  }
0xb8: {  	s30 =	sld [smem:$0x0];
	_ =	sdelay $0x2  }
0xb9: {  	s31 =	sshll.u32 s1, $0xD;
	s1 =	sshrl.u32 s1, $0x2  }
0xba: {  	s3 =	sand.u32 $0x4000, s31;
	s1 =	sadd.s32 s1, s30  }
0xbb: {  	s0 =	sor.u32 s3, s0;
	s1 =	sshll.u32 s1, $0x11  }
0xbc: {  	s0 =	sor.u32 s1, s0  }
0xbd: {  	s0 =	sadd.s32 $0x8F2B, s0  }
0xbe: {  	[sflag:s0] =	ssyncadd.remote.s32 $0x1  }
0xbf: {  	_ =	sfence.sel $0xFFFF  }
0xc0: {  	[dreg:$0x0] =	wrdreg $0xFFFFFFFF;
	(pc) =	sbr.abs _section_cstart, $3  }
0xc1: {  	[dreg:$0x1] =	wrdreg $0xFFFFFFFF  }
0xc2: {  	_ =	task.clear_ibuf [dreg:s7], $0x2FFFF;
	_ =	strace $0x9FFFFFFF  }
0xc3: {  	(tm) =	ssettm $0x7FFFFFFF  }
tec
execute0_lowered:
.L_overlay_start_1:
0x0: {  	(tag) =	ssettag $0x1  }
0x1: {  	s1 =	rddreg [dreg:$0x0]  }
0x2: {  	s0 =	rddreg [dreg:$0x1]  }
0x3: {  	s3 =	rddreg [dreg:$0x2];
	s4 =	simm.s32 $0x0  }
0x4: {  	s2 =	srdreg.scid;
	s12 =	stileid.u32;
	s28 =	simm.s32 $0x9C40  }
0x5: {  	s29 =	simm.s32 $0x3;
	s31 =	simm.s32 $0x50;
	s30 =	simm.s32 $0x1  }
0x6: {  	[smem:$0x7FF] =	sst s4;
	s2 =	sand.u32 $0x1, s2;
	s5 =	smul.u32 $0x27000, s12  }
0x7: {  	s7 =	sshll.u32 s12, $0xB;
	s22 =	smul.u32 $0x9C00, s12;
	s9 =	sadd.s32 $0x92400, s3  }
0x8: {  	s10 =	sadd.s32 $0x94C00, s3;
	s11 =	sadd.s32 $0x97400, s3;
	p0 =	seq.s32 s12, $0xF  }
0x9: {  	_ =	strace $0x8000004A;
	s6 =	sshll.u32 s2, $0xF;
	s18 =	ssub.s32 $0x2, s2  }
0xa: {  	s2 =	smul.u32 $0x9C400, s2;
	s6 =	sor.u32 s7, s6;
	s5 =	sshrl.u32 s5, $0x2  }
0xb: {  	s8 =	sshrl.u32 s18, $0x1;
	s16 =	sadd.s32 $0x2800, s22;
	s17 =	sadd.s32 $0x5000, s22  }
0xc: {  	s6 =	sadd.s32 s6, s0;
	s5 =	sadd.s32 s5, s3;
	s0 =	sadd.s32 $0x23800, s0  }
0xd: {  	s7 =	ssub.s32 s18, s8;
	s24 =	sadd.s32 s22, s2;
	s14 =	sadd.s32 s2, s16  }
0xe: {  	s25 =	sadd.s32 s2, s17;
	s23 =	sadd.s32 s16, s3;
	s19 =	sadd.s32 $0x2800, s5  }
0xf: {  	s8 =	sadd.s32 $0x7800, s22;
	s20 =	sadd.s32 $0x5000, s5;
	[dreg:$0x4] =	wrdreg s19  }
0x10: {  	s21 =	sadd.s32 $0x7800, s5;
	s13 =	sadd.s32 $0x2A00, s6;
	[dreg:$0x5] =	wrdreg s20  }
0x11: {  	s6 =	sadd.s32 $0x12A00, s6;
	s15 =	sshrl.u32 s14, $0x3;
	[dreg:$0x6] =	wrdreg s21  }
0x12: {  	s26 =	sadd.s32 s2, s8;
	s2 =	sshrl.u32 s2, $0x3;
	[dreg:$0x7] =	wrdreg s13  }
0x13: {  	s22 =	smax.u32 s7, $0x1;
	s23 =	sshrl.u32 @!p0 s23, $0x3;
	[dreg:$0x8] =	wrdreg s6  }
0x14: {  	s6 =	sshrl.u32 s24, $0x3;
	s15 =	sadd.s32 s0, s15;
	s2 =	sadd.s32 s0, s2  }
0x15: {  	s24 =	sadd.s32 s17, s3;
	s6 =	sadd.s32 s0, s6;
	s18 =	sadd.s32 $0x12480, s2  }
0x16: {  	s19 =	sadd.s32 $0x12980, s2;
	s20 =	sadd.s32 $0x12E80, s2;
	s21 =	sadd.s32 $0x13380, s2  }
0x17: {  	s24 =	sshrl.u32 @!p0 s24, $0x3;
	[dreg:$0x9] =	wrdreg s6;
	s6 =	sshrl.u32 s25, $0x3  }
0x18: {  	s2 =	simm.s32 $0x14440;
	s16 =	sadd.s32 s0, s6;
	s6 =	sshrl.u32 s26, $0x3  }
0x19: {  	s26 =	sadd.s32 $0x99C00, s3;
	s17 =	sadd.s32 s0, s6;
	s0 =	sadd.s32 s8, s3  }
0x1a: {  	v0 =	vimm.f32 $0.0e+00;
	s6 =	simm.s32 $0x2;
	s25 =	sshrl.u32 @!p0 s0, $0x3;
	s0 =	simm.s32 $0x11C40  }
.LBB2_1:
0x1b: {  	s7 =	simm.s32 $0x0;
	s8 =	simm.s32 $0x200  }
.LBB2_2:
0x1c: {  	p1 =	sne.s32 s8, $0x9E00;
	[tilespmem:s7+$0x11CB0] =	vst v0  }
0x1d: {  	[tilespmem:s7+$0x11C40] =	vst v0  }
0x1e: {  	[tilespmem:s7+$0x11C50] =	vst v0  }
.Ltmp0:
0x1f: {  	[tilespmem:s7+$0x11C60] =	vst v0;
	(pc) =	sbr.rel @p1 .LBB2_2-.Ltmp0, $4  }
0x20: {  	[tilespmem:s7+$0x11C70] =	vst v0  }
0x21: {  	[tilespmem:s7+$0x11C80] =	vst v0  }
0x22: {  	[tilespmem:s7+$0x11C90] =	vst v0  }
0x23: {  	[tilespmem:s7+$0x11CA0] =	vst v0;
	s7 =	sshra.s32 s8, $0x2;
	s8 =	sadd.s32 $0x200, s8  }
0x24: {  	[tilespmem:s7+$0x11CB0] =	vst v0  }
0x25: {  	[tilespmem:s7+$0x11C40] =	vst v0  }
0x26: {  	[tilespmem:s7+$0x11C50] =	vst v0  }
0x27: {  	[tilespmem:s7+$0x11C60] =	vst v0  }
0x28: {  	[tilespmem:s7+$0x11C70] =	vst v0  }
0x29: {  	[tilespmem:s7+$0x11C80] =	vst v0  }
0x2a: {  	[tilespmem:s7+$0x11C90] =	vst v0  }
0x2b: {  	[tilespmem:s7+$0x11CA0] =	vst v0;
	s7 =	simm.s32 @p0 $0x11C40;
	s8 =	simm.s32 @p0 $0x3  }
0x2c: {  	[spmem:s9] =	stream.linear.scatter @p0 [tilespmem:s7], [sflag:$0x3], $0x2800, $0x38;
	[tilespmem:$0x16C40] =	vst v63  }
0x2d: {  	_ =	swait.ge @p0 [sflag:s8], $0x2800  }
0x2e: {  	[sflag:s8] =	ssyncset.done @p0 $0x0  }
0x2f: {  	[sflag:s8] =	ssyncadd.s32 @p0 $0xFFFFD800  }
0x30: {  	[spmem:s10] =	stream.linear.scatter @p0 [tilespmem:s7], [sflag:$0x3], $0x2800, $0x38;
	[tilespmem:$0x16C40] =	vst v63  }
0x31: {  	_ =	swait.ge @p0 [sflag:s8], $0x2800  }
0x32: {  	[sflag:s8] =	ssyncset.done @p0 $0x0  }
0x33: {  	[sflag:s8] =	ssyncadd.s32 @p0 $0xFFFFD800  }
0x34: {  	[spmem:s11] =	stream.linear.scatter @p0 [tilespmem:s7], [sflag:$0x3], $0x2800, $0x38;
	[tilespmem:$0x16C40] =	vst v63  }
0x35: {  	_ =	swait.ge @p0 [sflag:s8], $0x2800  }
0x36: {  	[sflag:s8] =	ssyncset.done @p0 $0x0  }
0x37: {  	[sflag:s8] =	ssyncadd.s32 @p0 $0xFFFFD800  }
0x38: {  	[spmem:s26] =	stream.linear.scatter @p0 [tilespmem:s7], [sflag:$0x3], $0x2800, $0x38;
	[tilespmem:$0x16C40] =	vst v63  }
0x39: {  	_ =	swait.ge @p0 [sflag:s8], $0x2800  }
0x3a: {  	[sflag:s8] =	ssyncset.done @p0 $0x0  }
0x3b: {  	s7 =	simm.s32 @!p0 $0x11C40;
	[sflag:s8] =	ssyncadd.s32 @p0 $0xFFFFD800;
	s8 =	simm.s32 @!p0 $0x3  }
0x3c: {  	[spmem:s5] =	stream.linear.scatter @!p0 [tilespmem:s7], [sflag:$0x3], $0x2800, $0x38;
	[tilespmem:$0x16C40] =	vst v63  }
0x3d: {  	_ =	swait.ge @!p0 [sflag:s8], $0x2800  }
0x3e: {  	[sflag:s8] =	ssyncset.done @!p0 $0x0  }
0x3f: {  	s12 =	rddreg [dreg:$0x4];
	[sflag:s8] =	ssyncadd.s32 @!p0 $0xFFFFD800  }
0x40: {  	[spmem:s12] =	stream.linear.scatter @!p0 [tilespmem:s7], [sflag:$0x3], $0x2800, $0x38;
	[tilespmem:$0x16C40] =	vst v63  }
0x41: {  	_ =	swait.ge @!p0 [sflag:s8], $0x2800  }
0x42: {  	[sflag:s8] =	ssyncset.done @!p0 $0x0  }
0x43: {  	s12 =	rddreg [dreg:$0x5];
	[sflag:s8] =	ssyncadd.s32 @!p0 $0xFFFFD800  }
0x44: {  	[spmem:s12] =	stream.linear.scatter @!p0 [tilespmem:s7], [sflag:$0x3], $0x2800, $0x38;
	[tilespmem:$0x16C40] =	vst v63  }
0x45: {  	_ =	swait.ge @!p0 [sflag:s8], $0x2800  }
0x46: {  	[sflag:s8] =	ssyncset.done @!p0 $0x0  }
0x47: {  	s12 =	rddreg [dreg:$0x6];
	[sflag:s8] =	ssyncadd.s32 @!p0 $0xFFFFD800  }
0x48: {  	[spmem:s12] =	stream.linear.scatter @!p0 [tilespmem:s7], [sflag:$0x3], $0x2400, $0x38;
	[tilespmem:$0x16C40] =	vst v63  }
0x49: {  	_ =	swait.ge @!p0 [sflag:s8], $0x2400  }
0x4a: {  	[sflag:s8] =	ssyncset.done @!p0 $0x0  }
0x4b: {  	s7 =	simm.s32 $0x0;
	s12 =	rddreg [dreg:$0x7];
	[sflag:s8] =	ssyncadd.s32 @!p0 $0xFFFFDC00  }
0x4c: {  	[tilespmem:s28], [sflag:$0x3] =	stream.linear.gather [hbm4b:s12+s7], $0x3E80, $0x38;
	[tilespmem:$0x16C40] =	vst v63  }
0x4d: {  	_ =	swait.ge [sflag:s29], $0x3E80  }
0x4e: {  	[sflag:s29] =	ssyncset.done $0x0  }
0x4f: {  	s14 =	simm.s32 $0xDC40;
	s13 =	rddreg [dreg:$0x8];
	[sflag:s29] =	ssyncadd.s32 $0xFFFFC180  }
0x50: {  	[tilespmem:s14], [sflag:$0x3] =	stream.linear.gather [hbm4b:s13+s7], $0x3E80, $0x38;
	[tilespmem:$0x16C40] =	vst v63  }
0x51: {  	_ =	swait.ge [sflag:s29], $0x3E80  }
0x52: {  	[sflag:s29] =	ssyncset.done $0x0  }
0x53: {  	[sflag:s29] =	ssyncadd.s32 $0xFFFFC180  }
0x54: {  	[bflag:$0x0] =	sbarrier.arrive $0xFFFF  }
0x55: {  	[tilespmem:s0], [sflag:$0x1] =	stream.indirect.gather [hbm4b:s1+s31], $0x80, s28, s31, $0xb8;
	[tilespmem:$0x16C40] =	vst v63  }
0x56: {  	s8 =	simm.s32 $0x9CC0  }
0x57: {  	[tilespmem:s2], [sflag:$0x2] =	stream.indirect.gather [hbm4b:s1+s31], $0x80, s8, s31, $0xb8;
	[tilespmem:$0x16C40] =	vst v63  }
0x58: {  	_ =	swait.ge [sflag:s30], $0x2800  }
0x59: {  	[sflag:s30] =	ssyncset.done $0x0  }
0x5a: {  	s12 =	simm.s32 $0xDC40;
	[sflag:s30] =	ssyncadd.s32 $0xFFFFD800  }
0x5b: {  	[spmem:s3] =	stream.indirect.scatter.add.f32 [tilespmem:s0], [sflag:$0x3], $0x80, s12, s31, $0xb8;
	[tilespmem:$0x16C40] =	vst v63  }
0x5c: {  	_ =	swait.ge [sflag:s29], $0x2800  }
0x5d: {  	[sflag:s29] =	ssyncset.done $0x0  }
0x5e: {  	s13 =	simm.s32 $0x9D40;
	[sflag:s29] =	ssyncadd.s32 $0xFFFFD800  }
0x5f: {  	[tilespmem:s0], [sflag:$0x1] =	stream.indirect.gather [hbm4b:s1+s31], $0x80, s13, s31, $0xb8;
	[tilespmem:$0x16C40] =	vst v63  }
0x60: {  	_ =	swait.ge [sflag:s6], $0x2800  }
0x61: {  	[sflag:s6] =	ssyncset.done $0x0  }
0x62: {  	s14 =	simm.s32 $0xDCC0;
	[sflag:s6] =	ssyncadd.s32 $0xFFFFD800  }
0x63: {  	[spmem:s3] =	stream.indirect.scatter.add.f32 [tilespmem:s2], [sflag:$0x3], $0x80, s14, s31, $0xb8;
	[tilespmem:$0x16C40] =	vst v63  }
0x64: {  	_ =	swait.ge [sflag:s29], $0x2800  }
0x65: {  	s7 =	simm.s32 $0x100;
	s8 =	simm.s32 $0x800;
	[sflag:s29] =	ssyncset.done $0x0  }
.LBB2_4:
0x66: {  	s12 =	sadd.s32 $0x9CC0, s7  }
0x67: {  	[sflag:s29] =	ssyncadd.s32 $0xFFFFD800;
	s13 =	smov.u32 s8;
	s14 =	sadd.s32 $0x400, s8  }
0x68: {  	[tilespmem:s2], [sflag:$0x2] =	stream.indirect.gather [hbm4b:s1+s31], $0x80, s12, s31, $0xb8;
	[tilespmem:$0x16C40] =	vst v63  }
0x69: {  	p1 =	sne.s32 s8, $0xF400;
	_ =	swait.ge [sflag:s30], $0x2800  }
0x6a: {  	[sflag:s30] =	ssyncset.done $0x0  }
0x6b: {  	s8 =	sadd.s32 $0xDC40, s7;
	[sflag:s30] =	ssyncadd.s32 $0xFFFFD800  }
0x6c: {  	[spmem:s3] =	stream.indirect.scatter.add.f32 [tilespmem:s0], [sflag:$0x3], $0x80, s8, s31, $0xb8;
	[tilespmem:$0x16C40] =	vst v63  }
0x6d: {  	_ =	swait.ge [sflag:s29], $0x2800  }
0x6e: {  	[sflag:s29] =	ssyncset.done $0x0  }
0x6f: {  	s8 =	sadd.s32 $0x9D40, s7;
	[sflag:s29] =	ssyncadd.s32 $0xFFFFD800  }
0x70: {  	[tilespmem:s0], [sflag:$0x1] =	stream.indirect.gather [hbm4b:s1+s31], $0x80, s8, s31, $0xb8;
	[tilespmem:$0x16C40] =	vst v63  }
0x71: {  	_ =	swait.ge [sflag:s6], $0x2800  }
.Ltmp1:
0x72: {  	[sflag:s6] =	ssyncset.done $0x0;
	(pc) =	sbr.rel @p1 .LBB2_4-.Ltmp1, $4  }
0x73: {  	s7 =	sadd.s32 $0xDCC0, s7;
	[sflag:s6] =	ssyncadd.s32 $0xFFFFD800  }
0x74: {  	[spmem:s3] =	stream.indirect.scatter.add.f32 [tilespmem:s2], [sflag:$0x3], $0x80, s7, s31, $0xb8;
	[tilespmem:$0x16C40] =	vst v63  }
0x75: {  	_ =	swait.ge [sflag:s29], $0x2800  }
0x76: {  	s8 =	smov.u32 s14;
	s7 =	sshra.s32 s13, $0x2;
	[sflag:s29] =	ssyncset.done $0x0  }
0x77: {  	s8 =	sadd.s32 $0x9CC0, s7;
	[sflag:s29] =	ssyncadd.s32 $0xFFFFD800  }
0x78: {  	[tilespmem:s2], [sflag:$0x2] =	stream.indirect.gather [hbm4b:s1+s31], $0x80, s8, s31, $0xb8;
	[tilespmem:$0x16C40] =	vst v63  }
0x79: {  	_ =	swait.ge [sflag:s30], $0x2800  }
0x7a: {  	[sflag:s30] =	ssyncset.done $0x0  }
0x7b: {  	s14 =	sadd.s32 $0xDC40, s7;
	[sflag:s30] =	ssyncadd.s32 $0xFFFFD800  }
0x7c: {  	[spmem:s3] =	stream.indirect.scatter.add.f32 [tilespmem:s0], [sflag:$0x3], $0x80, s14, s31, $0xb8;
	[tilespmem:$0x16C40] =	vst v63  }
0x7d: {  	_ =	swait.ge [sflag:s29], $0x2800  }
0x7e: {  	[sflag:s29] =	ssyncset.done $0x0  }
0x7f: {  	s12 =	sadd.s32 $0x9D40, s7;
	[sflag:s29] =	ssyncadd.s32 $0xFFFFD800  }
0x80: {  	[tilespmem:s0], [sflag:$0x1] =	stream.indirect.gather [hbm4b:s1+s31], $0x80, s12, s31, $0xb8;
	[tilespmem:$0x16C40] =	vst v63  }
0x81: {  	_ =	swait.ge [sflag:s6], $0x2800  }
0x82: {  	[sflag:s6] =	ssyncset.done $0x0  }
0x83: {  	s13 =	sadd.s32 $0xDCC0, s7;
	[sflag:s6] =	ssyncadd.s32 $0xFFFFD800  }
0x84: {  	[spmem:s3] =	stream.indirect.scatter.add.f32 [tilespmem:s2], [sflag:$0x3], $0x80, s13, s31, $0xb8;
	[tilespmem:$0x16C40] =	vst v63  }
0x85: {  	_ =	swait.ge [sflag:s29], $0x2800  }
0x86: {  	[sflag:s29] =	ssyncset.done $0x0  }
0x87: {  	[sflag:s29] =	ssyncadd.s32 $0xFFFFD800  }
0x88: {  	_ =	swait.ge [sflag:s30], $0x2800  }
0x89: {  	[sflag:s30] =	ssyncset.done $0x0  }
0x8a: {  	s14 =	simm.s32 $0x11A40;
	[sflag:s30] =	ssyncadd.s32 $0xFFFFD800  }
0x8b: {  	[spmem:s3] =	stream.indirect.scatter.add.f32 [tilespmem:s0], [sflag:$0x3], $0x80, s14, s31, $0xb8;
	[tilespmem:$0x16C40] =	vst v63  }
0x8c: {  	_ =	swait.ge [sflag:s29], $0x2800  }
0x8d: {  	[sflag:s29] =	ssyncset.done $0x0  }
0x8e: {  	[sflag:s29] =	ssyncadd.s32 $0xFFFFD800  }
0x8f: {  	s7 =	sshrl.u32 @p0 s9, $0x3;
	s8 =	simm.s32 @p0 $0x1FC3;
	[bflag:$0x0] =	sbarrier.arrive $0xFFFF  }
0x90: {  	[hbm:s18], [sflag:s8] =	dma.local @p0 [spmem:s7], $0x500  }
0x91: {  	s7 =	simm.s32 @p0 $0x3  }
0x92: {  	_ =	swait.ge @p0 [sflag:s7], $0x500  }
0x93: {  	[sflag:s7] =	ssyncset.done @p0 $0x0  }
0x94: {  	s12 =	sshrl.u32 @p0 s10, $0x3;
	[sflag:s7] =	ssyncadd.s32 @p0 $0xFFFFFB00  }
0x95: {  	[hbm:s19], [sflag:s8] =	dma.local @p0 [spmem:s12], $0x500  }
0x96: {  	_ =	swait.ge @p0 [sflag:s7], $0x500  }
0x97: {  	[sflag:s7] =	ssyncset.done @p0 $0x0  }
0x98: {  	s12 =	sshrl.u32 @p0 s11, $0x3;
	[sflag:s7] =	ssyncadd.s32 @p0 $0xFFFFFB00  }
0x99: {  	[hbm:s20], [sflag:s8] =	dma.local @p0 [spmem:s12], $0x500  }
0x9a: {  	_ =	swait.ge @p0 [sflag:s7], $0x500  }
0x9b: {  	[sflag:s7] =	ssyncset.done @p0 $0x0  }
0x9c: {  	s12 =	sshrl.u32 @p0 s26, $0x3;
	[sflag:s7] =	ssyncadd.s32 @p0 $0xFFFFFB00  }
0x9d: {  	[hbm:s21], [sflag:s8] =	dma.local @p0 [spmem:s12], $0x500  }
0x9e: {  	s8 =	stileid.u32;
	_ =	swait.ge @p0 [sflag:s7], $0x500  }
0x9f: {  	s8 =	sshll.u32 @!p0 s8, $0x6;
	[sflag:s7] =	ssyncset.done @p0 $0x0;
	s12 =	rddreg [dreg:$0x9]  }
0xa0: {  	[sflag:s7] =	ssyncadd.s32 @p0 $0xFFFFFB00;
	s7 =	sor.u32 @!p0 $0x1C03, s8;
	s8 =	sshrl.u32 @!p0 s5, $0x3  }
0xa1: {  	[hbm:s12], [sflag:s7] =	dma.local @!p0 [spmem:s8], $0x500  }
0xa2: {  	s8 =	simm.s32 @!p0 $0x3  }
0xa3: {  	_ =	swait.ge @!p0 [sflag:s8], $0x500  }
0xa4: {  	[sflag:s8] =	ssyncset.done @!p0 $0x0  }
0xa5: {  	[sflag:s8] =	ssyncadd.s32 @!p0 $0xFFFFFB00  }
0xa6: {  	[hbm:s15], [sflag:s7] =	dma.local @!p0 [spmem:s23], $0x500  }
0xa7: {  	_ =	swait.ge @!p0 [sflag:s8], $0x500  }
0xa8: {  	[sflag:s8] =	ssyncset.done @!p0 $0x0  }
0xa9: {  	[sflag:s8] =	ssyncadd.s32 @!p0 $0xFFFFFB00  }
0xaa: {  	[hbm:s16], [sflag:s7] =	dma.local @!p0 [spmem:s24], $0x500  }
0xab: {  	s4 =	sadd.s32 $0x1, s4;
	_ =	swait.ge @!p0 [sflag:s8], $0x500  }
0xac: {  	p1 =	sne.s32 s4, s22;
	[sflag:s8] =	ssyncset.done @!p0 $0x0  }
.Ltmp2:
0xad: {  	[sflag:s8] =	ssyncadd.s32 @!p0 $0xFFFFFB00;
	(pc) =	sbr.rel @p1 .LBB2_1-.Ltmp2, $4  }
0xae: {  	[hbm:s17], [sflag:s7] =	dma.local @!p0 [spmem:s25], $0x480  }
0xaf: {  	_ =	swait.ge @!p0 [sflag:s8], $0x480  }
0xb0: {  	[sflag:s8] =	ssyncset.done @!p0 $0x0  }
0xb1: {  	[sflag:s8] =	ssyncadd.s32 @!p0 $0xFFFFFB80  }
0xb2: {  	_ =	sfence.sel $0x180000  }
0xb3: {  	[bflag:$0x0] =	sbarrier.arrive $0xFFFF  }
0xb4: {  	_ =	strace $0x9000004A  }
0xb5: {  	s0 =	stileid.u32;
	[bflag:$0x2] =	sbarrier.arrive $0xFFFF  }
0xb6: {  	p0 =	sne.s32 s0, $0x0;
	s0 =	rddreg [dreg:$0x3]  }
0xb7: {  	s0 =	sadd.s32 @!p0 $0x100000, s0  }
0xb8: {  	[sflag:s0] =	ssyncadd.tile.s32 @!p0 $0x1;
	_ =	shalt  }
.Lfunc_end2:
_tile_overlayer_lowered:
.L_overlay_start_2:
0xb9: {  	(tag) =	ssettag $0x2  }
0xba: {  	s0 =	rddreg [dreg:$0x0];
	s2 =	stileid.u32  }
0xbb: {  	s1 =	rddreg [dreg:$0x1];
	p0 =	sne.s32 s2, $0x0  }
0xbc: {  	s3 =	rddreg [dreg:$0x2];
	[bflag:$0x3] =	sbarrier.arrive $0xFFFF;
	s2 =	simm.s32 @!p0 $0x1C03  }
0xbd: {  	[timem:s3], [sflag:s2] =	dma.local @!p0 [hbm:s0], s1  }
0xbe: {  	s0 =	simm.s32 @!p0 $0x3  }
0xbf: {  	_ =	swait.ge @!p0 [sflag:s0], s1  }
0xc0: {  	s1 =	ssub.s32 @!p0 $0x0, s1;
	[sflag:s0] =	ssyncset.done @!p0 $0x0  }
0xc1: {  	[sflag:s0] =	ssyncadd.s32 @!p0 s1  }
0xc2: {  	[bflag:$0x3] =	sbarrier.arrive $0xFFFF  }
0xc3: {  	_ =	shalt  }

// kernel: kernel.15.cloned.1.call-start
scs
__scs_entry_jumppad:
0x0: {  	(pc) =	sbr.rel $0x88, $3  }
0x1: {  	(tag) =	ssettag $0x0;
	lr =	simm.s32 $0x1  }
0x2: {  	[smem:$0x3F9C] =	sst lr;
	_ =	strace $0xD0000000  }
0x3: {  	_ = 	snop  }
0x4: {  	_ = 	snop  }
0x5: {  	_ = 	snop  }
0x6: {  	_ = 	snop  }
0x7: {  	_ = 	snop  }
__scs_overlays_trampoline_lowered:
0x8: {  	[smem:$0x3FAB] =	sst s0  }
0x9: {  	[smem:$0x3FAC] =	sst s1  }
0xa: {  	[smem:$0x3FAD] =	sst s2  }
0xb: {  	[smem:$0x3FAE] =	sst s3  }
0xc: {  	[smem:$0x3FAF] =	sst s4  }
0xd: {  	[smem:$0x3FB0] =	sst s5  }
0xe: {  	[smem:$0x3FB1] =	sst s6  }
0xf: {  	[smem:$0x3FB2] =	sst s7  }
0x10: {  	[smem:$0x3FB3] =	sst s8  }
0x11: {  	[smem:$0x3FB4] =	sst s9;
	s0 =	simm.s32 @!p0 $0x0  }
0x12: {  	s1 =	sld [smem:$0x3F9A];
	s0 =	simm.s32 @p0 $0x1  }
0x13: {  	[smem:$0x3FB5] =	sst s0;
	s0 =	simm.s32 @!p1 $0x0  }
0x14: {  	s2 =	sld [smem:$0x3F99];
	s0 =	simm.s32 @p1 $0x1  }
0x15: {  	[smem:$0x3FB6] =	sst s0;
	s0 =	simm.s32 @!p2 $0x0  }
0x16: {  	s3 =	sld [smem:$0x3FDB];
	s0 =	simm.s32 @p2 $0x1  }
0x17: {  	s4 =	simm.s32 $0x1BF5;
	[smem:$0x3FB8] =	sst s0  }
0x18: {  	s0 =	sld [smem:$0x3F9B];
	_ =	swait.ge [sflag:s4], $0x0  }
0x19: {  	s7 =	sld [smem:$0x3F9C]  }
0x1a: {  	s8 =	sadd.s32 $0xFFFFE003, lr  }
0x1b: {  	s9 =	sadd.s32 $0xFFFFFEF7, lr;
	s5 =	simm.s32 $0xFFFFFFFF;
	p2 =	slt.u32 s8, $0xFFFFF086  }
0x1c: {  	p1 =	slt.u32 s9, $0xF7A;
	s5 =	simm.s32 @!p2 $0x0  }
0x1d: {  	s5 =	simm.s32 @p1 $0x1;
	p0 =	seq.s32 s7, s2  }
0x1e: {  	s7 =	smul.u32 @!p0 $0xF7A, s2;
	p2 =	seq.s32 @!p0 s5, $0x0  }
0x1f: {  	s9 =	smul.u32 $0xF7A, s1;
	s8 =	simm.s32 @!p0 $0x1BF5;
	p2 =	por !p2, p0  }
0x20: {  	[sflag:s8] =	ssyncset.s32 @!p0 $0xFFFFF086;
	s6 =	sadd.s32 @!p0 s3, s7;
	s7 =	simm.s32 @!p0 $0x108  }
0x21: {  	s3 =	sadd.s32 s3, s9;
	s6 =	sadd.s32 @!p0 $0x88, s6;
	s7 =	simm.s32 @p2 $0x1082  }
0x22: {  	[simem:s7], [sflag:s8] =	dma.local @!p0 [hbm:s6], $0xF7A  }
0x23: {  	s9 =	sor.u32 $0xD0000000, s2;
	s6 =	simm.s32 $0x108;
	_ =	swait.ge @!p0 [sflag:s8], $0x0  }
0x24: {  	s3 =	sadd.s32 $0x88, s3;
	s6 =	simm.s32 @!p1 $0x1082;
	[sflag:s4] =	ssyncset.s32 $0xFFFFF086  }
0x25: {  	[simem:s6], [sflag:s4] =	dma.local [hbm:s3], $0xF7A  }
0x26: {  	[smem:$0x3F9C] =	sst s1;
	(tag) =	ssettag s2;
	_ =	strace s9  }
0x27: {  	s1 =	sld [smem:$0x3FAC]  }
0x28: {  	s2 =	sld [smem:$0x3FAD]  }
0x29: {  	s4 =	sld [smem:$0x3FAF]  }
0x2a: {  	p0 =	seq.s32 s5, $0x0;
	s5 =	sld [smem:$0x3FB0]  }
0x2b: {  	s6 =	sld [smem:$0x3FB1]  }
0x2c: {  	s7 =	sld [smem:$0x3FB2]  }
0x2d: {  	s3 =	simm.s32 $0x108;
	s8 =	sld [smem:$0x3FB3]  }
0x2e: {  	s3 =	simm.s32 @!p0 $0x1082;
	s9 =	sld [smem:$0x3FB4]  }
0x2f: {  	lr =	sadd.s32 s0, s3;
	s0 =	sld [smem:$0x3FAB]  }
0x30: {  	s3 =	sld [smem:$0x3FAE]  }
0x31: {  	[smem:$0x3FB7] =	sst s10  }
0x32: {  	s10 =	sld [smem:$0x3FB5];
	_ =	sdelay $0x3  }
0x33: {  	p0 =	seq.s32 s10, $0x1;
	s10 =	sld [smem:$0x3FB7];
	_ =	sdelay $0x3  }
0x34: {  	[smem:$0x3FB7] =	sst s10  }
0x35: {  	s10 =	sld [smem:$0x3FB6];
	_ =	sdelay $0x3  }
0x36: {  	p1 =	seq.s32 s10, $0x1;
	s10 =	sld [smem:$0x3FB7];
	_ =	sdelay $0x3  }
0x37: {  	[smem:$0x3FB7] =	sst s10  }
0x38: {  	s10 =	sld [smem:$0x3FB8]  }
0x39: {  	_ = 	snop;
	(pc) =	sbr.ind lr, $3  }
0x3a: {  	_ = 	snop  }
0x3b: {  	_ = 	snop  }
0x3c: {  	p2 =	seq.s32 s10, $0x1;
	s10 =	sld [smem:$0x3FB7]  }
0x3d: {  	_ =	shalt  }
0x3e: {  	_ =	shalt  }
0x3f: {  	_ =	shalt  }
0x40: {  	_ =	shalt  }
0x41: {  	_ =	shalt  }
0x42: {  	_ =	shalt  }
0x43: {  	_ =	shalt  }
0x44: {  	_ =	shalt  }
0x45: {  	_ =	shalt  }
0x46: {  	_ =	shalt  }
0x47: {  	_ =	shalt  }
0x48: {  	_ =	shalt  }
0x49: {  	_ =	shalt  }
0x4a: {  	_ =	shalt  }
0x4b: {  	_ =	shalt  }
0x4c: {  	_ =	shalt  }
0x4d: {  	_ =	shalt  }
0x4e: {  	_ =	shalt  }
0x4f: {  	_ =	shalt  }
0x50: {  	_ =	shalt  }
0x51: {  	_ =	shalt  }
0x52: {  	_ =	shalt  }
0x53: {  	_ =	shalt  }
0x54: {  	_ =	shalt  }
0x55: {  	_ =	shalt  }
0x56: {  	_ =	shalt  }
0x57: {  	_ =	shalt  }
0x58: {  	_ =	shalt  }
0x59: {  	_ =	shalt  }
0x5a: {  	_ =	shalt  }
0x5b: {  	_ =	shalt  }
0x5c: {  	_ =	shalt  }
0x5d: {  	_ =	shalt  }
0x5e: {  	_ =	shalt  }
0x5f: {  	_ =	shalt  }
0x60: {  	_ =	shalt  }
0x61: {  	_ =	shalt  }
0x62: {  	_ =	shalt  }
0x63: {  	_ =	shalt  }
0x64: {  	_ =	shalt  }
0x65: {  	_ =	shalt  }
0x66: {  	_ =	shalt  }
0x67: {  	_ =	shalt  }
0x68: {  	_ =	shalt  }
0x69: {  	_ =	shalt  }
0x6a: {  	_ =	shalt  }
0x6b: {  	_ =	shalt  }
0x6c: {  	_ =	shalt  }
0x6d: {  	_ =	shalt  }
0x6e: {  	_ =	shalt  }
0x6f: {  	_ =	shalt  }
0x70: {  	_ =	shalt  }
0x71: {  	_ =	shalt  }
0x72: {  	_ =	shalt  }
0x73: {  	_ =	shalt  }
0x74: {  	_ =	shalt  }
0x75: {  	_ =	shalt  }
0x76: {  	_ =	shalt  }
0x77: {  	_ =	shalt  }
0x78: {  	_ =	shalt  }
0x79: {  	_ =	shalt  }
0x7a: {  	_ =	shalt  }
0x7b: {  	_ =	shalt  }
0x7c: {  	_ =	shalt  }
0x7d: {  	_ =	shalt  }
0x7e: {  	_ =	shalt  }
0x7f: {  	_ =	shalt  }
0x80: {  	_ =	shalt  }
0x81: {  	_ =	shalt  }
0x82: {  	_ =	shalt  }
0x83: {  	_ =	shalt  }
0x84: {  	_ =	shalt  }
0x85: {  	_ =	shalt  }
0x86: {  	_ =	shalt  }
0x87: {  	_ =	shalt  }
.Lfunc_end0:
.L_simem_size_0:
called_computation.2_lowered:
.L_overlay_start_0:
0x88: {  	s2 =	sld [smem:$0x3FD9]  }
0x89: {  	s3 =	sld [smem:$0x3FFE];
	_ =	sdelay $0x1  }
0x8a: {  	s1 =	srdreg.scid  }
0x8b: {  	s0 =	sand.u32 $0x1, s1  }
0x8c: {  	s17 =	sshll.u32 s0, $0xA;
	s2 =	sadd.s32 s3, s2  }
0x8d: {  	s2 =	sadd.s32 s2, s17  }
0x8e: {  	[smem:$0x3FC3] =	sst s2  }
0x8f: {  	_ = 	snop  }
0x90: {  	s2 =	sld [smem:$0x3FD0];
	(tm) =	ssettm $0x1  }
0x91: {  	s18 =	sld [smem:$0x3FFB];
	_ =	sdelay $0x3  }
0x92: {  	_ =	strace s18  }
0x93: {  	s3 =	sld [smem:$0x3FFC];
	_ =	sdelay $0x3  }
0x94: {  	_ =	strace s3  }
0x95: {  	s3 =	sld [smem:$0x3FFD];
	_ =	sdelay $0x3  }
0x96: {  	_ =	strace s3  }
0x97: {  	_ =	strace $0x8FFFFFFF  }
0x98: {  	s19 =	sld [smem:$0x3FDB];
	_ =	sdelay $0x1  }
0x99: {  	s4 =	simm.s32 $_scs_section_size  }
0x9a: {  	s5 =	simm.s32 $_size__tile_overlayer_lowered;
	s6 =	simm.s32 $_tile_overlayer_lowered  }
0x9b: {  	s22 =	simm.s32 $0x1BFF;
	s21 =	sshll.u32 s6, $0x1;
	s3 =	sadd.s32 s4, s19  }
0x9c: {  	s7 =	simm.s32 $0x0;
	s20 =	sshll.u32 s5, $0x1;
	s5 =	sadd.s32 s21, s3  }
0x9d: {  	[timem:s7], [sflag:s22] =	dma.local [hbm:s5], s20  }
0x9e: {  	_ =	swait.ge [sflag:s22], s20  }
0x9f: {  	s4 =	ssub.s32 $0x0, s20;
	[sflag:s22] =	ssyncset.done $0x0  }
0xa0: {  	[sflag:s22] =	ssyncadd.s32 s4;
	_ =	sdelay $0x1  }
0xa1: {  	s23 =	simm.s32 $0x1B8B  }
0xa2: {  	_ =	swait.ge [sflag:s23], $0x1  }
0xa3: {  	[sflag:s23] =	ssyncset.done $0x0  }
0xa4: {  	s25 =	simm.s32 $0x1B8E;
	s24 =	sld [smem:$0x3FFE];
	[sflag:s23] =	ssyncadd.s32 $0xFFFFFFFF  }
0xa5: {  	s26 =	simm.s32 $execute0_lowered;
	[smem:$0x3FD2] =	sst s25  }
0xa6: {  	s5 =	sshll.u32 s26, $0x1;
	_ =	strace $0x8000004C;
	[dreg:$0x1] =	wrdreg $0xFFFFFFFF  }
0xa7: {  	s28 =	simm.s32 $_size_execute0_lowered;
	s3 =	sadd.s32 s3, s5;
	[dreg:$0x0] =	wrdreg $0x0  }
0xa8: {  	s5 =	sshll.u32 s28, $0x1;
	[dreg:$0x2] =	wrdreg s3  }
0xa9: {  	[dreg:$0x3] =	wrdreg s5  }
0xaa: {  	[dreg:$0x4] =	wrdreg $0xC0  }
0xab: {  	_ =	task [dreg:s7], $0x5FFFF  }
0xac: {  	[dreg:$0x1] =	wrdreg $0xFFFFFFFF  }
0xad: {  	[dreg:$0x0] =	wrdreg $0x60  }
0xae: {  	[dreg:$0x2] =	wrdreg s2  }
0xaf: {  	[dreg:$0x3] =	wrdreg s24  }
0xb0: {  	[dreg:$0x4] =	wrdreg $0x0  }
0xb1: {  	[dreg:$0x5] =	wrdreg $0x9  }
0xb2: {  	_ =	task.clear_ibuf [dreg:s7], $0x6FFFF;
	_ =	strace $0x9000004C  }
0xb3: {  	s29 =	simm.s32 $0x9;
	_ =	strace $0x8000004E  }
0xb4: {  	_ =	swait.ge [sflag:s29], $0x1  }
0xb5: {  	[sflag:s29] =	ssyncadd.s32 $0xFFFFFFFF  }
0xb6: {  	_ =	strace $0x9000004E  }
0xb7: {  	_ =	sfence  }
0xb8: {  	s30 =	sld [smem:$0x0];
	_ =	sdelay $0x2  }
0xb9: {  	s31 =	sshll.u32 s1, $0xD;
	s1 =	sshrl.u32 s1, $0x2  }
0xba: {  	s3 =	sand.u32 $0x4000, s31;
	s1 =	sadd.s32 s1, s30  }
0xbb: {  	s0 =	sor.u32 s3, s0;
	s1 =	sshll.u32 s1, $0x11  }
0xbc: {  	s0 =	sor.u32 s1, s0  }
0xbd: {  	s0 =	sadd.s32 $0x8F2B, s0  }
0xbe: {  	[sflag:s0] =	ssyncadd.remote.s32 $0x1  }
0xbf: {  	_ =	sfence.sel $0xFFFF  }
0xc0: {  	[dreg:$0x0] =	wrdreg $0xFFFFFFFF;
	(pc) =	sbr.abs _section_cstart, $3  }
0xc1: {  	[dreg:$0x1] =	wrdreg $0xFFFFFFFF  }
0xc2: {  	_ =	task.clear_ibuf [dreg:s7], $0x2FFFF;
	_ =	strace $0x9FFFFFFF  }
0xc3: {  	(tm) =	ssettm $0x7FFFFFFF  }
tec
execute0_lowered:
.L_overlay_start_1:
0x0: {  	(tag) =	ssettag $0x1  }
0x1: {  	s1 =	rddreg [dreg:$0x0]  }
0x2: {  	s3 =	rddreg [dreg:$0x2];
	s2 =	srdreg.scid  }
0x3: {  	s4 =	simm.s32 $0x0;
	s16 =	stileid.u32;
	s2 =	sand.u32 $0x1, s2  }
0x4: {  	[smem:$0x7FF] =	sst s4;
	s6 =	sshll.u32 s16, $0xB;
	s7 =	smul.u32 $0x4E000, s16  }
0x5: {  	s9 =	smul.u32 $0x13800, s16;
	p0 =	seq.s32 s16, $0xF;
	s16 =	sadd.s32 $0x12E800, s3  }
0x6: {  	s0 =	rddreg [dreg:$0x1];
	s5 =	sshll.u32 s2, $0xF;
	_ =	strace $0x8000004D  }
0x7: {  	s25 =	ssub.s32 $0x2, s2;
	s2 =	smul.u32 $0x138800, s2;
	s5 =	sor.u32 s6, s5  }
0x8: {  	s8 =	sshrl.u32 s25, $0x1;
	s26 =	sshrl.u32 s7, $0x2;
	s29 =	sadd.s32 $0x2800, s9  }
0x9: {  	s14 =	sadd.s32 $0x7800, s9;
	s18 =	sadd.s32 $0xC800, s9;
	s6 =	sadd.s32 s5, s0  }
0xa: {  	s0 =	sadd.s32 $0x22A00, s0;
	s8 =	ssub.s32 s25, s8;
	s5 =	sadd.s32 s26, s3  }
0xb: {  	s11 =	sadd.s32 s9, s2;
	s10 =	sadd.s32 s2, s29;
	s7 =	sadd.s32 s29, s3  }
0xc: {  	s15 =	sadd.s32 s2, s14;
	s19 =	sadd.s32 s2, s18;
	s28 =	sadd.s32 $0x2A00, s6  }
0xd: {  	s6 =	sadd.s32 $0x12A00, s6;
	s10 =	sshrl.u32 s10, $0x3;
	[dreg:$0x4] =	wrdreg s28  }
0xe: {  	s29 =	smax.u32 s8, $0x1;
	s8 =	sadd.s32 $0xC800, s5;
	[dreg:$0x5] =	wrdreg s6  }
0xf: {  	s6 =	sshrl.u32 s11, $0x3;
	s11 =	sadd.s32 $0x5000, s9;
	s12 =	sadd.s32 s0, s10  }
0x10: {  	s10 =	sadd.s32 s14, s3;
	s14 =	sadd.s32 $0xF000, s9;
	[dreg:$0x16] =	wrdreg s29  }
0x11: {  	s6 =	sadd.s32 s0, s6;
	[dreg:$0x7] =	wrdreg s12;
	s13 =	sadd.s32 s2, s11  }
0x12: {  	s12 =	sadd.s32 $0xA000, s9;
	s11 =	sadd.s32 s11, s3;
	s20 =	sadd.s32 s2, s14  }
0x13: {  	s9 =	sadd.s32 $0x11800, s9;
	[dreg:$0x6] =	wrdreg s6;
	s6 =	sshrl.u32 s13, $0x3  }
0x14: {  	s14 =	sadd.s32 s14, s3;
	s13 =	sadd.s32 s2, s12;
	s6 =	sadd.s32 s0, s6  }
0x15: {  	s12 =	sadd.s32 s12, s3;
	[dreg:$0x8] =	wrdreg s6;
	s6 =	sshrl.u32 s15, $0x3  }
0x16: {  	s31 =	sshrl.u32 @!p0 s14, $0x3;
	s17 =	sshrl.u32 s13, $0x3;
	s6 =	sadd.s32 s0, s6  }
0x17: {  	s14 =	sadd.s32 $0x127000, s3;
	[dreg:$0x9] =	wrdreg s6;
	s6 =	sadd.s32 s0, s17  }
0x18: {  	s13 =	sadd.s32 s18, s3;
	[dreg:$0xa] =	wrdreg s6;
	s6 =	sshrl.u32 s19, $0x3  }
0x19: {  	s18 =	sadd.s32 $0x133800, s3;
	s15 =	sadd.s32 s2, s9;
	s6 =	sadd.s32 s0, s6  }
0x1a: {  	s2 =	sshrl.u32 s2, $0x3;
	[dreg:$0xb] =	wrdreg s6;
	s6 =	sshrl.u32 s20, $0x3  }
0x1b: {  	s30 =	sshrl.u32 @!p0 s13, $0x3;
	s21 =	sshrl.u32 s15, $0x3;
	s6 =	sadd.s32 s0, s6  }
0x1c: {  	[dreg:$0xc] =	wrdreg s6;
	s6 =	sadd.s32 s0, s21;
	s0 =	sadd.s32 s0, s2  }
0x1d: {  	s13 =	sadd.s32 $0x129800, s3;
	[dreg:$0xd] =	wrdreg s6;
	s2 =	sadd.s32 $0x24900, s0  }
0x1e: {  	s15 =	sadd.s32 s9, s3;
	s22 =	sadd.s32 $0x24E00, s0;
	[dreg:$0xe] =	wrdreg s2  }
0x1f: {  	s9 =	sadd.s32 $0xF000, s5;
	s23 =	sadd.s32 $0x25300, s0;
	[dreg:$0xf] =	wrdreg s22  }
0x20: {  	s17 =	sadd.s32 $0x131000, s3;
	s24 =	sadd.s32 $0x25800, s0;
	[dreg:$0x10] =	wrdreg s23  }
0x21: {  	s19 =	sadd.s32 $0x136000, s3;
	s25 =	sadd.s32 $0x25D00, s0;
	[dreg:$0x11] =	wrdreg s24  }
0x22: {  	s20 =	simm.s32 $0x2;
	s26 =	sadd.s32 $0x26200, s0;
	[dreg:$0x12] =	wrdreg s25  }
0x23: {  	s21 =	simm.s32 $0x50;
	s28 =	sadd.s32 $0x26700, s0;
	[dreg:$0x13] =	wrdreg s26  }
0x24: {  	s0 =	sadd.s32 $0x26C00, s0;
	s6 =	sadd.s32 $0x7800, s5;
	[dreg:$0x14] =	wrdreg s28  }
0x25: {  	[dreg:$0x15] =	wrdreg s0;
	s0 =	sshrl.u32 @!p0 s7, $0x3;
	s2 =	sadd.s32 $0x5000, s5  }
0x26: {  	s7 =	sadd.s32 $0xA000, s5;
	s22 =	simm.s32 $0x1B880;
	s23 =	simm.s32 $0x1  }
0x27: {  	[dreg:$0x17] =	wrdreg s0;
	s0 =	sshrl.u32 @!p0 s11, $0x3;
	s11 =	sshrl.u32 @!p0 s15, $0x3  }
0x28: {  	s15 =	sadd.s32 $0x12C000, s3;
	[dreg:$0x18] =	wrdreg s0;
	s0 =	sshrl.u32 @!p0 s10, $0x3  }
0x29: {  	s10 =	sadd.s32 $0x11800, s5;
	[dreg:$0x19] =	wrdreg s0;
	s0 =	sshrl.u32 @!p0 s12, $0x3  }
0x2a: {  	v0 =	vimm.f32 $0.0e+00;
	s12 =	sadd.s32 $0x124800, s3;
	[dreg:$0x1a] =	wrdreg s0;
	s0 =	sadd.s32 $0x2800, s5  }
.LBB2_1:
0x2b: {  	s24 =	simm.s32 $0x0;
	s25 =	simm.s32 $0x200  }
.LBB2_2:
0x2c: {  	p1 =	sne.s32 s25, $0x9E00;
	[tilespmem:s24+$0x1B8F0] =	vst v0  }
0x2d: {  	[tilespmem:s24+$0x1B880] =	vst v0  }
0x2e: {  	[tilespmem:s24+$0x1B890] =	vst v0  }
.Ltmp0:
0x2f: {  	[tilespmem:s24+$0x1B8A0] =	vst v0;
	(pc) =	sbr.rel @p1 .LBB2_2-.Ltmp0, $4  }
0x30: {  	[tilespmem:s24+$0x1B8B0] =	vst v0  }
0x31: {  	[tilespmem:s24+$0x1B8C0] =	vst v0  }
0x32: {  	[tilespmem:s24+$0x1B8D0] =	vst v0  }
0x33: {  	[tilespmem:s24+$0x1B8E0] =	vst v0;
	s24 =	sshra.s32 s25, $0x2;
	s25 =	sadd.s32 $0x200, s25  }
0x34: {  	[tilespmem:s24+$0x1B8F0] =	vst v0  }
0x35: {  	[tilespmem:s24+$0x1B880] =	vst v0  }
0x36: {  	[tilespmem:s24+$0x1B890] =	vst v0  }
0x37: {  	[tilespmem:s24+$0x1B8A0] =	vst v0  }
0x38: {  	[tilespmem:s24+$0x1B8B0] =	vst v0  }
0x39: {  	[tilespmem:s24+$0x1B8C0] =	vst v0  }
0x3a: {  	[tilespmem:s24+$0x1B8D0] =	vst v0  }
0x3b: {  	[tilespmem:s24+$0x1B8E0] =	vst v0;
	s24 =	simm.s32 @p0 $0x1B880;
	s25 =	simm.s32 @p0 $0x2  }
0x3c: {  	[spmem:s12] =	stream.linear.scatter @p0 [tilespmem:s24], [sflag:$0x2], $0x2800, $0x38;
	[tilespmem:$0x1E080] =	vst v63  }
0x3d: {  	_ =	swait.ge @p0 [sflag:s25], $0x2800  }
0x3e: {  	[sflag:s25] =	ssyncset.done @p0 $0x0  }
0x3f: {  	[sflag:s25] =	ssyncadd.s32 @p0 $0xFFFFD800  }
0x40: {  	[spmem:s14] =	stream.linear.scatter @p0 [tilespmem:s24], [sflag:$0x2], $0x2800, $0x38;
	[tilespmem:$0x1E080] =	vst v63  }
0x41: {  	_ =	swait.ge @p0 [sflag:s25], $0x2800  }
0x42: {  	[sflag:s25] =	ssyncset.done @p0 $0x0  }
0x43: {  	[sflag:s25] =	ssyncadd.s32 @p0 $0xFFFFD800  }
0x44: {  	[spmem:s13] =	stream.linear.scatter @p0 [tilespmem:s24], [sflag:$0x2], $0x2800, $0x38;
	[tilespmem:$0x1E080] =	vst v63  }
0x45: {  	_ =	swait.ge @p0 [sflag:s25], $0x2800  }
0x46: {  	[sflag:s25] =	ssyncset.done @p0 $0x0  }
0x47: {  	[sflag:s25] =	ssyncadd.s32 @p0 $0xFFFFD800  }
0x48: {  	[spmem:s15] =	stream.linear.scatter @p0 [tilespmem:s24], [sflag:$0x2], $0x2800, $0x38;
	[tilespmem:$0x1E080] =	vst v63  }
0x49: {  	_ =	swait.ge @p0 [sflag:s25], $0x2800  }
0x4a: {  	[sflag:s25] =	ssyncset.done @p0 $0x0  }
0x4b: {  	[sflag:s25] =	ssyncadd.s32 @p0 $0xFFFFD800  }
0x4c: {  	[spmem:s16] =	stream.linear.scatter @p0 [tilespmem:s24], [sflag:$0x2], $0x2800, $0x38;
	[tilespmem:$0x1E080] =	vst v63  }
0x4d: {  	_ =	swait.ge @p0 [sflag:s25], $0x2800  }
0x4e: {  	[sflag:s25] =	ssyncset.done @p0 $0x0  }
0x4f: {  	[sflag:s25] =	ssyncadd.s32 @p0 $0xFFFFD800  }
0x50: {  	[spmem:s17] =	stream.linear.scatter @p0 [tilespmem:s24], [sflag:$0x2], $0x2800, $0x38;
	[tilespmem:$0x1E080] =	vst v63  }
0x51: {  	_ =	swait.ge @p0 [sflag:s25], $0x2800  }
0x52: {  	[sflag:s25] =	ssyncset.done @p0 $0x0  }
0x53: {  	[sflag:s25] =	ssyncadd.s32 @p0 $0xFFFFD800  }
0x54: {  	[spmem:s18] =	stream.linear.scatter @p0 [tilespmem:s24], [sflag:$0x2], $0x2800, $0x38;
	[tilespmem:$0x1E080] =	vst v63  }
0x55: {  	_ =	swait.ge @p0 [sflag:s25], $0x2800  }
0x56: {  	[sflag:s25] =	ssyncset.done @p0 $0x0  }
0x57: {  	[sflag:s25] =	ssyncadd.s32 @p0 $0xFFFFD800  }
0x58: {  	[spmem:s19] =	stream.linear.scatter @p0 [tilespmem:s24], [sflag:$0x2], $0x2800, $0x38;
	[tilespmem:$0x1E080] =	vst v63  }
0x59: {  	_ =	swait.ge @p0 [sflag:s25], $0x2800  }
0x5a: {  	[sflag:s25] =	ssyncset.done @p0 $0x0  }
0x5b: {  	s24 =	simm.s32 @!p0 $0x1B880;
	[sflag:s25] =	ssyncadd.s32 @p0 $0xFFFFD800;
	s25 =	simm.s32 @!p0 $0x2  }
0x5c: {  	[spmem:s5] =	stream.linear.scatter @!p0 [tilespmem:s24], [sflag:$0x2], $0x2800, $0x38;
	[tilespmem:$0x1E080] =	vst v63  }
0x5d: {  	_ =	swait.ge @!p0 [sflag:s25], $0x2800  }
0x5e: {  	[sflag:s25] =	ssyncset.done @!p0 $0x0  }
0x5f: {  	[sflag:s25] =	ssyncadd.s32 @!p0 $0xFFFFD800  }
0x60: {  	[spmem:s0] =	stream.linear.scatter @!p0 [tilespmem:s24], [sflag:$0x2], $0x2800, $0x38;
	[tilespmem:$0x1E080] =	vst v63  }
0x61: {  	_ =	swait.ge @!p0 [sflag:s25], $0x2800  }
0x62: {  	[sflag:s25] =	ssyncset.done @!p0 $0x0  }
0x63: {  	[sflag:s25] =	ssyncadd.s32 @!p0 $0xFFFFD800  }
0x64: {  	[spmem:s2] =	stream.linear.scatter @!p0 [tilespmem:s24], [sflag:$0x2], $0x2800, $0x38;
	[tilespmem:$0x1E080] =	vst v63  }
0x65: {  	_ =	swait.ge @!p0 [sflag:s25], $0x2800  }
0x66: {  	[sflag:s25] =	ssyncset.done @!p0 $0x0  }
0x67: {  	[sflag:s25] =	ssyncadd.s32 @!p0 $0xFFFFD800  }
0x68: {  	[spmem:s6] =	stream.linear.scatter @!p0 [tilespmem:s24], [sflag:$0x2], $0x2800, $0x38;
	[tilespmem:$0x1E080] =	vst v63  }
0x69: {  	_ =	swait.ge @!p0 [sflag:s25], $0x2800  }
0x6a: {  	[sflag:s25] =	ssyncset.done @!p0 $0x0  }
0x6b: {  	[sflag:s25] =	ssyncadd.s32 @!p0 $0xFFFFD800  }
0x6c: {  	[spmem:s7] =	stream.linear.scatter @!p0 [tilespmem:s24], [sflag:$0x2], $0x2800, $0x38;
	[tilespmem:$0x1E080] =	vst v63  }
0x6d: {  	_ =	swait.ge @!p0 [sflag:s25], $0x2800  }
0x6e: {  	[sflag:s25] =	ssyncset.done @!p0 $0x0  }
0x6f: {  	[sflag:s25] =	ssyncadd.s32 @!p0 $0xFFFFD800  }
0x70: {  	[spmem:s8] =	stream.linear.scatter @!p0 [tilespmem:s24], [sflag:$0x2], $0x2800, $0x38;
	[tilespmem:$0x1E080] =	vst v63  }
0x71: {  	_ =	swait.ge @!p0 [sflag:s25], $0x2800  }
0x72: {  	[sflag:s25] =	ssyncset.done @!p0 $0x0  }
0x73: {  	[sflag:s25] =	ssyncadd.s32 @!p0 $0xFFFFD800  }
0x74: {  	[spmem:s9] =	stream.linear.scatter @!p0 [tilespmem:s24], [sflag:$0x2], $0x2800, $0x38;
	[tilespmem:$0x1E080] =	vst v63  }
0x75: {  	_ =	swait.ge @!p0 [sflag:s25], $0x2800  }
0x76: {  	[sflag:s25] =	ssyncset.done @!p0 $0x0  }
0x77: {  	[sflag:s25] =	ssyncadd.s32 @!p0 $0xFFFFD800  }
0x78: {  	[spmem:s10] =	stream.linear.scatter @!p0 [tilespmem:s24], [sflag:$0x2], $0x2000, $0x38;
	[tilespmem:$0x1E080] =	vst v63  }
0x79: {  	_ =	swait.ge @!p0 [sflag:s25], $0x2000  }
0x7a: {  	s26 =	simm.s32 $0x13880;
	[sflag:s25] =	ssyncset.done @!p0 $0x0  }
0x7b: {  	s24 =	simm.s32 $0x0;
	s29 =	rddreg [dreg:$0x4];
	[sflag:s25] =	ssyncadd.s32 @!p0 $0xFFFFE000  }
0x7c: {  	[tilespmem:s26], [sflag:$0x2] =	stream.linear.gather [hbm4b:s29+s24], $0x3E80, $0x38;
	[tilespmem:$0x1E080] =	vst v63  }
0x7d: {  	_ =	swait.ge [sflag:s20], $0x3E80  }
0x7e: {  	[sflag:s20] =	ssyncset.done $0x0  }
0x7f: {  	s29 =	simm.s32 $0x17880;
	s28 =	rddreg [dreg:$0x5];
	[sflag:s20] =	ssyncadd.s32 $0xFFFFC180  }
0x80: {  	[tilespmem:s29], [sflag:$0x2] =	stream.linear.gather [hbm4b:s28+s24], $0x3E80, $0x38;
	[tilespmem:$0x1E080] =	vst v63  }
0x81: {  	_ =	swait.ge [sflag:s20], $0x3E80  }
0x82: {  	[sflag:s20] =	ssyncset.done $0x0  }
0x83: {  	[sflag:s20] =	ssyncadd.s32 $0xFFFFC180  }
0x84: {  	s28 =	simm.s32 $0x17880;
	[bflag:$0x0] =	sbarrier.arrive $0xFFFF  }
0x85: {  	[tilespmem:s22], [sflag:$0x1] =	stream.indirect.gather [hbm4b:s1+s21], $0x80, s28, s21, $0xb8;
	[tilespmem:$0x1E080] =	vst v63  }
0x86: {  	_ =	swait.ge [sflag:s23], $0x2800  }
0x87: {  	[sflag:s23] =	ssyncset.done $0x0  }
0x88: {  	s29 =	simm.s32 $0x13880;
	[sflag:s23] =	ssyncadd.s32 $0xFFFFD800  }
0x89: {  	[spmem:s3] =	stream.indirect.scatter.add.f32 [tilespmem:s22], [sflag:$0x2], $0x80, s29, s21, $0xb8;
	[tilespmem:$0x1E080] =	vst v63  }
0x8a: {  	_ =	swait.ge [sflag:s20], $0x2800  }
0x8b: {  	s25 =	simm.s32 $0x400;
	s24 =	simm.s32 $0x80;
	[sflag:s20] =	ssyncset.done $0x0  }
.LBB2_4:
0x8c: {  	s26 =	sadd.s32 $0x17880, s24  }
0x8d: {  	[sflag:s20] =	ssyncadd.s32 $0xFFFFD800;
	s28 =	smov.u32 s25;
	s29 =	sadd.s32 $0x200, s25  }
0x8e: {  	[tilespmem:s22], [sflag:$0x1] =	stream.indirect.gather [hbm4b:s1+s21], $0x80, s26, s21, $0xb8;
	[tilespmem:$0x1E080] =	vst v63  }
0x8f: {  	p1 =	sne.s32 s25, $0xF800;
	_ =	swait.ge [sflag:s23], $0x2800  }
.Ltmp1:
0x90: {  	[sflag:s23] =	ssyncset.done $0x0;
	(pc) =	sbr.rel @p1 .LBB2_4-.Ltmp1, $4  }
0x91: {  	s24 =	sadd.s32 $0x13880, s24;
	[sflag:s23] =	ssyncadd.s32 $0xFFFFD800  }
0x92: {  	[spmem:s3] =	stream.indirect.scatter.add.f32 [tilespmem:s22], [sflag:$0x2], $0x80, s24, s21, $0xb8;
	[tilespmem:$0x1E080] =	vst v63  }
0x93: {  	_ =	swait.ge [sflag:s20], $0x2800  }
0x94: {  	s25 =	smov.u32 s29;
	s24 =	sshra.s32 s28, $0x2;
	[sflag:s20] =	ssyncset.done $0x0  }
0x95: {  	s25 =	sadd.s32 $0x17880, s24;
	[sflag:s20] =	ssyncadd.s32 $0xFFFFD800  }
0x96: {  	[tilespmem:s22], [sflag:$0x1] =	stream.indirect.gather [hbm4b:s1+s21], $0x80, s25, s21, $0xb8;
	[tilespmem:$0x1E080] =	vst v63  }
0x97: {  	_ =	swait.ge [sflag:s23], $0x2800  }
0x98: {  	[sflag:s23] =	ssyncset.done $0x0  }
0x99: {  	s28 =	sadd.s32 $0x13880, s24;
	[sflag:s23] =	ssyncadd.s32 $0xFFFFD800  }
0x9a: {  	[spmem:s3] =	stream.indirect.scatter.add.f32 [tilespmem:s22], [sflag:$0x2], $0x80, s28, s21, $0xb8;
	[tilespmem:$0x1E080] =	vst v63  }
0x9b: {  	_ =	swait.ge [sflag:s20], $0x2800  }
0x9c: {  	[sflag:s20] =	ssyncset.done $0x0  }
0x9d: {  	[sflag:s20] =	ssyncadd.s32 $0xFFFFD800  }
0x9e: {  	[bflag:$0x0] =	sbarrier.arrive $0xFFFF  }
0x9f: {  	s24 =	sshrl.u32 @p0 s12, $0x3;
	s25 =	simm.s32 @p0 $0x1FC2;
	s26 =	rddreg [dreg:$0xe]  }
0xa0: {  	[hbm:s26], [sflag:s25] =	dma.local @p0 [spmem:s24], $0x500  }
0xa1: {  	s24 =	simm.s32 @p0 $0x2  }
0xa2: {  	_ =	swait.ge @p0 [sflag:s24], $0x500  }
0xa3: {  	[sflag:s24] =	ssyncset.done @p0 $0x0  }
0xa4: {  	s26 =	sshrl.u32 @p0 s14, $0x3;
	s28 =	rddreg [dreg:$0xf];
	[sflag:s24] =	ssyncadd.s32 @p0 $0xFFFFFB00  }
0xa5: {  	[hbm:s28], [sflag:s25] =	dma.local @p0 [spmem:s26], $0x500  }
0xa6: {  	_ =	swait.ge @p0 [sflag:s24], $0x500  }
0xa7: {  	[sflag:s24] =	ssyncset.done @p0 $0x0  }
0xa8: {  	s26 =	sshrl.u32 @p0 s13, $0x3;
	s28 =	rddreg [dreg:$0x10];
	[sflag:s24] =	ssyncadd.s32 @p0 $0xFFFFFB00  }
0xa9: {  	[hbm:s28], [sflag:s25] =	dma.local @p0 [spmem:s26], $0x500  }
0xaa: {  	_ =	swait.ge @p0 [sflag:s24], $0x500  }
0xab: {  	[sflag:s24] =	ssyncset.done @p0 $0x0  }
0xac: {  	s26 =	sshrl.u32 @p0 s15, $0x3;
	s28 =	rddreg [dreg:$0x11];
	[sflag:s24] =	ssyncadd.s32 @p0 $0xFFFFFB00  }
0xad: {  	[hbm:s28], [sflag:s25] =	dma.local @p0 [spmem:s26], $0x500  }
0xae: {  	_ =	swait.ge @p0 [sflag:s24], $0x500  }
0xaf: {  	[sflag:s24] =	ssyncset.done @p0 $0x0  }
0xb0: {  	s26 =	sshrl.u32 @p0 s16, $0x3;
	s28 =	rddreg [dreg:$0x12];
	[sflag:s24] =	ssyncadd.s32 @p0 $0xFFFFFB00  }
0xb1: {  	[hbm:s28], [sflag:s25] =	dma.local @p0 [spmem:s26], $0x500  }
0xb2: {  	_ =	swait.ge @p0 [sflag:s24], $0x500  }
0xb3: {  	[sflag:s24] =	ssyncset.done @p0 $0x0  }
0xb4: {  	s26 =	sshrl.u32 @p0 s17, $0x3;
	s28 =	rddreg [dreg:$0x13];
	[sflag:s24] =	ssyncadd.s32 @p0 $0xFFFFFB00  }
0xb5: {  	[hbm:s28], [sflag:s25] =	dma.local @p0 [spmem:s26], $0x500  }
0xb6: {  	_ =	swait.ge @p0 [sflag:s24], $0x500  }
0xb7: {  	[sflag:s24] =	ssyncset.done @p0 $0x0  }
0xb8: {  	s26 =	sshrl.u32 @p0 s18, $0x3;
	s28 =	rddreg [dreg:$0x14];
	[sflag:s24] =	ssyncadd.s32 @p0 $0xFFFFFB00  }
0xb9: {  	[hbm:s28], [sflag:s25] =	dma.local @p0 [spmem:s26], $0x500  }
0xba: {  	_ =	swait.ge @p0 [sflag:s24], $0x500  }
0xbb: {  	[sflag:s24] =	ssyncset.done @p0 $0x0  }
0xbc: {  	s26 =	sshrl.u32 @p0 s19, $0x3;
	s28 =	rddreg [dreg:$0x15];
	[sflag:s24] =	ssyncadd.s32 @p0 $0xFFFFFB00  }
0xbd: {  	[hbm:s28], [sflag:s25] =	dma.local @p0 [spmem:s26], $0x500  }
0xbe: {  	s25 =	stileid.u32;
	_ =	swait.ge @p0 [sflag:s24], $0x500  }
0xbf: {  	s25 =	sshll.u32 @!p0 s25, $0x6;
	[sflag:s24] =	ssyncset.done @p0 $0x0;
	s26 =	rddreg [dreg:$0x6]  }
0xc0: {  	[sflag:s24] =	ssyncadd.s32 @p0 $0xFFFFFB00;
	s24 =	sor.u32 @!p0 $0x1C02, s25;
	s25 =	sshrl.u32 @!p0 s5, $0x3  }
0xc1: {  	[hbm:s26], [sflag:s24] =	dma.local @!p0 [spmem:s25], $0x500  }
0xc2: {  	s25 =	simm.s32 @!p0 $0x2  }
0xc3: {  	_ =	swait.ge @!p0 [sflag:s25], $0x500  }
0xc4: {  	[sflag:s25] =	ssyncset.done @!p0 $0x0;
	s26 =	rddreg [dreg:$0x7]  }
0xc5: {  	s28 =	rddreg [dreg:$0x17];
	[sflag:s25] =	ssyncadd.s32 @!p0 $0xFFFFFB00  }
0xc6: {  	[hbm:s26], [sflag:s24] =	dma.local @!p0 [spmem:s28], $0x500  }
0xc7: {  	_ =	swait.ge @!p0 [sflag:s25], $0x500  }
0xc8: {  	[sflag:s25] =	ssyncset.done @!p0 $0x0;
	s26 =	rddreg [dreg:$0x8]  }
0xc9: {  	s28 =	rddreg [dreg:$0x18];
	[sflag:s25] =	ssyncadd.s32 @!p0 $0xFFFFFB00  }
0xca: {  	[hbm:s26], [sflag:s24] =	dma.local @!p0 [spmem:s28], $0x500  }
0xcb: {  	_ =	swait.ge @!p0 [sflag:s25], $0x500  }
0xcc: {  	[sflag:s25] =	ssyncset.done @!p0 $0x0;
	s26 =	rddreg [dreg:$0x9]  }
0xcd: {  	s28 =	rddreg [dreg:$0x19];
	[sflag:s25] =	ssyncadd.s32 @!p0 $0xFFFFFB00  }
0xce: {  	[hbm:s26], [sflag:s24] =	dma.local @!p0 [spmem:s28], $0x500  }
0xcf: {  	_ =	swait.ge @!p0 [sflag:s25], $0x500  }
0xd0: {  	[sflag:s25] =	ssyncset.done @!p0 $0x0;
	s26 =	rddreg [dreg:$0xa]  }
0xd1: {  	s28 =	rddreg [dreg:$0x1a];
	[sflag:s25] =	ssyncadd.s32 @!p0 $0xFFFFFB00  }
0xd2: {  	[hbm:s26], [sflag:s24] =	dma.local @!p0 [spmem:s28], $0x500  }
0xd3: {  	_ =	swait.ge @!p0 [sflag:s25], $0x500  }
0xd4: {  	[sflag:s25] =	ssyncset.done @!p0 $0x0  }
0xd5: {  	s26 =	rddreg [dreg:$0xb];
	[sflag:s25] =	ssyncadd.s32 @!p0 $0xFFFFFB00  }
0xd6: {  	[hbm:s26], [sflag:s24] =	dma.local @!p0 [spmem:s30], $0x500  }
0xd7: {  	_ =	swait.ge @!p0 [sflag:s25], $0x500  }
0xd8: {  	[sflag:s25] =	ssyncset.done @!p0 $0x0  }
0xd9: {  	s26 =	rddreg [dreg:$0xc];
	[sflag:s25] =	ssyncadd.s32 @!p0 $0xFFFFFB00  }
0xda: {  	[hbm:s26], [sflag:s24] =	dma.local @!p0 [spmem:s31], $0x500  }
0xdb: {  	_ =	swait.ge @!p0 [sflag:s25], $0x500  }
0xdc: {  	[sflag:s25] =	ssyncset.done @!p0 $0x0  }
0xdd: {  	s26 =	rddreg [dreg:$0xd];
	[sflag:s25] =	ssyncadd.s32 @!p0 $0xFFFFFB00  }
0xde: {  	[hbm:s26], [sflag:s24] =	dma.local @!p0 [spmem:s11], $0x400  }
0xdf: {  	_ =	swait.ge @!p0 [sflag:s25], $0x400  }
0xe0: {  	s4 =	sadd.s32 $0x1, s4;
	s29 =	rddreg [dreg:$0x16]  }
0xe1: {  	p1 =	sne.s32 s4, s29  }
.Ltmp2:
0xe2: {  	_ = 	snop;
	(pc) =	sbr.rel @p1 .LBB2_1-.Ltmp2, $3  }
0xe3: {  	_ =	sdelay $0x1  }
0xe4: {  	[sflag:s25] =	ssyncset.done @!p0 $0x0  }
0xe5: {  	[sflag:s25] =	ssyncadd.s32 @!p0 $0xFFFFFC00  }
0xe6: {  	_ =	sfence.sel $0x180000  }
0xe7: {  	[bflag:$0x0] =	sbarrier.arrive $0xFFFF  }
0xe8: {  	_ =	strace $0x9000004D  }
0xe9: {  	s0 =	stileid.u32;
	[bflag:$0x2] =	sbarrier.arrive $0xFFFF  }
0xea: {  	p0 =	sne.s32 s0, $0x0;
	s0 =	rddreg [dreg:$0x3]  }
0xeb: {  	s0 =	sadd.s32 @!p0 $0x100000, s0  }
0xec: {  	[sflag:s0] =	ssyncadd.tile.s32 @!p0 $0x1;
	_ =	shalt  }
.Lfunc_end2:
_tile_overlayer_lowered:
.L_overlay_start_2:
0xed: {  	(tag) =	ssettag $0x2  }
0xee: {  	s0 =	rddreg [dreg:$0x0];
	s2 =	stileid.u32  }
0xef: {  	s1 =	rddreg [dreg:$0x1];
	p0 =	sne.s32 s2, $0x0  }
0xf0: {  	s3 =	rddreg [dreg:$0x2];
	[bflag:$0x3] =	sbarrier.arrive $0xFFFF;
	s2 =	simm.s32 @!p0 $0x1C02  }
0xf1: {  	[timem:s3], [sflag:s2] =	dma.local @!p0 [hbm:s0], s1  }
0xf2: {  	s0 =	simm.s32 @!p0 $0x2  }
0xf3: {  	_ =	swait.ge @!p0 [sflag:s0], s1  }
0xf4: {  	s1 =	ssub.s32 @!p0 $0x0, s1;
	[sflag:s0] =	ssyncset.done @!p0 $0x0  }
0xf5: {  	[sflag:s0] =	ssyncadd.s32 @!p0 s1  }
0xf6: {  	[bflag:$0x3] =	sbarrier.arrive $0xFFFF  }
0xf7: {  	_ =	shalt  }

// kernel: kernel.9.cloned.1.call-start
scs
__scs_entry_jumppad:
0x0: {  	(pc) =	sbr.rel $0x88, $3  }
0x1: {  	(tag) =	ssettag $0x0;
	lr =	simm.s32 $0x1  }
0x2: {  	[smem:$0x3F9C] =	sst lr;
	_ =	strace $0xD0000000  }
0x3: {  	_ = 	snop  }
0x4: {  	_ = 	snop  }
0x5: {  	_ = 	snop  }
0x6: {  	_ = 	snop  }
0x7: {  	_ = 	snop  }
__scs_overlays_trampoline_lowered:
0x8: {  	[smem:$0x3FAB] =	sst s0  }
0x9: {  	[smem:$0x3FAC] =	sst s1  }
0xa: {  	[smem:$0x3FAD] =	sst s2  }
0xb: {  	[smem:$0x3FAE] =	sst s3  }
0xc: {  	[smem:$0x3FAF] =	sst s4  }
0xd: {  	[smem:$0x3FB0] =	sst s5  }
0xe: {  	[smem:$0x3FB1] =	sst s6  }
0xf: {  	[smem:$0x3FB2] =	sst s7  }
0x10: {  	[smem:$0x3FB3] =	sst s8  }
0x11: {  	[smem:$0x3FB4] =	sst s9;
	s0 =	simm.s32 @!p0 $0x0  }
0x12: {  	s1 =	sld [smem:$0x3F9A];
	s0 =	simm.s32 @p0 $0x1  }
0x13: {  	[smem:$0x3FB5] =	sst s0;
	s0 =	simm.s32 @!p1 $0x0  }
0x14: {  	s2 =	sld [smem:$0x3F99];
	s0 =	simm.s32 @p1 $0x1  }
0x15: {  	[smem:$0x3FB6] =	sst s0;
	s0 =	simm.s32 @!p2 $0x0  }
0x16: {  	s3 =	sld [smem:$0x3FDB];
	s0 =	simm.s32 @p2 $0x1  }
0x17: {  	s4 =	simm.s32 $0x1BF5;
	[smem:$0x3FB8] =	sst s0  }
0x18: {  	s0 =	sld [smem:$0x3F9B];
	_ =	swait.ge [sflag:s4], $0x0  }
0x19: {  	s7 =	sld [smem:$0x3F9C]  }
0x1a: {  	s8 =	sadd.s32 $0xFFFFE003, lr  }
0x1b: {  	s9 =	sadd.s32 $0xFFFFFEF7, lr;
	s5 =	simm.s32 $0xFFFFFFFF;
	p2 =	slt.u32 s8, $0xFFFFF086  }
0x1c: {  	p1 =	slt.u32 s9, $0xF7A;
	s5 =	simm.s32 @!p2 $0x0  }
0x1d: {  	s5 =	simm.s32 @p1 $0x1;
	p0 =	seq.s32 s7, s2  }
0x1e: {  	s7 =	smul.u32 @!p0 $0xF7A, s2;
	p2 =	seq.s32 @!p0 s5, $0x0  }
0x1f: {  	s9 =	smul.u32 $0xF7A, s1;
	s8 =	simm.s32 @!p0 $0x1BF5;
	p2 =	por !p2, p0  }
0x20: {  	[sflag:s8] =	ssyncset.s32 @!p0 $0xFFFFF086;
	s6 =	sadd.s32 @!p0 s3, s7;
	s7 =	simm.s32 @!p0 $0x108  }
0x21: {  	s3 =	sadd.s32 s3, s9;
	s6 =	sadd.s32 @!p0 $0x88, s6;
	s7 =	simm.s32 @p2 $0x1082  }
0x22: {  	[simem:s7], [sflag:s8] =	dma.local @!p0 [hbm:s6], $0xF7A  }
0x23: {  	s9 =	sor.u32 $0xD0000000, s2;
	s6 =	simm.s32 $0x108;
	_ =	swait.ge @!p0 [sflag:s8], $0x0  }
0x24: {  	s3 =	sadd.s32 $0x88, s3;
	s6 =	simm.s32 @!p1 $0x1082;
	[sflag:s4] =	ssyncset.s32 $0xFFFFF086  }
0x25: {  	[simem:s6], [sflag:s4] =	dma.local [hbm:s3], $0xF7A  }
0x26: {  	[smem:$0x3F9C] =	sst s1;
	(tag) =	ssettag s2;
	_ =	strace s9  }
0x27: {  	s1 =	sld [smem:$0x3FAC]  }
0x28: {  	s2 =	sld [smem:$0x3FAD]  }
0x29: {  	s4 =	sld [smem:$0x3FAF]  }
0x2a: {  	p0 =	seq.s32 s5, $0x0;
	s5 =	sld [smem:$0x3FB0]  }
0x2b: {  	s6 =	sld [smem:$0x3FB1]  }
0x2c: {  	s7 =	sld [smem:$0x3FB2]  }
0x2d: {  	s3 =	simm.s32 $0x108;
	s8 =	sld [smem:$0x3FB3]  }
0x2e: {  	s3 =	simm.s32 @!p0 $0x1082;
	s9 =	sld [smem:$0x3FB4]  }
0x2f: {  	lr =	sadd.s32 s0, s3;
	s0 =	sld [smem:$0x3FAB]  }
0x30: {  	s3 =	sld [smem:$0x3FAE]  }
0x31: {  	[smem:$0x3FB7] =	sst s10  }
0x32: {  	s10 =	sld [smem:$0x3FB5];
	_ =	sdelay $0x3  }
0x33: {  	p0 =	seq.s32 s10, $0x1;
	s10 =	sld [smem:$0x3FB7];
	_ =	sdelay $0x3  }
0x34: {  	[smem:$0x3FB7] =	sst s10  }
0x35: {  	s10 =	sld [smem:$0x3FB6];
	_ =	sdelay $0x3  }
0x36: {  	p1 =	seq.s32 s10, $0x1;
	s10 =	sld [smem:$0x3FB7];
	_ =	sdelay $0x3  }
0x37: {  	[smem:$0x3FB7] =	sst s10  }
0x38: {  	s10 =	sld [smem:$0x3FB8]  }
0x39: {  	_ = 	snop;
	(pc) =	sbr.ind lr, $3  }
0x3a: {  	_ = 	snop  }
0x3b: {  	_ = 	snop  }
0x3c: {  	p2 =	seq.s32 s10, $0x1;
	s10 =	sld [smem:$0x3FB7]  }
0x3d: {  	_ =	shalt  }
0x3e: {  	_ =	shalt  }
0x3f: {  	_ =	shalt  }
0x40: {  	_ =	shalt  }
0x41: {  	_ =	shalt  }
0x42: {  	_ =	shalt  }
0x43: {  	_ =	shalt  }
0x44: {  	_ =	shalt  }
0x45: {  	_ =	shalt  }
0x46: {  	_ =	shalt  }
0x47: {  	_ =	shalt  }
0x48: {  	_ =	shalt  }
0x49: {  	_ =	shalt  }
0x4a: {  	_ =	shalt  }
0x4b: {  	_ =	shalt  }
0x4c: {  	_ =	shalt  }
0x4d: {  	_ =	shalt  }
0x4e: {  	_ =	shalt  }
0x4f: {  	_ =	shalt  }
0x50: {  	_ =	shalt  }
0x51: {  	_ =	shalt  }
0x52: {  	_ =	shalt  }
0x53: {  	_ =	shalt  }
0x54: {  	_ =	shalt  }
0x55: {  	_ =	shalt  }
0x56: {  	_ =	shalt  }
0x57: {  	_ =	shalt  }
0x58: {  	_ =	shalt  }
0x59: {  	_ =	shalt  }
0x5a: {  	_ =	shalt  }
0x5b: {  	_ =	shalt  }
0x5c: {  	_ =	shalt  }
0x5d: {  	_ =	shalt  }
0x5e: {  	_ =	shalt  }
0x5f: {  	_ =	shalt  }
0x60: {  	_ =	shalt  }
0x61: {  	_ =	shalt  }
0x62: {  	_ =	shalt  }
0x63: {  	_ =	shalt  }
0x64: {  	_ =	shalt  }
0x65: {  	_ =	shalt  }
0x66: {  	_ =	shalt  }
0x67: {  	_ =	shalt  }
0x68: {  	_ =	shalt  }
0x69: {  	_ =	shalt  }
0x6a: {  	_ =	shalt  }
0x6b: {  	_ =	shalt  }
0x6c: {  	_ =	shalt  }
0x6d: {  	_ =	shalt  }
0x6e: {  	_ =	shalt  }
0x6f: {  	_ =	shalt  }
0x70: {  	_ =	shalt  }
0x71: {  	_ =	shalt  }
0x72: {  	_ =	shalt  }
0x73: {  	_ =	shalt  }
0x74: {  	_ =	shalt  }
0x75: {  	_ =	shalt  }
0x76: {  	_ =	shalt  }
0x77: {  	_ =	shalt  }
0x78: {  	_ =	shalt  }
0x79: {  	_ =	shalt  }
0x7a: {  	_ =	shalt  }
0x7b: {  	_ =	shalt  }
0x7c: {  	_ =	shalt  }
0x7d: {  	_ =	shalt  }
0x7e: {  	_ =	shalt  }
0x7f: {  	_ =	shalt  }
0x80: {  	_ =	shalt  }
0x81: {  	_ =	shalt  }
0x82: {  	_ =	shalt  }
0x83: {  	_ =	shalt  }
0x84: {  	_ =	shalt  }
0x85: {  	_ =	shalt  }
0x86: {  	_ =	shalt  }
0x87: {  	_ =	shalt  }
.Lfunc_end0:
.L_simem_size_0:
called_computation_lowered:
.L_overlay_start_0:
0x88: {  	s2 =	sld [smem:$0x3FD9]  }
0x89: {  	s3 =	sld [smem:$0x3FFE];
	_ =	sdelay $0x1  }
0x8a: {  	s1 =	srdreg.scid  }
0x8b: {  	s0 =	sand.u32 $0x1, s1  }
0x8c: {  	s17 =	sshll.u32 s0, $0xA;
	s2 =	sadd.s32 s3, s2  }
0x8d: {  	s2 =	sadd.s32 s2, s17  }
0x8e: {  	[smem:$0x3FC3] =	sst s2  }
0x8f: {  	_ = 	snop  }
0x90: {  	s2 =	sld [smem:$0x3FD0];
	(tm) =	ssettm $0x1  }
0x91: {  	s18 =	sld [smem:$0x3FFB];
	_ =	sdelay $0x3  }
0x92: {  	_ =	strace s18  }
0x93: {  	s3 =	sld [smem:$0x3FFC];
	_ =	sdelay $0x3  }
0x94: {  	_ =	strace s3  }
0x95: {  	s3 =	sld [smem:$0x3FFD];
	_ =	sdelay $0x3  }
0x96: {  	_ =	strace s3  }
0x97: {  	_ =	strace $0x8FFFFFFF  }
0x98: {  	s19 =	sld [smem:$0x3FDB];
	_ =	sdelay $0x1  }
0x99: {  	s4 =	simm.s32 $_scs_section_size  }
0x9a: {  	s5 =	simm.s32 $_size__tile_overlayer_lowered;
	s6 =	simm.s32 $_tile_overlayer_lowered  }
0x9b: {  	s22 =	simm.s32 $0x1BFF;
	s21 =	sshll.u32 s6, $0x1;
	s3 =	sadd.s32 s4, s19  }
0x9c: {  	s7 =	simm.s32 $0x0;
	s20 =	sshll.u32 s5, $0x1;
	s5 =	sadd.s32 s21, s3  }
0x9d: {  	[timem:s7], [sflag:s22] =	dma.local [hbm:s5], s20  }
0x9e: {  	_ =	swait.ge [sflag:s22], s20  }
0x9f: {  	s4 =	ssub.s32 $0x0, s20;
	[sflag:s22] =	ssyncset.done $0x0  }
0xa0: {  	[sflag:s22] =	ssyncadd.s32 s4;
	_ =	sdelay $0x1  }
0xa1: {  	s23 =	simm.s32 $0x1B8B  }
0xa2: {  	_ =	swait.ge [sflag:s23], $0x1  }
0xa3: {  	[sflag:s23] =	ssyncset.done $0x0  }
0xa4: {  	s25 =	simm.s32 $0x1B8E;
	s24 =	sld [smem:$0x3FFE];
	[sflag:s23] =	ssyncadd.s32 $0xFFFFFFFF  }
0xa5: {  	s26 =	simm.s32 $execute0_lowered;
	[smem:$0x3FD2] =	sst s25  }
0xa6: {  	s5 =	sshll.u32 s26, $0x1;
	_ =	strace $0x80000046;
	[dreg:$0x1] =	wrdreg $0xFFFFFFFF  }
0xa7: {  	s28 =	simm.s32 $_size_execute0_lowered;
	s3 =	sadd.s32 s3, s5;
	[dreg:$0x0] =	wrdreg $0x0  }
0xa8: {  	s5 =	sshll.u32 s28, $0x1;
	[dreg:$0x2] =	wrdreg s3  }
0xa9: {  	[dreg:$0x3] =	wrdreg s5  }
0xaa: {  	[dreg:$0x4] =	wrdreg $0xC0  }
0xab: {  	_ =	task [dreg:s7], $0x5FFFF  }
0xac: {  	[dreg:$0x1] =	wrdreg $0xFFFFFFFF  }
0xad: {  	[dreg:$0x0] =	wrdreg $0x60  }
0xae: {  	[dreg:$0x2] =	wrdreg s24  }
0xaf: {  	[dreg:$0x3] =	wrdreg s2  }
0xb0: {  	[dreg:$0x4] =	wrdreg $0x0  }
0xb1: {  	[dreg:$0x5] =	wrdreg $0x2780  }
0xb2: {  	[dreg:$0x6] =	wrdreg $0x9  }
0xb3: {  	_ =	task.clear_ibuf [dreg:s7], $0x7FFFF;
	_ =	strace $0x90000046  }
0xb4: {  	s29 =	simm.s32 $0x9;
	_ =	strace $0x80000048  }
0xb5: {  	_ =	swait.ge [sflag:s29], $0x1  }
0xb6: {  	[sflag:s29] =	ssyncadd.s32 $0xFFFFFFFF  }
0xb7: {  	_ =	strace $0x90000048  }
0xb8: {  	_ =	sfence  }
0xb9: {  	s30 =	sld [smem:$0x0];
	_ =	sdelay $0x2  }
0xba: {  	s31 =	sshll.u32 s1, $0xD;
	s1 =	sshrl.u32 s1, $0x2  }
0xbb: {  	s3 =	sand.u32 $0x4000, s31;
	s1 =	sadd.s32 s1, s30  }
0xbc: {  	s0 =	sor.u32 s3, s0;
	s1 =	sshll.u32 s1, $0x11  }
0xbd: {  	s0 =	sor.u32 s1, s0  }
0xbe: {  	s0 =	sadd.s32 $0x8F2B, s0  }
0xbf: {  	[sflag:s0] =	ssyncadd.remote.s32 $0x1  }
0xc0: {  	_ =	sfence.sel $0xFFFF  }
0xc1: {  	[dreg:$0x0] =	wrdreg $0xFFFFFFFF;
	(pc) =	sbr.abs _section_cstart, $3  }
0xc2: {  	[dreg:$0x1] =	wrdreg $0xFFFFFFFF  }
0xc3: {  	_ =	task.clear_ibuf [dreg:s7], $0x2FFFF;
	_ =	strace $0x9FFFFFFF  }
0xc4: {  	(tm) =	ssettm $0x7FFFFFFF  }
0xc5: {  	_ =	shalt  }
tec
execute0_lowered:
.L_overlay_start_1:
0x0: {  	(tag) =	ssettag $0x1  }
0x1: {  	s7 =	rddreg [dreg:$0x0]  }
0x2: {  	s9 =	rddreg [dreg:$0x1]  }
0x3: {  	s1 =	rddreg [dreg:$0x2]  }
0x4: {  	s2 =	rddreg [dreg:$0x3]  }
0x5: {  	s0 =	rddreg [dreg:$0x4]  }
0x6: {  	s5 =	srdreg.scid;
	s3 =	simm.s32 $0x0;
	s4 =	stileid.u32  }
0x7: {  	p1 =	por $0x0, $0x0;
	s14 =	simm.s32 $0x43B8;
	s15 =	simm.s32 $0x1  }
0x8: {  	s16 =	simm.s32 $0x3B8;
	s17 =	simm.s32 $0x50;
	s19 =	simm.s32 $0x0  }
0x9: {  	s8 =	sand.u32 $0x1, s5;
	[smem:$0x7FF] =	sst s3;
	s6 =	sshll.u32 s4, $0xB  }
0xa: {  	p0 =	seq.s32 s4, $0x1;
	s5 =	sshll.u32 s8, $0xF;
	_ =	strace $0x80000047  }
0xb: {  	s11 =	ssub.s32 $0x2, s8;
	s12 =	sshll.u32 s8, $0x4;
	p2 =	sne.s32 @!p0 s4, $0x0  }
0xc: {  	s5 =	sor.u32 s6, s5;
	s6 =	sadd.s32 $0x22A00, s7;
	s31 =	sshrl.u32 s11, $0x1  }
0xd: {  	s13 =	sadd.s32 s12, s7;
	s9 =	sadd.s32 s9, s12;
	s12 =	sshrl.u32 @p0 s2, $0x3  }
0xe: {  	p3 =	por p2, p0;
	p4 =	por !p2, p0;
	p2 =	sne.s32 s4, $0x0  }
0xf: {  	s10 =	sadd.s32 s5, s7;
	s5 =	sadd.s32 $0x22C00, s7;
	s11 =	ssub.s32 s11, s31  }
0x10: {  	s18 =	sshrl.u32 @!p2 s1, $0x3;
	s7 =	sadd.s32 $0x2A00, s10;
	s8 =	sadd.s32 $0x12A00, s10  }
0x11: {  	s10 =	sadd.s32 $0x23200, s13;
	s11 =	smax.u32 s11, $0x1;
	s13 =	sshrl.u32 @!p3 s1, $0x3  }
.LBB2_1:
0x12: {  	s20 =	simm.s32 @p0 $0x1C41  }
0x13: {  	[spmem:s12], [sflag:s20] =	dma.local @p0 [hbm:s5], $0x280  }
0x14: {  	s20 =	simm.s32 @p0 $0x1  }
0x15: {  	_ =	swait.ge @p0 [sflag:s20], $0x280  }
0x16: {  	[sflag:s20] =	ssyncset.done @p0 $0x0  }
0x17: {  	[sflag:s20] =	ssyncadd.s32 @p0 $0xFFFFFD80;
	s20 =	simm.s32 @!p3 $0x1C01  }
0x18: {  	[spmem:s13], [sflag:s20] =	dma.local @!p3 [hbm:s5], $0x4F0  }
0x19: {  	s20 =	simm.s32 @!p3 $0x1  }
0x1a: {  	_ =	swait.ge @!p3 [sflag:s20], $0x4F0  }
0x1b: {  	[sflag:s20] =	ssyncset.done @!p3 $0x0  }
0x1c: {  	[sflag:s20] =	ssyncadd.s32 @!p3 $0xFFFFFB10  }
0x1d: {  	[tilespmem:s14], [sflag:$0x1] =	stream.linear.gather [hbm4b:s6+s3], $0x80, $0x38;
	[tilespmem:$0x4438] =	vst v63  }
0x1e: {  	_ =	swait.ge [sflag:s15], $0x80  }
0x1f: {  	[sflag:s15] =	ssyncset.done $0x0  }
0x20: {  	[sflag:s15] =	ssyncadd.s32 $0xFFFFFF80  }
0x21: {  	[tilespmem:s16], [sflag:$0x1] =	stream.linear.gather [hbm4b:s7+s3], $0x3E80, $0x38;
	[tilespmem:$0x4438] =	vst v63  }
0x22: {  	_ =	swait.ge [sflag:s15], $0x3E80  }
0x23: {  	[sflag:s15] =	ssyncset.done $0x0  }
0x24: {  	p6 =	por @!p3 $0x0, $0x0;
	s31 =	simm.s32 $0x3B8;
	[sflag:s15] =	ssyncadd.s32 $0xFFFFC180  }
0x25: {  	p5 =	por @p0 $0x1, $0x1;
	p6 =	por @!p4 p1, p1;
	[bflag:$0x0] =	sbarrier.arrive $0xFFFF  }
0x26: {  	[spmem:s1] =	stream.indirect.scatter.add.f32 [tilespmem:s14], [sflag:$0x1], $0x1, s31, s17, $0xb8;
	[tilespmem:$0x4438] =	vst v63  }
0x27: {  	p5 =	por @!p0 p6, p6;
	s20 =	simm.s32 $0x200;
	_ =	swait.ge [sflag:s15], $0x50  }
.LBB2_2:
0x28: {  	s21 =	sshra.s32 s20, $0x2;
	[sflag:s15] =	ssyncset.done $0x0;
	p6 =	sne.s32 s20, $0xF800  }
.Ltmp0:
0x29: {  	s21 =	sadd.s32 $0x3B8, s21;
	[sflag:s15] =	ssyncadd.s32 $0xFFFFFFB0;
	(pc) =	sbr.rel @p6 .LBB2_2-.Ltmp0, $3  }
0x2a: {  	[spmem:s1] =	stream.indirect.scatter.add.f32 [tilespmem:s14], [sflag:$0x1], $0x1, s21, s17, $0xb8;
	[tilespmem:$0x4438] =	vst v63  }
0x2b: {  	s20 =	sadd.s32 $0x200, s20;
	_ =	sdelay $0x1  }
0x2c: {  	_ =	swait.ge [sflag:s15], $0x50  }
0x2d: {  	[sflag:s15] =	ssyncset.done $0x0  }
0x2e: {  	s20 =	simm.s32 $0x0;
	[sflag:s15] =	ssyncadd.s32 $0xFFFFFFB0  }
0x2f: {  	[tilespmem:s16], [sflag:$0x1] =	stream.linear.gather [hbm4b:s8+s20], $0x3E80, $0x38;
	[tilespmem:$0x4438] =	vst v63  }
0x30: {  	_ =	swait.ge [sflag:s15], $0x3E80  }
0x31: {  	[sflag:s15] =	ssyncset.done $0x0  }
0x32: {  	s31 =	simm.s32 $0x3B8;
	[sflag:s15] =	ssyncadd.s32 $0xFFFFC180  }
0x33: {  	[spmem:s2] =	stream.indirect.scatter.add.f32 [tilespmem:s14], [sflag:$0x1], $0x1, s31, s17, $0xb8;
	[tilespmem:$0x4438] =	vst v63  }
0x34: {  	s20 =	simm.s32 $0x200;
	_ =	swait.ge [sflag:s15], $0x50  }
.LBB2_4:
0x35: {  	s21 =	sshra.s32 s20, $0x2;
	[sflag:s15] =	ssyncset.done $0x0;
	p6 =	sne.s32 s20, $0xF800  }
.Ltmp1:
0x36: {  	s21 =	sadd.s32 $0x3B8, s21;
	[sflag:s15] =	ssyncadd.s32 $0xFFFFFFB0;
	(pc) =	sbr.rel @p6 .LBB2_4-.Ltmp1, $3  }
0x37: {  	[spmem:s2] =	stream.indirect.scatter.add.f32 [tilespmem:s14], [sflag:$0x1], $0x1, s21, s17, $0xb8;
	[tilespmem:$0x4438] =	vst v63  }
0x38: {  	s20 =	sadd.s32 $0x200, s20;
	_ =	sdelay $0x1  }
0x39: {  	_ =	swait.ge [sflag:s15], $0x50  }
0x3a: {  	[sflag:s15] =	ssyncset.done $0x0  }
0x3b: {  	s20 =	simm.s32 @!p2 $0x1;
	s21 =	simm.s32 @!p2 $0x20;
	[sflag:s15] =	ssyncadd.s32 $0xFFFFFFB0  }
0x3c: {  	s22 =	simm.s32 @!p2 $0x10;
	s23 =	simm.s32 @!p2 $0x1C01;
	[bflag:$0x0] =	sbarrier.arrive $0xFFFF  }
0x3d: {  	[hbm:s9@s21], [sflag:s23] =	dma.strided @!p2 [spmem:s18@s22], $0x4F0, s20, $0x10   }
0x3e: {  	s24 =	simm.s32 @p5 $0x10;
	s19 =	sadd.s32 $0x1, s19;
	_ =	swait.ge @!p2 [sflag:s20], $0x4F0  }
0x3f: {  	p6 =	sne.s32 s19, s11;
	s21 =	sshll.u32 @p5 s4, $0x6;
	[sflag:s20] =	ssyncset.done @!p2 $0x0  }
0x40: {  	s22 =	simm.s32 @p5 $0x1;
	s23 =	simm.s32 @p5 $0x20;
	[sflag:s20] =	ssyncadd.s32 @!p2 $0xFFFFFB10  }
.Ltmp2:
0x41: {  	s20 =	sor.u32 @p5 $0x1C01, s21;
	s21 =	sshrl.u32 @p5 s2, $0x3;
	(pc) =	sbr.rel @p6 .LBB2_1-.Ltmp2, $4  }
0x42: {  	[hbm:s10@s23], [sflag:s20] =	dma.strided @p5 [spmem:s21@s24], $0x280, s22, $0x10   }
0x43: {  	_ =	swait.ge @p5 [sflag:s22], $0x280  }
0x44: {  	[sflag:s22] =	ssyncset.done @p5 $0x0  }
0x45: {  	[sflag:s22] =	ssyncadd.s32 @p5 $0xFFFFFD80  }
0x46: {  	_ =	sfence.sel $0x180000  }
0x47: {  	[bflag:$0x0] =	sbarrier.arrive $0xFFFF  }
0x48: {  	_ =	strace $0x90000047  }
0x49: {  	s0 =	sadd.s32 @!p2 $0x100000, s0;
	[bflag:$0x2] =	sbarrier.arrive $0xFFFF  }
0x4a: {  	[sflag:s0] =	ssyncadd.tile.s32 @!p2 $0x1;
	_ =	shalt  }
.Lfunc_end2:
_tile_overlayer_lowered:
.L_overlay_start_2:
0x4b: {  	(tag) =	ssettag $0x2  }
0x4c: {  	s0 =	rddreg [dreg:$0x0];
	s2 =	stileid.u32  }
0x4d: {  	s1 =	rddreg [dreg:$0x1];
	p0 =	sne.s32 s2, $0x0  }
0x4e: {  	s3 =	rddreg [dreg:$0x2];
	[bflag:$0x3] =	sbarrier.arrive $0xFFFF;
	s2 =	simm.s32 @!p0 $0x1C01  }
0x4f: {  	[timem:s3], [sflag:s2] =	dma.local @!p0 [hbm:s0], s1  }
0x50: {  	s0 =	simm.s32 @!p0 $0x1  }
0x51: {  	_ =	swait.ge @!p0 [sflag:s0], s1  }
0x52: {  	s1 =	ssub.s32 @!p0 $0x0, s1;
	[sflag:s0] =	ssyncset.done @!p0 $0x0  }
0x53: {  	[sflag:s0] =	ssyncadd.s32 @!p0 s1  }
0x54: {  	[bflag:$0x3] =	sbarrier.arrive $0xFFFF  }
0x55: {  	_ =	shalt  }

</sc_bundles>
